<compile_context>
chip_gen: v7x
topology: tpu7x:2x2x1
jax: 0.10.2.dev20260603
libtpu: 0.0.44.dev20260713+nightly
codegen_flags: <defaults>
</compile_context>

<pallas_src>
import functools

import jax
import jax.numpy as jnp
from jax import lax
from jax.experimental import pallas as pl
from jax.experimental.pallas import tpu as pltpu
from jax.experimental.pallas import tpu_sc as plsc

N = 10000
E = 320000
D = 128
DE = 16
NCLS = 2

NC = 2
NS = 16
NW = NC * NS
CH = 128
NCHUNK = 79
EPW = NCHUNK * CH
E_PAD = NW * EPW
NCKA = 157
NCKB = 1
R = 10112
RPT = R // NS

_mesh = plsc.VectorSubcoreMesh(core_axis_name="c", subcore_axis_name="s")



@functools.partial(
    pl.kernel, mesh=_mesh,
    out_type=jax.ShapeDtypeStruct((NC, R, D), jnp.float32),
    scratch_types=[
        pltpu.VMEM((2, 2, CH), jnp.int32),
        pltpu.VMEM((2, CH, D), jnp.float32),
        pltpu.VMEM_SHARED((R, D), jnp.float32),
        pltpu.SemaphoreType.DMA,
        pltpu.SemaphoreType.DMA,
    ],
)
def _sc_stats(idx_hbm, aug_hbm, zh_hbm, out_st, idxv, rowsv, acc, sem0, sem1):
    c = lax.axis_index("c")
    s = lax.axis_index("s")
    w = c * NS + s
    r0 = s * RPT
    pltpu.sync_copy(zh_hbm.at[pl.ds(r0, RPT)], acc.at[pl.ds(r0, RPT)])
    plsc.subcore_barrier()

    ebase = w * EPW
    sems = (sem0, sem1)
    pltpu.sync_copy(idx_hbm.at[w, 0], idxv.at[0])
    pltpu.async_copy(aug_hbm.at[pl.ds(ebase, CH)], rowsv.at[0], sem0)

    def body(k, carry):
        for b in range(2):
            nb = 1 - b
            j = k * 2 + b
            pltpu.async_copy(aug_hbm.at[pl.ds(ebase + (j + 1) * CH, CH)],
                             rowsv.at[nb], sems[nb])
            pltpu.sync_copy(idx_hbm.at[w, j + 1], idxv.at[nb])
            pltpu.make_async_copy(
                aug_hbm.at[pl.ds(ebase, CH)], rowsv.at[b], sems[b]).wait()
            pltpu.sync_copy(rowsv.at[b], acc.at[idxv.at[b, 1]], add=True)
        return carry

    lax.fori_loop(0, (NCHUNK - 1) // 2, body, 0)
    pltpu.make_async_copy(aug_hbm.at[pl.ds(ebase, CH)], rowsv.at[0],
                          sem0).wait()
    pltpu.sync_copy(rowsv.at[0], acc.at[idxv.at[0, 1]], add=True)
    plsc.subcore_barrier()
    pltpu.sync_copy(acc.at[pl.ds(r0, RPT)], out_st.at[c, pl.ds(r0, RPT)])


@functools.partial(
    pl.kernel, mesh=_mesh,
    out_type=jax.ShapeDtypeStruct((NC, R, D), jnp.float32),
    scratch_types=[
        pltpu.VMEM((2, 2, CH), jnp.int32),
        pltpu.VMEM((2, CH, D), jnp.float32),
        pltpu.VMEM_SHARED((R, D), jnp.float32),
        pltpu.SemaphoreType.DMA,
        pltpu.SemaphoreType.DMA,
    ],
)
def _sc_seg(idx_hbm, h_hbm, zh_hbm, out_h,
            idxv, rowsv, acc_h, sem0, sem1):
    c = lax.axis_index("c")
    s = lax.axis_index("s")
    w = c * NS + s
    r0 = s * RPT
    pltpu.sync_copy(zh_hbm.at[pl.ds(r0, RPT)], acc_h.at[pl.ds(r0, RPT)])
    plsc.subcore_barrier()

    sems = (sem0, sem1)

    def run(nck):
        pltpu.sync_copy(idx_hbm.at[w, 0], idxv.at[0])
        pltpu.async_copy(h_hbm.at[idxv.at[0, 0]], rowsv.at[0], sem0)

        def body(k, carry):
            for b in range(2):
                nb = 1 - b
                j = k * 2 + b
                pltpu.sync_copy(idx_hbm.at[w, j + 1], idxv.at[nb])
                pltpu.async_copy(h_hbm.at[idxv.at[nb, 0]], rowsv.at[nb],
                                 sems[nb])
                pltpu.make_async_copy(
                    h_hbm.at[idxv.at[b, 0]], rowsv.at[b], sems[b]).wait()
                pltpu.sync_copy(rowsv.at[b], acc_h.at[idxv.at[b, 1]],
                                add=True)
            return carry

        lax.fori_loop(0, (nck - 1) // 2, body, 0)
        pltpu.make_async_copy(h_hbm.at[idxv.at[0, 0]], rowsv.at[0],
                              sem0).wait()
        pltpu.sync_copy(rowsv.at[0], acc_h.at[idxv.at[0, 1]], add=True)

    @pl.when(c == 0)
    def _():
        run(NCKA)

    @pl.when(c == 1)
    def _():
        run(NCKB)

    plsc.subcore_barrier()
    pltpu.sync_copy(acc_h.at[pl.ds(r0, RPT)], out_h.at[c, pl.ds(r0, RPT)])


@functools.partial(
    pl.kernel, mesh=_mesh,
    out_type=jax.ShapeDtypeStruct((E_PAD * NCLS,), jnp.float32),
    scratch_types=[
        pltpu.VMEM((NCHUNK, CH), jnp.int32),
        pltpu.VMEM((NCHUNK, CH), jnp.int32),
        pltpu.VMEM((N * NCLS,), jnp.float32),
        pltpu.VMEM((N * NCLS,), jnp.float32),
        pltpu.VMEM((CH * NCLS,), jnp.float32),
    ],
    compiler_params=pltpu.CompilerParams(needs_layout_passes=False),
)
def _sc_head(i0_hbm, i1_hbm, p1_hbm, p2_hbm, out_hbm,
             i0v, i1v, p1v, p2v, outv):
    c = lax.axis_index("c")
    s = lax.axis_index("s")
    w = c * NS + s
    pltpu.sync_copy(i0_hbm.at[w], i0v)
    pltpu.sync_copy(i1_hbm.at[w], i1v)
    pltpu.sync_copy(p1_hbm, p1v)
    pltpu.sync_copy(p2_hbm, p2v)
    lane = lax.iota(jnp.int32, 16)

    def body(j, carry):
        for g in range(CH // 16):
            a = i0v[j, pl.ds(g * 16, 16)] * 2
            b = i1v[j, pl.ds(g * 16, 16)] * 2
            c0 = plsc.load_gather(p1v, [a]) + plsc.load_gather(p2v, [b])
            c1 = plsc.load_gather(p1v, [a + 1]) + plsc.load_gather(p2v, [b + 1])
            pos = lane * 2 + (g * 32)
            plsc.store_scatter(outv, [pos], c0)
            plsc.store_scatter(outv, [pos + 1], c1)
        pltpu.sync_copy(outv, out_hbm.at[pl.ds((w * EPW + j * CH) * NCLS,
                                               CH * NCLS)])
        return carry

    lax.fori_loop(0, NCHUNK, body, 0)



_GRID = 10
_BR = N // _GRID

_row_block = lambda d: pl.BlockSpec((_BR, d), lambda i: (i, 0))
_part_block = lambda d: pl.BlockSpec((NC, _BR, d), lambda i: (0, i, 0))
_full = lambda r, d: pl.BlockSpec((r, d), lambda i: (0, 0))


def _tc_pre_body(x_ref, w_ref, b_ref, o_ref):
    o_ref[...] = jnp.maximum(
        jax.lax.dot(x_ref[...], w_ref[...],
                    preferred_element_type=jnp.float32) + b_ref[...], 0.0)


def _tc_pre(x, w, b):
    return pl.pallas_call(
        _tc_pre_body,
        grid=(_GRID,),
        in_specs=[_row_block(D), _full(D, D), _full(1, D)],
        out_specs=_row_block(D),
        out_shape=jax.ShapeDtypeStruct((N, D), jnp.float32),
    )(x, w, b)


def _combine(h, gh, st, wa, wb, wc, mb):
    g = gh[0] + gh[1]
    efa = st[0, :, :DE] + st[1, :, :DE]
    deg = st[0, :, DE:DE + 1] + st[1, :, DE:DE + 1]
    mm = jax.lax.dot(h, wa, preferred_element_type=jnp.float32) + mb
    return (deg * mm
            + jax.lax.dot(g, wb, preferred_element_type=jnp.float32)
            + jax.lax.dot(efa, wc, preferred_element_type=jnp.float32))


def _tc_mid_body(h_ref, gh_ref, st_ref, wa_ref, wb_ref, wc_ref,
                 mb_ref, w2_ref, b2_ref, o_ref):
    x1 = jnp.maximum(
        _combine(h_ref[...], gh_ref[...], st_ref[...],
                 wa_ref[...], wb_ref[...], wc_ref[...], mb_ref[...]), 0.0)
    o_ref[...] = jnp.maximum(
        jax.lax.dot(x1, w2_ref[...], preferred_element_type=jnp.float32)
        + b2_ref[...], 0.0)


def _tc_mid(h, gh, st, wa, wb, wc, mb, w2, b2):
    return pl.pallas_call(
        _tc_mid_body,
        grid=(_GRID,),
        in_specs=[_row_block(D), _part_block(D), _part_block(D),
                  _full(D, D), _full(D, D), _full(DE, D),
                  _full(1, D), _full(D, D), _full(1, D)],
        out_specs=_row_block(D),
        out_shape=jax.ShapeDtypeStruct((N, D), jnp.float32),
    )(h, gh, st, wa, wb, wc, mb, w2, b2)


def _tc_fin_body(h_ref, gh_ref, st_ref, wa_ref, wb_ref, wc_ref,
                 mb_ref, la_ref, lb_ref, lbias_ref, p1_ref, p2_ref):
    x2 = _combine(h_ref[...], gh_ref[...], st_ref[...],
                  wa_ref[...], wb_ref[...], wc_ref[...], mb_ref[...])
    p1_ref[...] = (jax.lax.dot(x2, la_ref[...],
                               preferred_element_type=jnp.float32)
                   + lbias_ref[...])
    p2_ref[...] = jax.lax.dot(x2, lb_ref[...],
                              preferred_element_type=jnp.float32)


def _tc_fin(h, gh, st, wa, wb, wc, mb, la, lb, lbias):
    return pl.pallas_call(
        _tc_fin_body,
        grid=(_GRID,),
        in_specs=[_row_block(D), _part_block(D), _part_block(D),
                  _full(D, D), _full(D, D), _full(DE, D),
                  _full(1, D), _full(D, NCLS), _full(D, NCLS),
                  _full(1, NCLS)],
        out_specs=[_row_block(NCLS), _row_block(NCLS)],
        out_shape=[jax.ShapeDtypeStruct((N, NCLS), jnp.float32),
                   jax.ShapeDtypeStruct((N, NCLS), jnp.float32)],
    )(h, gh, st, wa, wb, wc, mb, la, lb, lbias)



def _pad_idx(x, fill):
    pad = E_PAD - E
    return jnp.concatenate(
        [x.astype(jnp.int32), jnp.full((pad,), fill, jnp.int32)]
    ).reshape(NW, NCHUNK, CH)


def _asym_idx(flat):
    m = max(NCKA, NCKB)
    split = NS * NCKA * CH
    a = flat[:split].reshape(NS, NCKA, CH)
    b = flat[split:].reshape(NS, NCKB, CH)
    pad = lambda x, n: jnp.concatenate(
        [x, jnp.zeros((NS, n, CH), jnp.int32)], axis=1) if n else x
    return jnp.concatenate([pad(a, m - NCKA), pad(b, m - NCKB)], axis=0)


def kernel(node_feature, edge_index, edge_feature, edge_label_index,
           pre_W1, pre_b1, msg_W1, msg_b1,
           pre_W2, pre_b2, msg_W2, msg_b2,
           lp_W, lp_b):
    dummy = N + (jnp.arange(E_PAD - E, dtype=jnp.int32) % (R - N))
    src_f = jnp.concatenate(
        [edge_index[0].astype(jnp.int32),
         jnp.zeros((E_PAD - E,), jnp.int32)])
    dst_f = jnp.concatenate([edge_index[1].astype(jnp.int32), dummy])
    idx_p = jnp.stack([src_f.reshape(NW, NCHUNK, CH),
                       dst_f.reshape(NW, NCHUNK, CH)],
                      axis=2)
    idx_q = jnp.stack([_asym_idx(src_f), _asym_idx(dst_f)],
                      axis=2)
    i0_p = _pad_idx(edge_label_index[0], 0)
    i1_p = _pad_idx(edge_label_index[1], 0)
    aug = jnp.concatenate(
        [edge_feature, jnp.ones((E, 1), jnp.float32),
         jnp.zeros((E, D - DE - 1), jnp.float32)], axis=1)
    aug_p = jnp.concatenate([aug, jnp.zeros((E_PAD - E, D), jnp.float32)])
    zeros_h = jnp.zeros((R, D), jnp.float32)

    wa1, wb1, wc1 = msg_W1[:D], msg_W1[D:2 * D], msg_W1[2 * D:]
    wa2, wb2, wc2 = msg_W2[:D], msg_W2[D:2 * D], msg_W2[2 * D:]

    st = _sc_stats(idx_p, aug_p, zeros_h)
    h1 = _tc_pre(node_feature, pre_W1, pre_b1.reshape(1, D))
    gh1 = _sc_seg(idx_q, h1, zeros_h)
    h2 = _tc_mid(h1, gh1[:, :N], st[:, :N],
                 wa1, wb1, wc1, msg_b1.reshape(1, D),
                 pre_W2, pre_b2.reshape(1, D))
    gh2 = _sc_seg(idx_q, h2, zeros_h)
    p1, p2 = _tc_fin(h2, gh2[:, :N], st[:, :N],
                     wa2, wb2, wc2, msg_b2.reshape(1, D),
                     lp_W[:D], lp_W[D:], lp_b.reshape(1, NCLS))
    pred_flat = _sc_head(i0_p, i1_p, p1.reshape(-1), p2.reshape(-1))
    return pred_flat[:E * NCLS].reshape(E, NCLS)

# --- scband reference (transcript-rebuilt; emitter-appended) ---
"""Pipeline reference for scband-net-25950192402497 (READ-ONLY COPY).

The authoritative reference and input builder live on the scoring server;
editing this copy changes nothing except your own understanding.
"""

import jax, jax.numpy as jnp
import numpy as np

N_NODES = 10000
N_EDGES = 320000
D_FEAT = 128
D_EDGE = 16
HIDDEN = 128
NUM_CLASSES = 2


def setup_inputs(seed: int = 0) -> dict:
    key = jax.random.key(seed)
    ks = jax.random.split(key, 16)
    node_feature = jax.random.normal(ks[0], (N_NODES, D_FEAT), dtype=jnp.float32)
    edge_index = jax.random.randint(ks[1], (2, N_EDGES), 0, N_NODES, dtype=jnp.int64)
    edge_feature = jax.random.normal(ks[2], (N_EDGES, D_EDGE), dtype=jnp.float32)
    edge_label_index = jax.random.randint(ks[3], (2, N_EDGES), 0, N_NODES, dtype=jnp.int64)
    s = 0.05
    pre_W1 = jax.random.normal(ks[4], (D_FEAT, D_FEAT), dtype=jnp.float32) * s
    pre_b1 = jnp.zeros((D_FEAT,), dtype=jnp.float32)
    msg_W1 = jax.random.normal(ks[5], (D_FEAT * 2 + D_EDGE, HIDDEN), dtype=jnp.float32) * s
    msg_b1 = jnp.zeros((HIDDEN,), dtype=jnp.float32)
    pre_W2 = jax.random.normal(ks[6], (HIDDEN, HIDDEN), dtype=jnp.float32) * s
    pre_b2 = jnp.zeros((HIDDEN,), dtype=jnp.float32)
    msg_W2 = jax.random.normal(ks[7], (HIDDEN * 2 + D_EDGE, HIDDEN), dtype=jnp.float32) * s
    msg_b2 = jnp.zeros((HIDDEN,), dtype=jnp.float32)
    lp_W = jax.random.normal(ks[8], (HIDDEN * 2, NUM_CLASSES), dtype=jnp.float32) * s
    lp_b = jnp.zeros((NUM_CLASSES,), dtype=jnp.float32)
    return {
        'node_feature': node_feature,
        'edge_index': edge_index,
        'edge_feature': edge_feature,
        'edge_label_index': edge_label_index,
        'pre_W1': pre_W1, 'pre_b1': pre_b1, 'msg_W1': msg_W1, 'msg_b1': msg_b1,
        'pre_W2': pre_W2, 'pre_b2': pre_b2, 'msg_W2': msg_W2, 'msg_b2': msg_b2,
        'lp_W': lp_W, 'lp_b': lp_b,
    }


def _mlp_message_conv(x, edge_index, edge_feature, pre_W, pre_b, msg_W, msg_b):
    # pre_conv: Linear + ReLU
    h = jax.nn.relu(x @ pre_W + pre_b)
    src = edge_index[0]
    dst = edge_index[1]
    x_j = jnp.take(h, src, axis=0)  # source / neighbor
    x_i = jnp.take(h, dst, axis=0)  # target
    tmp = jnp.concatenate([x_i, x_j, edge_feature], axis=1)
    msg = tmp @ msg_W + msg_b
    out = jnp.zeros((x.shape[0], msg_W.shape[1]), dtype=msg.dtype).at[dst].add(msg)
    return out


def reference(node_feature, edge_index, edge_feature, edge_label_index,
              pre_W1, pre_b1, msg_W1, msg_b1,
              pre_W2, pre_b2, msg_W2, msg_b2,
              lp_W, lp_b):
    # eval mode: dropout is identity
    x = node_feature
    x = jax.nn.relu(_mlp_message_conv(x, edge_index, edge_feature, pre_W1, pre_b1, msg_W1, msg_b1))
    x = _mlp_message_conv(x, edge_index, edge_feature, pre_W2, pre_b2, msg_W2, msg_b2)
    nodes_first = jnp.take(x, edge_label_index[0], axis=0)
    nodes_second = jnp.take(x, edge_label_index[1], axis=0)
    pred = jnp.concatenate([nodes_first, nodes_second], axis=-1) @ lp_W + lp_b
    return pred

if __name__ == "__main__":
    import jax
    _d = setup_inputs()
    print(jax.jit(kernel)(*tuple(_d.values())))

</pallas_src>

<mosaic_0001>
#map = affine_map<(d0, d1) -> (0, 0, 0, 0)>
#map1 = affine_map<(d0, d1) -> (0, 0)>
#map2 = affine_map<(d0, d1) -> (0, 0, 0)>
module attributes {stable_mosaic.version = 14 : i64} {
  func.func @_sc_seg(%arg0: i32, %arg1: i32, %arg2: memref<32x157x2x128xi32, #tpu.memory_space<hbm>>, %arg3: memref<10000x128xf32, #tpu.memory_space<hbm>>, %arg4: memref<10112x128xf32, #tpu.memory_space<hbm>>, %arg5: memref<2x10112x128xf32, #tpu.memory_space<hbm>>, %arg6: memref<2x2x128xi32, #tpu.memory_space<vmem>>, %arg7: memref<2x128x128xf32, #tpu.memory_space<vmem>>, %arg8: memref<10112x128xf32, #tpu.memory_space<vmem_shared>>, %arg9: memref<!tpu.dma_semaphore, #tpu.memory_space<semaphore_mem>>, %arg10: memref<!tpu.dma_semaphore, #tpu.memory_space<semaphore_mem>>) attributes {dimension_semantics = [#tpu.dimension_semantics<core_parallel>, #tpu.dimension_semantics<subcore_parallel>], iteration_bounds = array<i64: 2, 16>, scalar_prefetch = 0 : i64, scratch_operands = 5 : i64, tpu.core_type = #tpu.core_type<sc_vector_subcore>, window_params = [{transform_indices = #map}, {transform_indices = #map1}, {transform_indices = #map1}, {transform_indices = #map2}]} {
    %mul3A = arith.constant 16 : i32
    %mul3A_0 = arith.muli %arg0, %mul3A : i32
    %add3A = arith.addi %mul3A_0, %arg1 : i32
    %mul3A_1 = arith.constant 632 : i32
    %mul3A_2 = arith.muli %arg1, %mul3A_1 : i32
    "tpu.region"() ({
      %run_scoped3A = tpu.sem_alloc : memref<!tpu.dma_semaphore, #tpu.memory_space<semaphore_mem>>
      %dma_start3A = arith.constant 0 : i32
      %dma_start3A_11 = tpu.memref_slice %arg8[%mul3A_2, %dma_start3A] : memref<10112x128xf32, #tpu.memory_space<vmem_shared>> -> memref<632x128xf32, #tpu.memory_space<vmem_shared>>
      %dma_start3A_12 = arith.constant 0 : i32
      %dma_start3A_13 = tpu.memref_slice %arg4[%mul3A_2, %dma_start3A_12] : memref<10112x128xf32, #tpu.memory_space<hbm>> -> memref<632x128xf32, #tpu.memory_space<hbm>>
      tpu.enqueue_dma source(%dma_start3A_13 : memref<632x128xf32, #tpu.memory_space<hbm>>) target(%dma_start3A_11 : memref<632x128xf32, #tpu.memory_space<vmem_shared>>) target_semaphore(%run_scoped3A : memref<!tpu.dma_semaphore, #tpu.memory_space<semaphore_mem>>)
      %dma_wait3A = arith.constant 0 : i32
      %dma_wait3A_14 = tpu.memref_slice %arg8[%mul3A_2, %dma_wait3A] : memref<10112x128xf32, #tpu.memory_space<vmem_shared>> -> memref<632x128xf32, #tpu.memory_space<vmem_shared>>
      %dma_wait3A_15 = arith.constant 0 : i32
      %dma_wait3A_16 = tpu.memref_slice %arg4[%mul3A_2, %dma_wait3A_15] : memref<10112x128xf32, #tpu.memory_space<hbm>> -> memref<632x128xf32, #tpu.memory_space<hbm>>
      tpu.wait_dma2 semaphore(%run_scoped3A : memref<!tpu.dma_semaphore, #tpu.memory_space<semaphore_mem>>) src(%dma_wait3A_16 : memref<632x128xf32, #tpu.memory_space<hbm>>) dst(%dma_wait3A_14 : memref<632x128xf32, #tpu.memory_space<vmem_shared>>)
      tpu.yield
    }) : () -> ()
    %barrier3A = arith.constant 0 : index
    tpu.barrier barrier_id(%barrier3A)
    %eq3A = arith.constant 0 : i32
    %eq3A_3 = arith.cmpi eq, %arg0, %eq3A : i32
    %convert_element_type3A = arith.extui %eq3A_3 : i1 to i32
    %cond3A = arith.constant 0 : i32
    %cond3A_4 = arith.cmpi ne, %convert_element_type3A, %cond3A : i32
    scf.if %cond3A_4 {
      %run_scoped3A = arith.constant 0 : i32
      %run_scoped3A_11 = arith.constant 0 : i32
      "tpu.region"() ({
        %run_scoped3A_44 = tpu.sem_alloc : memref<!tpu.dma_semaphore, #tpu.memory_space<semaphore_mem>>
        %dma_start3A_45 = arith.constant 0 : i32
        %dma_start3A_46 = arith.constant 0 : i32
        %dma_start3A_47 = tpu.memref_slice %arg6[%run_scoped3A_11, %dma_start3A_45, %dma_start3A_46] : memref<2x2x128xi32, #tpu.memory_space<vmem>> -> memref<1x2x128xi32, #tpu.memory_space<vmem>>
        %dma_start3A_48 = tpu.memref_squeeze %dma_start3A_47 : memref<1x2x128xi32, #tpu.memory_space<vmem>> -> memref<2x128xi32, #tpu.memory_space<vmem>>
        %dma_start3A_49 = arith.constant 0 : i32
        %dma_start3A_50 = arith.constant 0 : i32
        %dma_start3A_51 = tpu.memref_slice %arg2[%add3A, %run_scoped3A, %dma_start3A_49, %dma_start3A_50] : memref<32x157x2x128xi32, #tpu.memory_space<hbm>> -> memref<1x1x2x128xi32, #tpu.memory_space<hbm>>
        %dma_start3A_52 = tpu.memref_squeeze %dma_start3A_51 : memref<1x1x2x128xi32, #tpu.memory_space<hbm>> -> memref<2x128xi32, #tpu.memory_space<hbm>>
        %dma_start3A_53 = arith.constant 0 : i32
        %dma_start3A_54 = arith.constant 0 : i32
        %dma_start3A_55 = tpu.memref_slice %arg6[%run_scoped3A_11, %dma_start3A_53, %dma_start3A_54] : memref<2x2x128xi32, #tpu.memory_space<vmem>> -> memref<1x2x128xi32, #tpu.memory_space<vmem>>
        %dma_start3A_56 = tpu.memref_squeeze %dma_start3A_55 : memref<1x2x128xi32, #tpu.memory_space<vmem>> -> memref<2x128xi32, #tpu.memory_space<vmem>>
        %dma_start3A_57 = arith.constant 0 : i32
        %dma_start3A_58 = arith.constant 0 : i32
        %dma_start3A_59 = tpu.memref_slice %arg2[%add3A, %run_scoped3A, %dma_start3A_57, %dma_start3A_58] : memref<32x157x2x128xi32, #tpu.memory_space<hbm>> -> memref<1x1x2x128xi32, #tpu.memory_space<hbm>>
        %dma_start3A_60 = tpu.memref_squeeze %dma_start3A_59 : memref<1x1x2x128xi32, #tpu.memory_space<hbm>> -> memref<2x128xi32, #tpu.memory_space<hbm>>
        tpu.enqueue_dma source(%dma_start3A_60 : memref<2x128xi32, #tpu.memory_space<hbm>>) target(%dma_start3A_56 : memref<2x128xi32, #tpu.memory_space<vmem>>) target_semaphore(%run_scoped3A_44 : memref<!tpu.dma_semaphore, #tpu.memory_space<semaphore_mem>>)
        %dma_wait3A_61 = arith.constant 0 : i32
        %dma_wait3A_62 = arith.constant 0 : i32
        %dma_wait3A_63 = tpu.memref_slice %arg6[%run_scoped3A_11, %dma_wait3A_61, %dma_wait3A_62] : memref<2x2x128xi32, #tpu.memory_space<vmem>> -> memref<1x2x128xi32, #tpu.memory_space<vmem>>
        %dma_wait3A_64 = tpu.memref_squeeze %dma_wait3A_63 : memref<1x2x128xi32, #tpu.memory_space<vmem>> -> memref<2x128xi32, #tpu.memory_space<vmem>>
        %dma_wait3A_65 = arith.constant 0 : i32
        %dma_wait3A_66 = arith.constant 0 : i32
        %dma_wait3A_67 = tpu.memref_slice %arg2[%add3A, %run_scoped3A, %dma_wait3A_65, %dma_wait3A_66] : memref<32x157x2x128xi32, #tpu.memory_space<hbm>> -> memref<1x1x2x128xi32, #tpu.memory_space<hbm>>
        %dma_wait3A_68 = tpu.memref_squeeze %dma_wait3A_67 : memref<1x1x2x128xi32, #tpu.memory_space<hbm>> -> memref<2x128xi32, #tpu.memory_space<hbm>>
        %dma_wait3A_69 = arith.constant 0 : i32
        %dma_wait3A_70 = arith.constant 0 : i32
        %dma_wait3A_71 = tpu.memref_slice %arg6[%run_scoped3A_11, %dma_wait3A_69, %dma_wait3A_70] : memref<2x2x128xi32, #tpu.memory_space<vmem>> -> memref<1x2x128xi32, #tpu.memory_space<vmem>>
        %dma_wait3A_72 = tpu.memref_squeeze %dma_wait3A_71 : memref<1x2x128xi32, #tpu.memory_space<vmem>> -> memref<2x128xi32, #tpu.memory_space<vmem>>
        %dma_wait3A_73 = arith.constant 0 : i32
        %dma_wait3A_74 = arith.constant 0 : i32
        %dma_wait3A_75 = tpu.memref_slice %arg2[%add3A, %run_scoped3A, %dma_wait3A_73, %dma_wait3A_74] : memref<32x157x2x128xi32, #tpu.memory_space<hbm>> -> memref<1x1x2x128xi32, #tpu.memory_space<hbm>>
        %dma_wait3A_76 = tpu.memref_squeeze %dma_wait3A_75 : memref<1x1x2x128xi32, #tpu.memory_space<hbm>> -> memref<2x128xi32, #tpu.memory_space<hbm>>
        tpu.wait_dma2 semaphore(%run_scoped3A_44 : memref<!tpu.dma_semaphore, #tpu.memory_space<semaphore_mem>>) src(%dma_wait3A_76 : memref<2x128xi32, #tpu.memory_space<hbm>>) dst(%dma_wait3A_72 : memref<2x128xi32, #tpu.memory_space<vmem>>)
        tpu.yield
      }) : () -> ()
      %dma_start3A = arith.constant 0 : i32
      %dma_start3A_12 = arith.constant 0 : i32
      %dma_start3A_13 = arith.constant 0 : i32
      %dma_start3A_14 = arith.constant 0 : i32
      %dma_start3A_15 = arith.constant 0 : i32
      %dma_start3A_16 = tpu.memref_slice %arg7[%dma_start3A_13, %dma_start3A_14, %dma_start3A_15] : memref<2x128x128xf32, #tpu.memory_space<vmem>> -> memref<1x128x128xf32, #tpu.memory_space<vmem>>
      %dma_start3A_17 = tpu.memref_squeeze %dma_start3A_16 : memref<1x128x128xf32, #tpu.memory_space<vmem>> -> memref<128x128xf32, #tpu.memory_space<vmem>>
      %dma_start3A_18 = arith.constant 0 : i32
      %dma_start3A_19 = tpu.memref_slice %arg6[%dma_start3A, %dma_start3A_12, %dma_start3A_18] : memref<2x2x128xi32, #tpu.memory_space<vmem>> -> memref<1x1x128xi32, #tpu.memory_space<vmem>>
      %dma_start3A_20 = tpu.memref_squeeze %dma_start3A_19 : memref<1x1x128xi32, #tpu.memory_space<vmem>> -> memref<128xi32, #tpu.memory_space<vmem>>
      %dma_start3A_21 = arith.constant 0 : i32
      %dma_start3A_22 = arith.constant 0 : i32
      %dma_start3A_23 = tpu.memref_slice %arg3[%dma_start3A_21, %dma_start3A_22] : memref<10000x128xf32, #tpu.memory_space<hbm>> -> memref<10000x128xf32, #tpu.memory_space<hbm>>
      tpu.enqueue_indirect_dma source(%dma_start3A_23 : memref<10000x128xf32, #tpu.memory_space<hbm>>) target(%dma_start3A_17 : memref<128x128xf32, #tpu.memory_space<vmem>>) offsets(%dma_start3A_20 : memref<128xi32, #tpu.memory_space<vmem>>) semaphore(%arg9 : memref<!tpu.dma_semaphore, #tpu.memory_space<semaphore_mem>>)
      %scan3A = arith.constant 0 : i32
      %scan3A_24 = arith.constant 0 : i32
      %scan3A_25 = arith.constant 78 : i32
      %scan3A_26 = arith.addi %scan3A_24, %scan3A_25 : i32
      %scan3A_27 = arith.constant 1 : i32
      scf.for %scan3A_44 = %scan3A_24 to %scan3A_26 step %scan3A_27  : i32 {
        %mul3A_45 = arith.constant 2 : i32
        %mul3A_46 = arith.muli %scan3A_44, %mul3A_45 : i32
        %add3A_47 = arith.constant 0 : i32
        %add3A_48 = arith.addi %mul3A_46, %add3A_47 : i32
        %add3A_49 = arith.constant 1 : i32
        %add3A_50 = arith.addi %add3A_48, %add3A_49 : i32
        %run_scoped3A_51 = arith.constant 1 : i32
        "tpu.region"() ({
          %run_scoped3A_117 = tpu.sem_alloc : memref<!tpu.dma_semaphore, #tpu.memory_space<semaphore_mem>>
          %dma_start3A_118 = arith.constant 0 : i32
          %dma_start3A_119 = arith.constant 0 : i32
          %dma_start3A_120 = tpu.memref_slice %arg6[%run_scoped3A_51, %dma_start3A_118, %dma_start3A_119] : memref<2x2x128xi32, #tpu.memory_space<vmem>> -> memref<1x2x128xi32, #tpu.memory_space<vmem>>
          %dma_start3A_121 = tpu.memref_squeeze %dma_start3A_120 : memref<1x2x128xi32, #tpu.memory_space<vmem>> -> memref<2x128xi32, #tpu.memory_space<vmem>>
          %dma_start3A_122 = arith.constant 0 : i32
          %dma_start3A_123 = arith.constant 0 : i32
          %dma_start3A_124 = tpu.memref_slice %arg2[%add3A, %add3A_50, %dma_start3A_122, %dma_start3A_123] : memref<32x157x2x128xi32, #tpu.memory_space<hbm>> -> memref<1x1x2x128xi32, #tpu.memory_space<hbm>>
          %dma_start3A_125 = tpu.memref_squeeze %dma_start3A_124 : memref<1x1x2x128xi32, #tpu.memory_space<hbm>> -> memref<2x128xi32, #tpu.memory_space<hbm>>
          %dma_start3A_126 = arith.constant 0 : i32
          %dma_start3A_127 = arith.constant 0 : i32
          %dma_start3A_128 = tpu.memref_slice %arg6[%run_scoped3A_51, %dma_start3A_126, %dma_start3A_127] : memref<2x2x128xi32, #tpu.memory_space<vmem>> -> memref<1x2x128xi32, #tpu.memory_space<vmem>>
          %dma_start3A_129 = tpu.memref_squeeze %dma_start3A_128 : memref<1x2x128xi32, #tpu.memory_space<vmem>> -> memref<2x128xi32, #tpu.memory_space<vmem>>
          %dma_start3A_130 = arith.constant 0 : i32
          %dma_start3A_131 = arith.constant 0 : i32
          %dma_start3A_132 = tpu.memref_slice %arg2[%add3A, %add3A_50, %dma_start3A_130, %dma_start3A_131] : memref<32x157x2x128xi32, #tpu.memory_space<hbm>> -> memref<1x1x2x128xi32, #tpu.memory_space<hbm>>
          %dma_start3A_133 = tpu.memref_squeeze %dma_start3A_132 : memref<1x1x2x128xi32, #tpu.memory_space<hbm>> -> memref<2x128xi32, #tpu.memory_space<hbm>>
          tpu.enqueue_dma source(%dma_start3A_133 : memref<2x128xi32, #tpu.memory_space<hbm>>) target(%dma_start3A_129 : memref<2x128xi32, #tpu.memory_space<vmem>>) target_semaphore(%run_scoped3A_117 : memref<!tpu.dma_semaphore, #tpu.memory_space<semaphore_mem>>)
          %dma_wait3A_134 = arith.constant 0 : i32
          %dma_wait3A_135 = arith.constant 0 : i32
          %dma_wait3A_136 = tpu.memref_slice %arg6[%run_scoped3A_51, %dma_wait3A_134, %dma_wait3A_135] : memref<2x2x128xi32, #tpu.memory_space<vmem>> -> memref<1x2x128xi32, #tpu.memory_space<vmem>>
          %dma_wait3A_137 = tpu.memref_squeeze %dma_wait3A_136 : memref<1x2x128xi32, #tpu.memory_space<vmem>> -> memref<2x128xi32, #tpu.memory_space<vmem>>
          %dma_wait3A_138 = arith.constant 0 : i32
          %dma_wait3A_139 = arith.constant 0 : i32
          %dma_wait3A_140 = tpu.memref_slice %arg2[%add3A, %add3A_50, %dma_wait3A_138, %dma_wait3A_139] : memref<32x157x2x128xi32, #tpu.memory_space<hbm>> -> memref<1x1x2x128xi32, #tpu.memory_space<hbm>>
          %dma_wait3A_141 = tpu.memref_squeeze %dma_wait3A_140 : memref<1x1x2x128xi32, #tpu.memory_space<hbm>> -> memref<2x128xi32, #tpu.memory_space<hbm>>
          %dma_wait3A_142 = arith.constant 0 : i32
          %dma_wait3A_143 = arith.constant 0 : i32
          %dma_wait3A_144 = tpu.memref_slice %arg6[%run_scoped3A_51, %dma_wait3A_142, %dma_wait3A_143] : memref<2x2x128xi32, #tpu.memory_space<vmem>> -> memref<1x2x128xi32, #tpu.memory_space<vmem>>
          %dma_wait3A_145 = tpu.memref_squeeze %dma_wait3A_144 : memref<1x2x128xi32, #tpu.memory_space<vmem>> -> memref<2x128xi32, #tpu.memory_space<vmem>>
          %dma_wait3A_146 = arith.constant 0 : i32
          %dma_wait3A_147 = arith.constant 0 : i32
          %dma_wait3A_148 = tpu.memref_slice %arg2[%add3A, %add3A_50, %dma_wait3A_146, %dma_wait3A_147] : memref<32x157x2x128xi32, #tpu.memory_space<hbm>> -> memref<1x1x2x128xi32, #tpu.memory_space<hbm>>
          %dma_wait3A_149 = tpu.memref_squeeze %dma_wait3A_148 : memref<1x1x2x128xi32, #tpu.memory_space<hbm>> -> memref<2x128xi32, #tpu.memory_space<hbm>>
          tpu.wait_dma2 semaphore(%run_scoped3A_117 : memref<!tpu.dma_semaphore, #tpu.memory_space<semaphore_mem>>) src(%dma_wait3A_149 : memref<2x128xi32, #tpu.memory_space<hbm>>) dst(%dma_wait3A_145 : memref<2x128xi32, #tpu.memory_space<vmem>>)
          tpu.yield
        }) : () -> ()
        %dma_start3A_52 = arith.constant 1 : i32
        %dma_start3A_53 = arith.constant 0 : i32
        %dma_start3A_54 = arith.constant 1 : i32
        %dma_start3A_55 = arith.constant 0 : i32
        %dma_start3A_56 = arith.constant 0 : i32
        %dma_start3A_57 = tpu.memref_slice %arg7[%dma_start3A_54, %dma_start3A_55, %dma_start3A_56] : memref<2x128x128xf32, #tpu.memory_space<vmem>> -> memref<1x128x128xf32, #tpu.memory_space<vmem>>
        %dma_start3A_58 = tpu.memref_squeeze %dma_start3A_57 : memref<1x128x128xf32, #tpu.memory_space<vmem>> -> memref<128x128xf32, #tpu.memory_space<vmem>>
        %dma_start3A_59 = arith.constant 0 : i32
        %dma_start3A_60 = tpu.memref_slice %arg6[%dma_start3A_52, %dma_start3A_53, %dma_start3A_59] : memref<2x2x128xi32, #tpu.memory_space<vmem>> -> memref<1x1x128xi32, #tpu.memory_space<vmem>>
        %dma_start3A_61 = tpu.memref_squeeze %dma_start3A_60 : memref<1x1x128xi32, #tpu.memory_space<vmem>> -> memref<128xi32, #tpu.memory_space<vmem>>
        %dma_start3A_62 = arith.constant 0 : i32
        %dma_start3A_63 = arith.constant 0 : i32
        %dma_start3A_64 = tpu.memref_slice %arg3[%dma_start3A_62, %dma_start3A_63] : memref<10000x128xf32, #tpu.memory_space<hbm>> -> memref<10000x128xf32, #tpu.memory_space<hbm>>
        tpu.enqueue_indirect_dma source(%dma_start3A_64 : memref<10000x128xf32, #tpu.memory_space<hbm>>) target(%dma_start3A_58 : memref<128x128xf32, #tpu.memory_space<vmem>>) offsets(%dma_start3A_61 : memref<128xi32, #tpu.memory_space<vmem>>) semaphore(%arg10 : memref<!tpu.dma_semaphore, #tpu.memory_space<semaphore_mem>>)
        %dma_wait3A_65 = arith.constant 0 : i32
        %dma_wait3A_66 = arith.constant 0 : i32
        %dma_wait3A_67 = arith.constant 0 : i32
        %dma_wait3A_68 = arith.constant 0 : i32
        %dma_wait3A_69 = arith.constant 0 : i32
        %dma_wait3A_70 = tpu.memref_slice %arg7[%dma_wait3A_67, %dma_wait3A_68, %dma_wait3A_69] : memref<2x128x128xf32, #tpu.memory_space<vmem>> -> memref<1x128x128xf32, #tpu.memory_space<vmem>>
        %dma_wait3A_71 = tpu.memref_squeeze %dma_wait3A_70 : memref<1x128x128xf32, #tpu.memory_space<vmem>> -> memref<128x128xf32, #tpu.memory_space<vmem>>
        %dma_wait3A_72 = arith.constant 0 : i32
        %dma_wait3A_73 = tpu.memref_slice %arg6[%dma_wait3A_65, %dma_wait3A_66, %dma_wait3A_72] : memref<2x2x128xi32, #tpu.memory_space<vmem>> -> memref<1x1x128xi32, #tpu.memory_space<vmem>>
        %dma_wait3A_74 = tpu.memref_squeeze %dma_wait3A_73 : memref<1x1x128xi32, #tpu.memory_space<vmem>> -> memref<128xi32, #tpu.memory_space<vmem>>
        %dma_wait3A_75 = arith.constant 0 : i32
        %dma_wait3A_76 = arith.constant 0 : i32
        %dma_wait3A_77 = tpu.memref_slice %arg3[%dma_wait3A_75, %dma_wait3A_76] : memref<10000x128xf32, #tpu.memory_space<hbm>> -> memref<10000x128xf32, #tpu.memory_space<hbm>>
        tpu.wait_indirect_dma semaphore(%arg9 : memref<!tpu.dma_semaphore, #tpu.memory_space<semaphore_mem>>) src(%dma_wait3A_77 : memref<10000x128xf32, #tpu.memory_space<hbm>>) dst(%dma_wait3A_71 : memref<128x128xf32, #tpu.memory_space<vmem>>)
        %run_scoped3A_78 = arith.constant 0 : i32
        %run_scoped3A_79 = arith.constant 0 : i32
        %run_scoped3A_80 = arith.constant 1 : i32
        "tpu.region"() ({
          %run_scoped3A_117 = tpu.sem_alloc : memref<!tpu.dma_semaphore, #tpu.memory_space<semaphore_mem>>
          %dma_start3A_118 = arith.constant 0 : i32
          %dma_start3A_119 = arith.constant 0 : i32
          %dma_start3A_120 = tpu.memref_slice %arg7[%run_scoped3A_78, %dma_start3A_118, %dma_start3A_119] : memref<2x128x128xf32, #tpu.memory_space<vmem>> -> memref<1x128x128xf32, #tpu.memory_space<vmem>>
          %dma_start3A_121 = tpu.memref_squeeze %dma_start3A_120 : memref<1x128x128xf32, #tpu.memory_space<vmem>> -> memref<128x128xf32, #tpu.memory_space<vmem>>
          %dma_start3A_122 = arith.constant 0 : i32
          %dma_start3A_123 = tpu.memref_slice %arg6[%run_scoped3A_79, %run_scoped3A_80, %dma_start3A_122] : memref<2x2x128xi32, #tpu.memory_space<vmem>> -> memref<1x1x128xi32, #tpu.memory_space<vmem>>
          %dma_start3A_124 = tpu.memref_squeeze %dma_start3A_123 : memref<1x1x128xi32, #tpu.memory_space<vmem>> -> memref<128xi32, #tpu.memory_space<vmem>>
          %dma_start3A_125 = arith.constant 0 : i32
          %dma_start3A_126 = arith.constant 0 : i32
          %dma_start3A_127 = tpu.memref_slice %arg8[%dma_start3A_125, %dma_start3A_126] : memref<10112x128xf32, #tpu.memory_space<vmem_shared>> -> memref<10112x128xf32, #tpu.memory_space<vmem_shared>>
          tpu.enqueue_indirect_dma source(%dma_start3A_121 : memref<128x128xf32, #tpu.memory_space<vmem>>) target(%dma_start3A_127 : memref<10112x128xf32, #tpu.memory_space<vmem_shared>>) offsets(%dma_start3A_124 : memref<128xi32, #tpu.memory_space<vmem>>) semaphore(%run_scoped3A_117 : memref<!tpu.dma_semaphore, #tpu.memory_space<semaphore_mem>>) {add = true}
          %dma_wait3A_128 = arith.constant 0 : i32
          %dma_wait3A_129 = arith.constant 0 : i32
          %dma_wait3A_130 = tpu.memref_slice %arg7[%run_scoped3A_78, %dma_wait3A_128, %dma_wait3A_129] : memref<2x128x128xf32, #tpu.memory_space<vmem>> -> memref<1x128x128xf32, #tpu.memory_space<vmem>>
          %dma_wait3A_131 = tpu.memref_squeeze %dma_wait3A_130 : memref<1x128x128xf32, #tpu.memory_space<vmem>> -> memref<128x128xf32, #tpu.memory_space<vmem>>
          %dma_wait3A_132 = arith.constant 0 : i32
          %dma_wait3A_133 = tpu.memref_slice %arg6[%run_scoped3A_79, %run_scoped3A_80, %dma_wait3A_132] : memref<2x2x128xi32, #tpu.memory_space<vmem>> -> memref<1x1x128xi32, #tpu.memory_space<vmem>>
          %dma_wait3A_134 = tpu.memref_squeeze %dma_wait3A_133 : memref<1x1x128xi32, #tpu.memory_space<vmem>> -> memref<128xi32, #tpu.memory_space<vmem>>
          %dma_wait3A_135 = arith.constant 0 : i32
          %dma_wait3A_136 = arith.constant 0 : i32
          %dma_wait3A_137 = tpu.memref_slice %arg8[%dma_wait3A_135, %dma_wait3A_136] : memref<10112x128xf32, #tpu.memory_space<vmem_shared>> -> memref<10112x128xf32, #tpu.memory_space<vmem_shared>>
          tpu.wait_indirect_dma semaphore(%run_scoped3A_117 : memref<!tpu.dma_semaphore, #tpu.memory_space<semaphore_mem>>) src(%dma_wait3A_131 : memref<128x128xf32, #tpu.memory_space<vmem>>) dst(%dma_wait3A_137 : memref<10112x128xf32, #tpu.memory_space<vmem_shared>>)
          tpu.yield
        }) : () -> ()
        %mul3A_81 = arith.constant 2 : i32
        %mul3A_82 = arith.muli %scan3A_44, %mul3A_81 : i32
        %add3A_83 = arith.constant 1 : i32
        %add3A_84 = arith.addi %mul3A_82, %add3A_83 : i32
        %add3A_85 = arith.constant 1 : i32
        %add3A_86 = arith.addi %add3A_84, %add3A_85 : i32
        %run_scoped3A_87 = arith.constant 0 : i32
        "tpu.region"() ({
          %run_scoped3A_117 = tpu.sem_alloc : memref<!tpu.dma_semaphore, #tpu.memory_space<semaphore_mem>>
          %dma_start3A_118 = arith.constant 0 : i32
          %dma_start3A_119 = arith.constant 0 : i32
          %dma_start3A_120 = tpu.memref_slice %arg6[%run_scoped3A_87, %dma_start3A_118, %dma_start3A_119] : memref<2x2x128xi32, #tpu.memory_space<vmem>> -> memref<1x2x128xi32, #tpu.memory_space<vmem>>
          %dma_start3A_121 = tpu.memref_squeeze %dma_start3A_120 : memref<1x2x128xi32, #tpu.memory_space<vmem>> -> memref<2x128xi32, #tpu.memory_space<vmem>>
          %dma_start3A_122 = arith.constant 0 : i32
          %dma_start3A_123 = arith.constant 0 : i32
          %dma_start3A_124 = tpu.memref_slice %arg2[%add3A, %add3A_86, %dma_start3A_122, %dma_start3A_123] : memref<32x157x2x128xi32, #tpu.memory_space<hbm>> -> memref<1x1x2x128xi32, #tpu.memory_space<hbm>>
          %dma_start3A_125 = tpu.memref_squeeze %dma_start3A_124 : memref<1x1x2x128xi32, #tpu.memory_space<hbm>> -> memref<2x128xi32, #tpu.memory_space<hbm>>
          %dma_start3A_126 = arith.constant 0 : i32
          %dma_start3A_127 = arith.constant 0 : i32
          %dma_start3A_128 = tpu.memref_slice %arg6[%run_scoped3A_87, %dma_start3A_126, %dma_start3A_127] : memref<2x2x128xi32, #tpu.memory_space<vmem>> -> memref<1x2x128xi32, #tpu.memory_space<vmem>>
          %dma_start3A_129 = tpu.memref_squeeze %dma_start3A_128 : memref<1x2x128xi32, #tpu.memory_space<vmem>> -> memref<2x128xi32, #tpu.memory_space<vmem>>
          %dma_start3A_130 = arith.constant 0 : i32
          %dma_start3A_131 = arith.constant 0 : i32
          %dma_start3A_132 = tpu.memref_slice %arg2[%add3A, %add3A_86, %dma_start3A_130, %dma_start3A_131] : memref<32x157x2x128xi32, #tpu.memory_space<hbm>> -> memref<1x1x2x128xi32, #tpu.memory_space<hbm>>
          %dma_start3A_133 = tpu.memref_squeeze %dma_start3A_132 : memref<1x1x2x128xi32, #tpu.memory_space<hbm>> -> memref<2x128xi32, #tpu.memory_space<hbm>>
          tpu.enqueue_dma source(%dma_start3A_133 : memref<2x128xi32, #tpu.memory_space<hbm>>) target(%dma_start3A_129 : memref<2x128xi32, #tpu.memory_space<vmem>>) target_semaphore(%run_scoped3A_117 : memref<!tpu.dma_semaphore, #tpu.memory_space<semaphore_mem>>)
          %dma_wait3A_134 = arith.constant 0 : i32
          %dma_wait3A_135 = arith.constant 0 : i32
          %dma_wait3A_136 = tpu.memref_slice %arg6[%run_scoped3A_87, %dma_wait3A_134, %dma_wait3A_135] : memref<2x2x128xi32, #tpu.memory_space<vmem>> -> memref<1x2x128xi32, #tpu.memory_space<vmem>>
          %dma_wait3A_137 = tpu.memref_squeeze %dma_wait3A_136 : memref<1x2x128xi32, #tpu.memory_space<vmem>> -> memref<2x128xi32, #tpu.memory_space<vmem>>
          %dma_wait3A_138 = arith.constant 0 : i32
          %dma_wait3A_139 = arith.constant 0 : i32
          %dma_wait3A_140 = tpu.memref_slice %arg2[%add3A, %add3A_86, %dma_wait3A_138, %dma_wait3A_139] : memref<32x157x2x128xi32, #tpu.memory_space<hbm>> -> memref<1x1x2x128xi32, #tpu.memory_space<hbm>>
          %dma_wait3A_141 = tpu.memref_squeeze %dma_wait3A_140 : memref<1x1x2x128xi32, #tpu.memory_space<hbm>> -> memref<2x128xi32, #tpu.memory_space<hbm>>
          %dma_wait3A_142 = arith.constant 0 : i32
          %dma_wait3A_143 = arith.constant 0 : i32
          %dma_wait3A_144 = tpu.memref_slice %arg6[%run_scoped3A_87, %dma_wait3A_142, %dma_wait3A_143] : memref<2x2x128xi32, #tpu.memory_space<vmem>> -> memref<1x2x128xi32, #tpu.memory_space<vmem>>
          %dma_wait3A_145 = tpu.memref_squeeze %dma_wait3A_144 : memref<1x2x128xi32, #tpu.memory_space<vmem>> -> memref<2x128xi32, #tpu.memory_space<vmem>>
          %dma_wait3A_146 = arith.constant 0 : i32
          %dma_wait3A_147 = arith.constant 0 : i32
          %dma_wait3A_148 = tpu.memref_slice %arg2[%add3A, %add3A_86, %dma_wait3A_146, %dma_wait3A_147] : memref<32x157x2x128xi32, #tpu.memory_space<hbm>> -> memref<1x1x2x128xi32, #tpu.memory_space<hbm>>
          %dma_wait3A_149 = tpu.memref_squeeze %dma_wait3A_148 : memref<1x1x2x128xi32, #tpu.memory_space<hbm>> -> memref<2x128xi32, #tpu.memory_space<hbm>>
          tpu.wait_dma2 semaphore(%run_scoped3A_117 : memref<!tpu.dma_semaphore, #tpu.memory_space<semaphore_mem>>) src(%dma_wait3A_149 : memref<2x128xi32, #tpu.memory_space<hbm>>) dst(%dma_wait3A_145 : memref<2x128xi32, #tpu.memory_space<vmem>>)
          tpu.yield
        }) : () -> ()
        %dma_start3A_88 = arith.constant 0 : i32
        %dma_start3A_89 = arith.constant 0 : i32
        %dma_start3A_90 = arith.constant 0 : i32
        %dma_start3A_91 = arith.constant 0 : i32
        %dma_start3A_92 = arith.constant 0 : i32
        %dma_start3A_93 = tpu.memref_slice %arg7[%dma_start3A_90, %dma_start3A_91, %dma_start3A_92] : memref<2x128x128xf32, #tpu.memory_space<vmem>> -> memref<1x128x128xf32, #tpu.memory_space<vmem>>
        %dma_start3A_94 = tpu.memref_squeeze %dma_start3A_93 : memref<1x128x128xf32, #tpu.memory_space<vmem>> -> memref<128x128xf32, #tpu.memory_space<vmem>>
        %dma_start3A_95 = arith.constant 0 : i32
        %dma_start3A_96 = tpu.memref_slice %arg6[%dma_start3A_88, %dma_start3A_89, %dma_start3A_95] : memref<2x2x128xi32, #tpu.memory_space<vmem>> -> memref<1x1x128xi32, #tpu.memory_space<vmem>>
        %dma_start3A_97 = tpu.memref_squeeze %dma_start3A_96 : memref<1x1x128xi32, #tpu.memory_space<vmem>> -> memref<128xi32, #tpu.memory_space<vmem>>
        %dma_start3A_98 = arith.constant 0 : i32
        %dma_start3A_99 = arith.constant 0 : i32
        %dma_start3A_100 = tpu.memref_slice %arg3[%dma_start3A_98, %dma_start3A_99] : memref<10000x128xf32, #tpu.memory_space<hbm>> -> memref<10000x128xf32, #tpu.memory_space<hbm>>
        tpu.enqueue_indirect_dma source(%dma_start3A_100 : memref<10000x128xf32, #tpu.memory_space<hbm>>) target(%dma_start3A_94 : memref<128x128xf32, #tpu.memory_space<vmem>>) offsets(%dma_start3A_97 : memref<128xi32, #tpu.memory_space<vmem>>) semaphore(%arg9 : memref<!tpu.dma_semaphore, #tpu.memory_space<semaphore_mem>>)
        %dma_wait3A_101 = arith.constant 1 : i32
        %dma_wait3A_102 = arith.constant 0 : i32
        %dma_wait3A_103 = arith.constant 1 : i32
        %dma_wait3A_104 = arith.constant 0 : i32
        %dma_wait3A_105 = arith.constant 0 : i32
        %dma_wait3A_106 = tpu.memref_slice %arg7[%dma_wait3A_103, %dma_wait3A_104, %dma_wait3A_105] : memref<2x128x128xf32, #tpu.memory_space<vmem>> -> memref<1x128x128xf32, #tpu.memory_space<vmem>>
        %dma_wait3A_107 = tpu.memref_squeeze %dma_wait3A_106 : memref<1x128x128xf32, #tpu.memory_space<vmem>> -> memref<128x128xf32, #tpu.memory_space<vmem>>
        %dma_wait3A_108 = arith.constant 0 : i32
        %dma_wait3A_109 = tpu.memref_slice %arg6[%dma_wait3A_101, %dma_wait3A_102, %dma_wait3A_108] : memref<2x2x128xi32, #tpu.memory_space<vmem>> -> memref<1x1x128xi32, #tpu.memory_space<vmem>>
        %dma_wait3A_110 = tpu.memref_squeeze %dma_wait3A_109 : memref<1x1x128xi32, #tpu.memory_space<vmem>> -> memref<128xi32, #tpu.memory_space<vmem>>
        %dma_wait3A_111 = arith.constant 0 : i32
        %dma_wait3A_112 = arith.constant 0 : i32
        %dma_wait3A_113 = tpu.memref_slice %arg3[%dma_wait3A_111, %dma_wait3A_112] : memref<10000x128xf32, #tpu.memory_space<hbm>> -> memref<10000x128xf32, #tpu.memory_space<hbm>>
        tpu.wait_indirect_dma semaphore(%arg10 : memref<!tpu.dma_semaphore, #tpu.memory_space<semaphore_mem>>) src(%dma_wait3A_113 : memref<10000x128xf32, #tpu.memory_space<hbm>>) dst(%dma_wait3A_107 : memref<128x128xf32, #tpu.memory_space<vmem>>)
        %run_scoped3A_114 = arith.constant 1 : i32
        %run_scoped3A_115 = arith.constant 1 : i32
        %run_scoped3A_116 = arith.constant 1 : i32
        "tpu.region"() ({
          %run_scoped3A_117 = tpu.sem_alloc : memref<!tpu.dma_semaphore, #tpu.memory_space<semaphore_mem>>
          %dma_start3A_118 = arith.constant 0 : i32
          %dma_start3A_119 = arith.constant 0 : i32
          %dma_start3A_120 = tpu.memref_slice %arg7[%run_scoped3A_114, %dma_start3A_118, %dma_start3A_119] : memref<2x128x128xf32, #tpu.memory_space<vmem>> -> memref<1x128x128xf32, #tpu.memory_space<vmem>>
          %dma_start3A_121 = tpu.memref_squeeze %dma_start3A_120 : memref<1x128x128xf32, #tpu.memory_space<vmem>> -> memref<128x128xf32, #tpu.memory_space<vmem>>
          %dma_start3A_122 = arith.constant 0 : i32
          %dma_start3A_123 = tpu.memref_slice %arg6[%run_scoped3A_115, %run_scoped3A_116, %dma_start3A_122] : memref<2x2x128xi32, #tpu.memory_space<vmem>> -> memref<1x1x128xi32, #tpu.memory_space<vmem>>
          %dma_start3A_124 = tpu.memref_squeeze %dma_start3A_123 : memref<1x1x128xi32, #tpu.memory_space<vmem>> -> memref<128xi32, #tpu.memory_space<vmem>>
          %dma_start3A_125 = arith.constant 0 : i32
          %dma_start3A_126 = arith.constant 0 : i32
          %dma_start3A_127 = tpu.memref_slice %arg8[%dma_start3A_125, %dma_start3A_126] : memref<10112x128xf32, #tpu.memory_space<vmem_shared>> -> memref<10112x128xf32, #tpu.memory_space<vmem_shared>>
          tpu.enqueue_indirect_dma source(%dma_start3A_121 : memref<128x128xf32, #tpu.memory_space<vmem>>) target(%dma_start3A_127 : memref<10112x128xf32, #tpu.memory_space<vmem_shared>>) offsets(%dma_start3A_124 : memref<128xi32, #tpu.memory_space<vmem>>) semaphore(%run_scoped3A_117 : memref<!tpu.dma_semaphore, #tpu.memory_space<semaphore_mem>>) {add = true}
          %dma_wait3A_128 = arith.constant 0 : i32
          %dma_wait3A_129 = arith.constant 0 : i32
          %dma_wait3A_130 = tpu.memref_slice %arg7[%run_scoped3A_114, %dma_wait3A_128, %dma_wait3A_129] : memref<2x128x128xf32, #tpu.memory_space<vmem>> -> memref<1x128x128xf32, #tpu.memory_space<vmem>>
          %dma_wait3A_131 = tpu.memref_squeeze %dma_wait3A_130 : memref<1x128x128xf32, #tpu.memory_space<vmem>> -> memref<128x128xf32, #tpu.memory_space<vmem>>
          %dma_wait3A_132 = arith.constant 0 : i32
          %dma_wait3A_133 = tpu.memref_slice %arg6[%run_scoped3A_115, %run_scoped3A_116, %dma_wait3A_132] : memref<2x2x128xi32, #tpu.memory_space<vmem>> -> memref<1x1x128xi32, #tpu.memory_space<vmem>>
          %dma_wait3A_134 = tpu.memref_squeeze %dma_wait3A_133 : memref<1x1x128xi32, #tpu.memory_space<vmem>> -> memref<128xi32, #tpu.memory_space<vmem>>
          %dma_wait3A_135 = arith.constant 0 : i32
          %dma_wait3A_136 = arith.constant 0 : i32
          %dma_wait3A_137 = tpu.memref_slice %arg8[%dma_wait3A_135, %dma_wait3A_136] : memref<10112x128xf32, #tpu.memory_space<vmem_shared>> -> memref<10112x128xf32, #tpu.memory_space<vmem_shared>>
          tpu.wait_indirect_dma semaphore(%run_scoped3A_117 : memref<!tpu.dma_semaphore, #tpu.memory_space<semaphore_mem>>) src(%dma_wait3A_131 : memref<128x128xf32, #tpu.memory_space<vmem>>) dst(%dma_wait3A_137 : memref<10112x128xf32, #tpu.memory_space<vmem_shared>>)
          tpu.yield
        }) : () -> ()
      }
      %scan3A_28 = arith.constant 78 : i32
      %dma_wait3A = arith.constant 0 : i32
      %dma_wait3A_29 = arith.constant 0 : i32
      %dma_wait3A_30 = arith.constant 0 : i32
      %dma_wait3A_31 = arith.constant 0 : i32
      %dma_wait3A_32 = arith.constant 0 : i32
      %dma_wait3A_33 = tpu.memref_slice %arg7[%dma_wait3A_30, %dma_wait3A_31, %dma_wait3A_32] : memref<2x128x128xf32, #tpu.memory_space<vmem>> -> memref<1x128x128xf32, #tpu.memory_space<vmem>>
      %dma_wait3A_34 = tpu.memref_squeeze %dma_wait3A_33 : memref<1x128x128xf32, #tpu.memory_space<vmem>> -> memref<128x128xf32, #tpu.memory_space<vmem>>
      %dma_wait3A_35 = arith.constant 0 : i32
      %dma_wait3A_36 = tpu.memref_slice %arg6[%dma_wait3A, %dma_wait3A_29, %dma_wait3A_35] : memref<2x2x128xi32, #tpu.memory_space<vmem>> -> memref<1x1x128xi32, #tpu.memory_space<vmem>>
      %dma_wait3A_37 = tpu.memref_squeeze %dma_wait3A_36 : memref<1x1x128xi32, #tpu.memory_space<vmem>> -> memref<128xi32, #tpu.memory_space<vmem>>
      %dma_wait3A_38 = arith.constant 0 : i32
      %dma_wait3A_39 = arith.constant 0 : i32
      %dma_wait3A_40 = tpu.memref_slice %arg3[%dma_wait3A_38, %dma_wait3A_39] : memref<10000x128xf32, #tpu.memory_space<hbm>> -> memref<10000x128xf32, #tpu.memory_space<hbm>>
      tpu.wait_indirect_dma semaphore(%arg9 : memref<!tpu.dma_semaphore, #tpu.memory_space<semaphore_mem>>) src(%dma_wait3A_40 : memref<10000x128xf32, #tpu.memory_space<hbm>>) dst(%dma_wait3A_34 : memref<128x128xf32, #tpu.memory_space<vmem>>)
      %run_scoped3A_41 = arith.constant 0 : i32
      %run_scoped3A_42 = arith.constant 0 : i32
      %run_scoped3A_43 = arith.constant 1 : i32
      "tpu.region"() ({
        %run_scoped3A_44 = tpu.sem_alloc : memref<!tpu.dma_semaphore, #tpu.memory_space<semaphore_mem>>
        %dma_start3A_45 = arith.constant 0 : i32
        %dma_start3A_46 = arith.constant 0 : i32
        %dma_start3A_47 = tpu.memref_slice %arg7[%run_scoped3A_41, %dma_start3A_45, %dma_start3A_46] : memref<2x128x128xf32, #tpu.memory_space<vmem>> -> memref<1x128x128xf32, #tpu.memory_space<vmem>>
        %dma_start3A_48 = tpu.memref_squeeze %dma_start3A_47 : memref<1x128x128xf32, #tpu.memory_space<vmem>> -> memref<128x128xf32, #tpu.memory_space<vmem>>
        %dma_start3A_49 = arith.constant 0 : i32
        %dma_start3A_50 = tpu.memref_slice %arg6[%run_scoped3A_42, %run_scoped3A_43, %dma_start3A_49] : memref<2x2x128xi32, #tpu.memory_space<vmem>> -> memref<1x1x128xi32, #tpu.memory_space<vmem>>
        %dma_start3A_51 = tpu.memref_squeeze %dma_start3A_50 : memref<1x1x128xi32, #tpu.memory_space<vmem>> -> memref<128xi32, #tpu.memory_space<vmem>>
        %dma_start3A_52 = arith.constant 0 : i32
        %dma_start3A_53 = arith.constant 0 : i32
        %dma_start3A_54 = tpu.memref_slice %arg8[%dma_start3A_52, %dma_start3A_53] : memref<10112x128xf32, #tpu.memory_space<vmem_shared>> -> memref<10112x128xf32, #tpu.memory_space<vmem_shared>>
        tpu.enqueue_indirect_dma source(%dma_start3A_48 : memref<128x128xf32, #tpu.memory_space<vmem>>) target(%dma_start3A_54 : memref<10112x128xf32, #tpu.memory_space<vmem_shared>>) offsets(%dma_start3A_51 : memref<128xi32, #tpu.memory_space<vmem>>) semaphore(%run_scoped3A_44 : memref<!tpu.dma_semaphore, #tpu.memory_space<semaphore_mem>>) {add = true}
        %dma_wait3A_55 = arith.constant 0 : i32
        %dma_wait3A_56 = arith.constant 0 : i32
        %dma_wait3A_57 = tpu.memref_slice %arg7[%run_scoped3A_41, %dma_wait3A_55, %dma_wait3A_56] : memref<2x128x128xf32, #tpu.memory_space<vmem>> -> memref<1x128x128xf32, #tpu.memory_space<vmem>>
        %dma_wait3A_58 = tpu.memref_squeeze %dma_wait3A_57 : memref<1x128x128xf32, #tpu.memory_space<vmem>> -> memref<128x128xf32, #tpu.memory_space<vmem>>
        %dma_wait3A_59 = arith.constant 0 : i32
        %dma_wait3A_60 = tpu.memref_slice %arg6[%run_scoped3A_42, %run_scoped3A_43, %dma_wait3A_59] : memref<2x2x128xi32, #tpu.memory_space<vmem>> -> memref<1x1x128xi32, #tpu.memory_space<vmem>>
        %dma_wait3A_61 = tpu.memref_squeeze %dma_wait3A_60 : memref<1x1x128xi32, #tpu.memory_space<vmem>> -> memref<128xi32, #tpu.memory_space<vmem>>
        %dma_wait3A_62 = arith.constant 0 : i32
        %dma_wait3A_63 = arith.constant 0 : i32
        %dma_wait3A_64 = tpu.memref_slice %arg8[%dma_wait3A_62, %dma_wait3A_63] : memref<10112x128xf32, #tpu.memory_space<vmem_shared>> -> memref<10112x128xf32, #tpu.memory_space<vmem_shared>>
        tpu.wait_indirect_dma semaphore(%run_scoped3A_44 : memref<!tpu.dma_semaphore, #tpu.memory_space<semaphore_mem>>) src(%dma_wait3A_58 : memref<128x128xf32, #tpu.memory_space<vmem>>) dst(%dma_wait3A_64 : memref<10112x128xf32, #tpu.memory_space<vmem_shared>>)
        tpu.yield
      }) : () -> ()
    } else {
    }
    %eq3A_5 = arith.constant 1 : i32
    %eq3A_6 = arith.cmpi eq, %arg0, %eq3A_5 : i32
    %convert_element_type3A_7 = arith.extui %eq3A_6 : i1 to i32
    %cond3A_8 = arith.constant 0 : i32
    %cond3A_9 = arith.cmpi ne, %convert_element_type3A_7, %cond3A_8 : i32
    scf.if %cond3A_9 {
      %run_scoped3A = arith.constant 0 : i32
      %run_scoped3A_11 = arith.constant 0 : i32
      "tpu.region"() ({
        %run_scoped3A_43 = tpu.sem_alloc : memref<!tpu.dma_semaphore, #tpu.memory_space<semaphore_mem>>
        %dma_start3A_44 = arith.constant 0 : i32
        %dma_start3A_45 = arith.constant 0 : i32
        %dma_start3A_46 = tpu.memref_slice %arg6[%run_scoped3A_11, %dma_start3A_44, %dma_start3A_45] : memref<2x2x128xi32, #tpu.memory_space<vmem>> -> memref<1x2x128xi32, #tpu.memory_space<vmem>>
        %dma_start3A_47 = tpu.memref_squeeze %dma_start3A_46 : memref<1x2x128xi32, #tpu.memory_space<vmem>> -> memref<2x128xi32, #tpu.memory_space<vmem>>
        %dma_start3A_48 = arith.constant 0 : i32
        %dma_start3A_49 = arith.constant 0 : i32
        %dma_start3A_50 = tpu.memref_slice %arg2[%add3A, %run_scoped3A, %dma_start3A_48, %dma_start3A_49] : memref<32x157x2x128xi32, #tpu.memory_space<hbm>> -> memref<1x1x2x128xi32, #tpu.memory_space<hbm>>
        %dma_start3A_51 = tpu.memref_squeeze %dma_start3A_50 : memref<1x1x2x128xi32, #tpu.memory_space<hbm>> -> memref<2x128xi32, #tpu.memory_space<hbm>>
        %dma_start3A_52 = arith.constant 0 : i32
        %dma_start3A_53 = arith.constant 0 : i32
        %dma_start3A_54 = tpu.memref_slice %arg6[%run_scoped3A_11, %dma_start3A_52, %dma_start3A_53] : memref<2x2x128xi32, #tpu.memory_space<vmem>> -> memref<1x2x128xi32, #tpu.memory_space<vmem>>
        %dma_start3A_55 = tpu.memref_squeeze %dma_start3A_54 : memref<1x2x128xi32, #tpu.memory_space<vmem>> -> memref<2x128xi32, #tpu.memory_space<vmem>>
        %dma_start3A_56 = arith.constant 0 : i32
        %dma_start3A_57 = arith.constant 0 : i32
        %dma_start3A_58 = tpu.memref_slice %arg2[%add3A, %run_scoped3A, %dma_start3A_56, %dma_start3A_57] : memref<32x157x2x128xi32, #tpu.memory_space<hbm>> -> memref<1x1x2x128xi32, #tpu.memory_space<hbm>>
        %dma_start3A_59 = tpu.memref_squeeze %dma_start3A_58 : memref<1x1x2x128xi32, #tpu.memory_space<hbm>> -> memref<2x128xi32, #tpu.memory_space<hbm>>
        tpu.enqueue_dma source(%dma_start3A_59 : memref<2x128xi32, #tpu.memory_space<hbm>>) target(%dma_start3A_55 : memref<2x128xi32, #tpu.memory_space<vmem>>) target_semaphore(%run_scoped3A_43 : memref<!tpu.dma_semaphore, #tpu.memory_space<semaphore_mem>>)
        %dma_wait3A_60 = arith.constant 0 : i32
        %dma_wait3A_61 = arith.constant 0 : i32
        %dma_wait3A_62 = tpu.memref_slice %arg6[%run_scoped3A_11, %dma_wait3A_60, %dma_wait3A_61] : memref<2x2x128xi32, #tpu.memory_space<vmem>> -> memref<1x2x128xi32, #tpu.memory_space<vmem>>
        %dma_wait3A_63 = tpu.memref_squeeze %dma_wait3A_62 : memref<1x2x128xi32, #tpu.memory_space<vmem>> -> memref<2x128xi32, #tpu.memory_space<vmem>>
        %dma_wait3A_64 = arith.constant 0 : i32
        %dma_wait3A_65 = arith.constant 0 : i32
        %dma_wait3A_66 = tpu.memref_slice %arg2[%add3A, %run_scoped3A, %dma_wait3A_64, %dma_wait3A_65] : memref<32x157x2x128xi32, #tpu.memory_space<hbm>> -> memref<1x1x2x128xi32, #tpu.memory_space<hbm>>
        %dma_wait3A_67 = tpu.memref_squeeze %dma_wait3A_66 : memref<1x1x2x128xi32, #tpu.memory_space<hbm>> -> memref<2x128xi32, #tpu.memory_space<hbm>>
        %dma_wait3A_68 = arith.constant 0 : i32
        %dma_wait3A_69 = arith.constant 0 : i32
        %dma_wait3A_70 = tpu.memref_slice %arg6[%run_scoped3A_11, %dma_wait3A_68, %dma_wait3A_69] : memref<2x2x128xi32, #tpu.memory_space<vmem>> -> memref<1x2x128xi32, #tpu.memory_space<vmem>>
        %dma_wait3A_71 = tpu.memref_squeeze %dma_wait3A_70 : memref<1x2x128xi32, #tpu.memory_space<vmem>> -> memref<2x128xi32, #tpu.memory_space<vmem>>
        %dma_wait3A_72 = arith.constant 0 : i32
        %dma_wait3A_73 = arith.constant 0 : i32
        %dma_wait3A_74 = tpu.memref_slice %arg2[%add3A, %run_scoped3A, %dma_wait3A_72, %dma_wait3A_73] : memref<32x157x2x128xi32, #tpu.memory_space<hbm>> -> memref<1x1x2x128xi32, #tpu.memory_space<hbm>>
        %dma_wait3A_75 = tpu.memref_squeeze %dma_wait3A_74 : memref<1x1x2x128xi32, #tpu.memory_space<hbm>> -> memref<2x128xi32, #tpu.memory_space<hbm>>
        tpu.wait_dma2 semaphore(%run_scoped3A_43 : memref<!tpu.dma_semaphore, #tpu.memory_space<semaphore_mem>>) src(%dma_wait3A_75 : memref<2x128xi32, #tpu.memory_space<hbm>>) dst(%dma_wait3A_71 : memref<2x128xi32, #tpu.memory_space<vmem>>)
        tpu.yield
      }) : () -> ()
      %dma_start3A = arith.constant 0 : i32
      %dma_start3A_12 = arith.constant 0 : i32
      %dma_start3A_13 = arith.constant 0 : i32
      %dma_start3A_14 = arith.constant 0 : i32
      %dma_start3A_15 = arith.constant 0 : i32
      %dma_start3A_16 = tpu.memref_slice %arg7[%dma_start3A_13, %dma_start3A_14, %dma_start3A_15] : memref<2x128x128xf32, #tpu.memory_space<vmem>> -> memref<1x128x128xf32, #tpu.memory_space<vmem>>
      %dma_start3A_17 = tpu.memref_squeeze %dma_start3A_16 : memref<1x128x128xf32, #tpu.memory_space<vmem>> -> memref<128x128xf32, #tpu.memory_space<vmem>>
      %dma_start3A_18 = arith.constant 0 : i32
      %dma_start3A_19 = tpu.memref_slice %arg6[%dma_start3A, %dma_start3A_12, %dma_start3A_18] : memref<2x2x128xi32, #tpu.memory_space<vmem>> -> memref<1x1x128xi32, #tpu.memory_space<vmem>>
      %dma_start3A_20 = tpu.memref_squeeze %dma_start3A_19 : memref<1x1x128xi32, #tpu.memory_space<vmem>> -> memref<128xi32, #tpu.memory_space<vmem>>
      %dma_start3A_21 = arith.constant 0 : i32
      %dma_start3A_22 = arith.constant 0 : i32
      %dma_start3A_23 = tpu.memref_slice %arg3[%dma_start3A_21, %dma_start3A_22] : memref<10000x128xf32, #tpu.memory_space<hbm>> -> memref<10000x128xf32, #tpu.memory_space<hbm>>
      tpu.enqueue_indirect_dma source(%dma_start3A_23 : memref<10000x128xf32, #tpu.memory_space<hbm>>) target(%dma_start3A_17 : memref<128x128xf32, #tpu.memory_space<vmem>>) offsets(%dma_start3A_20 : memref<128xi32, #tpu.memory_space<vmem>>) semaphore(%arg9 : memref<!tpu.dma_semaphore, #tpu.memory_space<semaphore_mem>>)
      %scan3A = arith.constant 0 : i32
      %scan3A_24 = arith.constant 0 : i32
      %scan3A_25 = arith.constant 0 : i32
      %scan3A_26 = arith.addi %scan3A_24, %scan3A_25 : i32
      %scan3A_27 = arith.constant 0 : i32
      %dma_wait3A = arith.constant 0 : i32
      %dma_wait3A_28 = arith.constant 0 : i32
      %dma_wait3A_29 = arith.constant 0 : i32
      %dma_wait3A_30 = arith.constant 0 : i32
      %dma_wait3A_31 = arith.constant 0 : i32
      %dma_wait3A_32 = tpu.memref_slice %arg7[%dma_wait3A_29, %dma_wait3A_30, %dma_wait3A_31] : memref<2x128x128xf32, #tpu.memory_space<vmem>> -> memref<1x128x128xf32, #tpu.memory_space<vmem>>
      %dma_wait3A_33 = tpu.memref_squeeze %dma_wait3A_32 : memref<1x128x128xf32, #tpu.memory_space<vmem>> -> memref<128x128xf32, #tpu.memory_space<vmem>>
      %dma_wait3A_34 = arith.constant 0 : i32
      %dma_wait3A_35 = tpu.memref_slice %arg6[%dma_wait3A, %dma_wait3A_28, %dma_wait3A_34] : memref<2x2x128xi32, #tpu.memory_space<vmem>> -> memref<1x1x128xi32, #tpu.memory_space<vmem>>
      %dma_wait3A_36 = tpu.memref_squeeze %dma_wait3A_35 : memref<1x1x128xi32, #tpu.memory_space<vmem>> -> memref<128xi32, #tpu.memory_space<vmem>>
      %dma_wait3A_37 = arith.constant 0 : i32
      %dma_wait3A_38 = arith.constant 0 : i32
      %dma_wait3A_39 = tpu.memref_slice %arg3[%dma_wait3A_37, %dma_wait3A_38] : memref<10000x128xf32, #tpu.memory_space<hbm>> -> memref<10000x128xf32, #tpu.memory_space<hbm>>
      tpu.wait_indirect_dma semaphore(%arg9 : memref<!tpu.dma_semaphore, #tpu.memory_space<semaphore_mem>>) src(%dma_wait3A_39 : memref<10000x128xf32, #tpu.memory_space<hbm>>) dst(%dma_wait3A_33 : memref<128x128xf32, #tpu.memory_space<vmem>>)
      %run_scoped3A_40 = arith.constant 0 : i32
      %run_scoped3A_41 = arith.constant 0 : i32
      %run_scoped3A_42 = arith.constant 1 : i32
      "tpu.region"() ({
        %run_scoped3A_43 = tpu.sem_alloc : memref<!tpu.dma_semaphore, #tpu.memory_space<semaphore_mem>>
        %dma_start3A_44 = arith.constant 0 : i32
        %dma_start3A_45 = arith.constant 0 : i32
        %dma_start3A_46 = tpu.memref_slice %arg7[%run_scoped3A_40, %dma_start3A_44, %dma_start3A_45] : memref<2x128x128xf32, #tpu.memory_space<vmem>> -> memref<1x128x128xf32, #tpu.memory_space<vmem>>
        %dma_start3A_47 = tpu.memref_squeeze %dma_start3A_46 : memref<1x128x128xf32, #tpu.memory_space<vmem>> -> memref<128x128xf32, #tpu.memory_space<vmem>>
        %dma_start3A_48 = arith.constant 0 : i32
        %dma_start3A_49 = tpu.memref_slice %arg6[%run_scoped3A_41, %run_scoped3A_42, %dma_start3A_48] : memref<2x2x128xi32, #tpu.memory_space<vmem>> -> memref<1x1x128xi32, #tpu.memory_space<vmem>>
        %dma_start3A_50 = tpu.memref_squeeze %dma_start3A_49 : memref<1x1x128xi32, #tpu.memory_space<vmem>> -> memref<128xi32, #tpu.memory_space<vmem>>
        %dma_start3A_51 = arith.constant 0 : i32
        %dma_start3A_52 = arith.constant 0 : i32
        %dma_start3A_53 = tpu.memref_slice %arg8[%dma_start3A_51, %dma_start3A_52] : memref<10112x128xf32, #tpu.memory_space<vmem_shared>> -> memref<10112x128xf32, #tpu.memory_space<vmem_shared>>
        tpu.enqueue_indirect_dma source(%dma_start3A_47 : memref<128x128xf32, #tpu.memory_space<vmem>>) target(%dma_start3A_53 : memref<10112x128xf32, #tpu.memory_space<vmem_shared>>) offsets(%dma_start3A_50 : memref<128xi32, #tpu.memory_space<vmem>>) semaphore(%run_scoped3A_43 : memref<!tpu.dma_semaphore, #tpu.memory_space<semaphore_mem>>) {add = true}
        %dma_wait3A_54 = arith.constant 0 : i32
        %dma_wait3A_55 = arith.constant 0 : i32
        %dma_wait3A_56 = tpu.memref_slice %arg7[%run_scoped3A_40, %dma_wait3A_54, %dma_wait3A_55] : memref<2x128x128xf32, #tpu.memory_space<vmem>> -> memref<1x128x128xf32, #tpu.memory_space<vmem>>
        %dma_wait3A_57 = tpu.memref_squeeze %dma_wait3A_56 : memref<1x128x128xf32, #tpu.memory_space<vmem>> -> memref<128x128xf32, #tpu.memory_space<vmem>>
        %dma_wait3A_58 = arith.constant 0 : i32
        %dma_wait3A_59 = tpu.memref_slice %arg6[%run_scoped3A_41, %run_scoped3A_42, %dma_wait3A_58] : memref<2x2x128xi32, #tpu.memory_space<vmem>> -> memref<1x1x128xi32, #tpu.memory_space<vmem>>
        %dma_wait3A_60 = tpu.memref_squeeze %dma_wait3A_59 : memref<1x1x128xi32, #tpu.memory_space<vmem>> -> memref<128xi32, #tpu.memory_space<vmem>>
        %dma_wait3A_61 = arith.constant 0 : i32
        %dma_wait3A_62 = arith.constant 0 : i32
        %dma_wait3A_63 = tpu.memref_slice %arg8[%dma_wait3A_61, %dma_wait3A_62] : memref<10112x128xf32, #tpu.memory_space<vmem_shared>> -> memref<10112x128xf32, #tpu.memory_space<vmem_shared>>
        tpu.wait_indirect_dma semaphore(%run_scoped3A_43 : memref<!tpu.dma_semaphore, #tpu.memory_space<semaphore_mem>>) src(%dma_wait3A_57 : memref<128x128xf32, #tpu.memory_space<vmem>>) dst(%dma_wait3A_63 : memref<10112x128xf32, #tpu.memory_space<vmem_shared>>)
        tpu.yield
      }) : () -> ()
    } else {
    }
    %barrier3A_10 = arith.constant 0 : index
    tpu.barrier barrier_id(%barrier3A_10)
    "tpu.region"() ({
      %run_scoped3A = tpu.sem_alloc : memref<!tpu.dma_semaphore, #tpu.memory_space<semaphore_mem>>
      %dma_start3A = arith.constant 0 : i32
      %dma_start3A_11 = tpu.memref_slice %arg5[%arg0, %mul3A_2, %dma_start3A] : memref<2x10112x128xf32, #tpu.memory_space<hbm>> -> memref<1x632x128xf32, #tpu.memory_space<hbm>>
      %dma_start3A_12 = tpu.memref_squeeze %dma_start3A_11 : memref<1x632x128xf32, #tpu.memory_space<hbm>> -> memref<632x128xf32, #tpu.memory_space<hbm>>
      %dma_start3A_13 = arith.constant 0 : i32
      %dma_start3A_14 = tpu.memref_slice %arg8[%mul3A_2, %dma_start3A_13] : memref<10112x128xf32, #tpu.memory_space<vmem_shared>> -> memref<632x128xf32, #tpu.memory_space<vmem_shared>>
      tpu.enqueue_dma source(%dma_start3A_14 : memref<632x128xf32, #tpu.memory_space<vmem_shared>>) target(%dma_start3A_12 : memref<632x128xf32, #tpu.memory_space<hbm>>) target_semaphore(%run_scoped3A : memref<!tpu.dma_semaphore, #tpu.memory_space<semaphore_mem>>)
      %dma_wait3A = arith.constant 0 : i32
      %dma_wait3A_15 = tpu.memref_slice %arg5[%arg0, %mul3A_2, %dma_wait3A] : memref<2x10112x128xf32, #tpu.memory_space<hbm>> -> memref<1x632x128xf32, #tpu.memory_space<hbm>>
      %dma_wait3A_16 = tpu.memref_squeeze %dma_wait3A_15 : memref<1x632x128xf32, #tpu.memory_space<hbm>> -> memref<632x128xf32, #tpu.memory_space<hbm>>
      %dma_wait3A_17 = arith.constant 0 : i32
      %dma_wait3A_18 = tpu.memref_slice %arg8[%mul3A_2, %dma_wait3A_17] : memref<10112x128xf32, #tpu.memory_space<vmem_shared>> -> memref<632x128xf32, #tpu.memory_space<vmem_shared>>
      tpu.wait_dma2 semaphore(%run_scoped3A : memref<!tpu.dma_semaphore, #tpu.memory_space<semaphore_mem>>) src(%dma_wait3A_18 : memref<632x128xf32, #tpu.memory_space<vmem_shared>>) dst(%dma_wait3A_16 : memref<632x128xf32, #tpu.memory_space<hbm>>)
      tpu.yield
    }) : () -> ()
    return
  }
}

#map = affine_map<(d0, d1) -> (0, 0, 0, 0)>
#map1 = affine_map<(d0, d1) -> (0, 0)>
#map2 = affine_map<(d0, d1) -> (0, 0, 0)>
module attributes {stable_mosaic.version = 14 : i64} {
  func.func @_sc_stats(%arg0: i32, %arg1: i32, %arg2: memref<32x79x2x128xi32, #tpu.memory_space<hbm>>, %arg3: memref<323584x128xf32, #tpu.memory_space<hbm>>, %arg4: memref<10112x128xf32, #tpu.memory_space<hbm>>, %arg5: memref<2x10112x128xf32, #tpu.memory_space<hbm>>, %arg6: memref<2x2x128xi32, #tpu.memory_space<vmem>>, %arg7: memref<2x128x128xf32, #tpu.memory_space<vmem>>, %arg8: memref<10112x128xf32, #tpu.memory_space<vmem_shared>>, %arg9: memref<!tpu.dma_semaphore, #tpu.memory_space<semaphore_mem>>, %arg10: memref<!tpu.dma_semaphore, #tpu.memory_space<semaphore_mem>>) attributes {dimension_semantics = [#tpu.dimension_semantics<core_parallel>, #tpu.dimension_semantics<subcore_parallel>], iteration_bounds = array<i64: 2, 16>, scalar_prefetch = 0 : i64, scratch_operands = 5 : i64, tpu.core_type = #tpu.core_type<sc_vector_subcore>, window_params = [{transform_indices = #map}, {transform_indices = #map1}, {transform_indices = #map1}, {transform_indices = #map2}]} {
    %mul3A = arith.constant 16 : i32
    %mul3A_0 = arith.muli %arg0, %mul3A : i32
    %add3A = arith.addi %mul3A_0, %arg1 : i32
    %mul3A_1 = arith.constant 632 : i32
    %mul3A_2 = arith.muli %arg1, %mul3A_1 : i32
    "tpu.region"() ({
      %run_scoped3A_39 = tpu.sem_alloc : memref<!tpu.dma_semaphore, #tpu.memory_space<semaphore_mem>>
      %dma_start3A_40 = arith.constant 0 : i32
      %dma_start3A_41 = tpu.memref_slice %arg8[%mul3A_2, %dma_start3A_40] : memref<10112x128xf32, #tpu.memory_space<vmem_shared>> -> memref<632x128xf32, #tpu.memory_space<vmem_shared>>
      %dma_start3A_42 = arith.constant 0 : i32
      %dma_start3A_43 = tpu.memref_slice %arg4[%mul3A_2, %dma_start3A_42] : memref<10112x128xf32, #tpu.memory_space<hbm>> -> memref<632x128xf32, #tpu.memory_space<hbm>>
      tpu.enqueue_dma source(%dma_start3A_43 : memref<632x128xf32, #tpu.memory_space<hbm>>) target(%dma_start3A_41 : memref<632x128xf32, #tpu.memory_space<vmem_shared>>) target_semaphore(%run_scoped3A_39 : memref<!tpu.dma_semaphore, #tpu.memory_space<semaphore_mem>>)
      %dma_wait3A_44 = arith.constant 0 : i32
      %dma_wait3A_45 = tpu.memref_slice %arg8[%mul3A_2, %dma_wait3A_44] : memref<10112x128xf32, #tpu.memory_space<vmem_shared>> -> memref<632x128xf32, #tpu.memory_space<vmem_shared>>
      %dma_wait3A_46 = arith.constant 0 : i32
      %dma_wait3A_47 = tpu.memref_slice %arg4[%mul3A_2, %dma_wait3A_46] : memref<10112x128xf32, #tpu.memory_space<hbm>> -> memref<632x128xf32, #tpu.memory_space<hbm>>
      tpu.wait_dma2 semaphore(%run_scoped3A_39 : memref<!tpu.dma_semaphore, #tpu.memory_space<semaphore_mem>>) src(%dma_wait3A_47 : memref<632x128xf32, #tpu.memory_space<hbm>>) dst(%dma_wait3A_45 : memref<632x128xf32, #tpu.memory_space<vmem_shared>>)
      tpu.yield
    }) : () -> ()
    %barrier3A = arith.constant 0 : index
    tpu.barrier barrier_id(%barrier3A)
    %mul3A_3 = arith.constant 10112 : i32
    %mul3A_4 = arith.muli %add3A, %mul3A_3 : i32
    %run_scoped3A = arith.constant 0 : i32
    %run_scoped3A_5 = arith.constant 0 : i32
    "tpu.region"() ({
      %run_scoped3A_39 = tpu.sem_alloc : memref<!tpu.dma_semaphore, #tpu.memory_space<semaphore_mem>>
      %dma_start3A_40 = arith.constant 0 : i32
      %dma_start3A_41 = arith.constant 0 : i32
      %dma_start3A_42 = tpu.memref_slice %arg6[%run_scoped3A_5, %dma_start3A_40, %dma_start3A_41] : memref<2x2x128xi32, #tpu.memory_space<vmem>> -> memref<1x2x128xi32, #tpu.memory_space<vmem>>
      %dma_start3A_43 = tpu.memref_squeeze %dma_start3A_42 : memref<1x2x128xi32, #tpu.memory_space<vmem>> -> memref<2x128xi32, #tpu.memory_space<vmem>>
      %dma_start3A_44 = arith.constant 0 : i32
      %dma_start3A_45 = arith.constant 0 : i32
      %dma_start3A_46 = tpu.memref_slice %arg2[%add3A, %run_scoped3A, %dma_start3A_44, %dma_start3A_45] : memref<32x79x2x128xi32, #tpu.memory_space<hbm>> -> memref<1x1x2x128xi32, #tpu.memory_space<hbm>>
      %dma_start3A_47 = tpu.memref_squeeze %dma_start3A_46 : memref<1x1x2x128xi32, #tpu.memory_space<hbm>> -> memref<2x128xi32, #tpu.memory_space<hbm>>
      %dma_start3A_48 = arith.constant 0 : i32
      %dma_start3A_49 = arith.constant 0 : i32
      %dma_start3A_50 = tpu.memref_slice %arg6[%run_scoped3A_5, %dma_start3A_48, %dma_start3A_49] : memref<2x2x128xi32, #tpu.memory_space<vmem>> -> memref<1x2x128xi32, #tpu.memory_space<vmem>>
      %dma_start3A_51 = tpu.memref_squeeze %dma_start3A_50 : memref<1x2x128xi32, #tpu.memory_space<vmem>> -> memref<2x128xi32, #tpu.memory_space<vmem>>
      %dma_start3A_52 = arith.constant 0 : i32
      %dma_start3A_53 = arith.constant 0 : i32
      %dma_start3A_54 = tpu.memref_slice %arg2[%add3A, %run_scoped3A, %dma_start3A_52, %dma_start3A_53] : memref<32x79x2x128xi32, #tpu.memory_space<hbm>> -> memref<1x1x2x128xi32, #tpu.memory_space<hbm>>
      %dma_start3A_55 = tpu.memref_squeeze %dma_start3A_54 : memref<1x1x2x128xi32, #tpu.memory_space<hbm>> -> memref<2x128xi32, #tpu.memory_space<hbm>>
      tpu.enqueue_dma source(%dma_start3A_55 : memref<2x128xi32, #tpu.memory_space<hbm>>) target(%dma_start3A_51 : memref<2x128xi32, #tpu.memory_space<vmem>>) target_semaphore(%run_scoped3A_39 : memref<!tpu.dma_semaphore, #tpu.memory_space<semaphore_mem>>)
      %dma_wait3A_56 = arith.constant 0 : i32
      %dma_wait3A_57 = arith.constant 0 : i32
      %dma_wait3A_58 = tpu.memref_slice %arg6[%run_scoped3A_5, %dma_wait3A_56, %dma_wait3A_57] : memref<2x2x128xi32, #tpu.memory_space<vmem>> -> memref<1x2x128xi32, #tpu.memory_space<vmem>>
      %dma_wait3A_59 = tpu.memref_squeeze %dma_wait3A_58 : memref<1x2x128xi32, #tpu.memory_space<vmem>> -> memref<2x128xi32, #tpu.memory_space<vmem>>
      %dma_wait3A_60 = arith.constant 0 : i32
      %dma_wait3A_61 = arith.constant 0 : i32
      %dma_wait3A_62 = tpu.memref_slice %arg2[%add3A, %run_scoped3A, %dma_wait3A_60, %dma_wait3A_61] : memref<32x79x2x128xi32, #tpu.memory_space<hbm>> -> memref<1x1x2x128xi32, #tpu.memory_space<hbm>>
      %dma_wait3A_63 = tpu.memref_squeeze %dma_wait3A_62 : memref<1x1x2x128xi32, #tpu.memory_space<hbm>> -> memref<2x128xi32, #tpu.memory_space<hbm>>
      %dma_wait3A_64 = arith.constant 0 : i32
      %dma_wait3A_65 = arith.constant 0 : i32
      %dma_wait3A_66 = tpu.memref_slice %arg6[%run_scoped3A_5, %dma_wait3A_64, %dma_wait3A_65] : memref<2x2x128xi32, #tpu.memory_space<vmem>> -> memref<1x2x128xi32, #tpu.memory_space<vmem>>
      %dma_wait3A_67 = tpu.memref_squeeze %dma_wait3A_66 : memref<1x2x128xi32, #tpu.memory_space<vmem>> -> memref<2x128xi32, #tpu.memory_space<vmem>>
      %dma_wait3A_68 = arith.constant 0 : i32
      %dma_wait3A_69 = arith.constant 0 : i32
      %dma_wait3A_70 = tpu.memref_slice %arg2[%add3A, %run_scoped3A, %dma_wait3A_68, %dma_wait3A_69] : memref<32x79x2x128xi32, #tpu.memory_space<hbm>> -> memref<1x1x2x128xi32, #tpu.memory_space<hbm>>
      %dma_wait3A_71 = tpu.memref_squeeze %dma_wait3A_70 : memref<1x1x2x128xi32, #tpu.memory_space<hbm>> -> memref<2x128xi32, #tpu.memory_space<hbm>>
      tpu.wait_dma2 semaphore(%run_scoped3A_39 : memref<!tpu.dma_semaphore, #tpu.memory_space<semaphore_mem>>) src(%dma_wait3A_71 : memref<2x128xi32, #tpu.memory_space<hbm>>) dst(%dma_wait3A_67 : memref<2x128xi32, #tpu.memory_space<vmem>>)
      tpu.yield
    }) : () -> ()
    %dma_start3A = arith.constant 0 : i32
    %dma_start3A_6 = arith.constant 0 : i32
    %dma_start3A_7 = arith.constant 0 : i32
    %dma_start3A_8 = tpu.memref_slice %arg7[%dma_start3A, %dma_start3A_6, %dma_start3A_7] : memref<2x128x128xf32, #tpu.memory_space<vmem>> -> memref<1x128x128xf32, #tpu.memory_space<vmem>>
    %dma_start3A_9 = tpu.memref_squeeze %dma_start3A_8 : memref<1x128x128xf32, #tpu.memory_space<vmem>> -> memref<128x128xf32, #tpu.memory_space<vmem>>
    %dma_start3A_10 = arith.constant 0 : i32
    %dma_start3A_11 = tpu.memref_slice %arg3[%mul3A_4, %dma_start3A_10] : memref<323584x128xf32, #tpu.memory_space<hbm>> -> memref<128x128xf32, #tpu.memory_space<hbm>>
    %dma_start3A_12 = arith.constant 0 : i32
    %dma_start3A_13 = arith.constant 0 : i32
    %dma_start3A_14 = tpu.memref_slice %arg7[%dma_start3A, %dma_start3A_12, %dma_start3A_13] : memref<2x128x128xf32, #tpu.memory_space<vmem>> -> memref<1x128x128xf32, #tpu.memory_space<vmem>>
    %dma_start3A_15 = tpu.memref_squeeze %dma_start3A_14 : memref<1x128x128xf32, #tpu.memory_space<vmem>> -> memref<128x128xf32, #tpu.memory_space<vmem>>
    %dma_start3A_16 = arith.constant 0 : i32
    %dma_start3A_17 = tpu.memref_slice %arg3[%mul3A_4, %dma_start3A_16] : memref<323584x128xf32, #tpu.memory_space<hbm>> -> memref<128x128xf32, #tpu.memory_space<hbm>>
    tpu.enqueue_dma source(%dma_start3A_17 : memref<128x128xf32, #tpu.memory_space<hbm>>) target(%dma_start3A_15 : memref<128x128xf32, #tpu.memory_space<vmem>>) target_semaphore(%arg9 : memref<!tpu.dma_semaphore, #tpu.memory_space<semaphore_mem>>)
    %scan3A = arith.constant 0 : i32
    %scan3A_18 = arith.constant 0 : i32
    %scan3A_19 = arith.constant 39 : i32
    %scan3A_20 = arith.addi %scan3A_18, %scan3A_19 : i32
    %scan3A_21 = arith.constant 1 : i32
    scf.for %scan3A_39 = %scan3A_18 to %scan3A_20 step %scan3A_21  : i32 {
      %mul3A_40 = arith.constant 2 : i32
      %mul3A_41 = arith.muli %scan3A_39, %mul3A_40 : i32
      %add3A_42 = arith.constant 0 : i32
      %add3A_43 = arith.addi %mul3A_41, %add3A_42 : i32
      %add3A_44 = arith.constant 1 : i32
      %add3A_45 = arith.addi %add3A_43, %add3A_44 : i32
      %mul3A_46 = arith.constant 128 : i32
      %mul3A_47 = arith.muli %add3A_45, %mul3A_46 : i32
      %add3A_48 = arith.addi %mul3A_4, %mul3A_47 : i32
      %dma_start3A_49 = arith.constant 1 : i32
      %dma_start3A_50 = arith.constant 0 : i32
      %dma_start3A_51 = arith.constant 0 : i32
      %dma_start3A_52 = tpu.memref_slice %arg7[%dma_start3A_49, %dma_start3A_50, %dma_start3A_51] : memref<2x128x128xf32, #tpu.memory_space<vmem>> -> memref<1x128x128xf32, #tpu.memory_space<vmem>>
      %dma_start3A_53 = tpu.memref_squeeze %dma_start3A_52 : memref<1x128x128xf32, #tpu.memory_space<vmem>> -> memref<128x128xf32, #tpu.memory_space<vmem>>
      %dma_start3A_54 = arith.constant 0 : i32
      %dma_start3A_55 = tpu.memref_slice %arg3[%add3A_48, %dma_start3A_54] : memref<323584x128xf32, #tpu.memory_space<hbm>> -> memref<128x128xf32, #tpu.memory_space<hbm>>
      %dma_start3A_56 = arith.constant 0 : i32
      %dma_start3A_57 = arith.constant 0 : i32
      %dma_start3A_58 = tpu.memref_slice %arg7[%dma_start3A_49, %dma_start3A_56, %dma_start3A_57] : memref<2x128x128xf32, #tpu.memory_space<vmem>> -> memref<1x128x128xf32, #tpu.memory_space<vmem>>
      %dma_start3A_59 = tpu.memref_squeeze %dma_start3A_58 : memref<1x128x128xf32, #tpu.memory_space<vmem>> -> memref<128x128xf32, #tpu.memory_space<vmem>>
      %dma_start3A_60 = arith.constant 0 : i32
      %dma_start3A_61 = tpu.memref_slice %arg3[%add3A_48, %dma_start3A_60] : memref<323584x128xf32, #tpu.memory_space<hbm>> -> memref<128x128xf32, #tpu.memory_space<hbm>>
      tpu.enqueue_dma source(%dma_start3A_61 : memref<128x128xf32, #tpu.memory_space<hbm>>) target(%dma_start3A_59 : memref<128x128xf32, #tpu.memory_space<vmem>>) target_semaphore(%arg10 : memref<!tpu.dma_semaphore, #tpu.memory_space<semaphore_mem>>)
      %add3A_62 = arith.constant 1 : i32
      %add3A_63 = arith.addi %add3A_43, %add3A_62 : i32
      %run_scoped3A_64 = arith.constant 1 : i32
      "tpu.region"() ({
        %run_scoped3A_122 = tpu.sem_alloc : memref<!tpu.dma_semaphore, #tpu.memory_space<semaphore_mem>>
        %dma_start3A_123 = arith.constant 0 : i32
        %dma_start3A_124 = arith.constant 0 : i32
        %dma_start3A_125 = tpu.memref_slice %arg6[%run_scoped3A_64, %dma_start3A_123, %dma_start3A_124] : memref<2x2x128xi32, #tpu.memory_space<vmem>> -> memref<1x2x128xi32, #tpu.memory_space<vmem>>
        %dma_start3A_126 = tpu.memref_squeeze %dma_start3A_125 : memref<1x2x128xi32, #tpu.memory_space<vmem>> -> memref<2x128xi32, #tpu.memory_space<vmem>>
        %dma_start3A_127 = arith.constant 0 : i32
        %dma_start3A_128 = arith.constant 0 : i32
        %dma_start3A_129 = tpu.memref_slice %arg2[%add3A, %add3A_63, %dma_start3A_127, %dma_start3A_128] : memref<32x79x2x128xi32, #tpu.memory_space<hbm>> -> memref<1x1x2x128xi32, #tpu.memory_space<hbm>>
        %dma_start3A_130 = tpu.memref_squeeze %dma_start3A_129 : memref<1x1x2x128xi32, #tpu.memory_space<hbm>> -> memref<2x128xi32, #tpu.memory_space<hbm>>
        %dma_start3A_131 = arith.constant 0 : i32
        %dma_start3A_132 = arith.constant 0 : i32
        %dma_start3A_133 = tpu.memref_slice %arg6[%run_scoped3A_64, %dma_start3A_131, %dma_start3A_132] : memref<2x2x128xi32, #tpu.memory_space<vmem>> -> memref<1x2x128xi32, #tpu.memory_space<vmem>>
        %dma_start3A_134 = tpu.memref_squeeze %dma_start3A_133 : memref<1x2x128xi32, #tpu.memory_space<vmem>> -> memref<2x128xi32, #tpu.memory_space<vmem>>
        %dma_start3A_135 = arith.constant 0 : i32
        %dma_start3A_136 = arith.constant 0 : i32
        %dma_start3A_137 = tpu.memref_slice %arg2[%add3A, %add3A_63, %dma_start3A_135, %dma_start3A_136] : memref<32x79x2x128xi32, #tpu.memory_space<hbm>> -> memref<1x1x2x128xi32, #tpu.memory_space<hbm>>
        %dma_start3A_138 = tpu.memref_squeeze %dma_start3A_137 : memref<1x1x2x128xi32, #tpu.memory_space<hbm>> -> memref<2x128xi32, #tpu.memory_space<hbm>>
        tpu.enqueue_dma source(%dma_start3A_138 : memref<2x128xi32, #tpu.memory_space<hbm>>) target(%dma_start3A_134 : memref<2x128xi32, #tpu.memory_space<vmem>>) target_semaphore(%run_scoped3A_122 : memref<!tpu.dma_semaphore, #tpu.memory_space<semaphore_mem>>)
        %dma_wait3A_139 = arith.constant 0 : i32
        %dma_wait3A_140 = arith.constant 0 : i32
        %dma_wait3A_141 = tpu.memref_slice %arg6[%run_scoped3A_64, %dma_wait3A_139, %dma_wait3A_140] : memref<2x2x128xi32, #tpu.memory_space<vmem>> -> memref<1x2x128xi32, #tpu.memory_space<vmem>>
        %dma_wait3A_142 = tpu.memref_squeeze %dma_wait3A_141 : memref<1x2x128xi32, #tpu.memory_space<vmem>> -> memref<2x128xi32, #tpu.memory_space<vmem>>
        %dma_wait3A_143 = arith.constant 0 : i32
        %dma_wait3A_144 = arith.constant 0 : i32
        %dma_wait3A_145 = tpu.memref_slice %arg2[%add3A, %add3A_63, %dma_wait3A_143, %dma_wait3A_144] : memref<32x79x2x128xi32, #tpu.memory_space<hbm>> -> memref<1x1x2x128xi32, #tpu.memory_space<hbm>>
        %dma_wait3A_146 = tpu.memref_squeeze %dma_wait3A_145 : memref<1x1x2x128xi32, #tpu.memory_space<hbm>> -> memref<2x128xi32, #tpu.memory_space<hbm>>
        %dma_wait3A_147 = arith.constant 0 : i32
        %dma_wait3A_148 = arith.constant 0 : i32
        %dma_wait3A_149 = tpu.memref_slice %arg6[%run_scoped3A_64, %dma_wait3A_147, %dma_wait3A_148] : memref<2x2x128xi32, #tpu.memory_space<vmem>> -> memref<1x2x128xi32, #tpu.memory_space<vmem>>
        %dma_wait3A_150 = tpu.memref_squeeze %dma_wait3A_149 : memref<1x2x128xi32, #tpu.memory_space<vmem>> -> memref<2x128xi32, #tpu.memory_space<vmem>>
        %dma_wait3A_151 = arith.constant 0 : i32
        %dma_wait3A_152 = arith.constant 0 : i32
        %dma_wait3A_153 = tpu.memref_slice %arg2[%add3A, %add3A_63, %dma_wait3A_151, %dma_wait3A_152] : memref<32x79x2x128xi32, #tpu.memory_space<hbm>> -> memref<1x1x2x128xi32, #tpu.memory_space<hbm>>
        %dma_wait3A_154 = tpu.memref_squeeze %dma_wait3A_153 : memref<1x1x2x128xi32, #tpu.memory_space<hbm>> -> memref<2x128xi32, #tpu.memory_space<hbm>>
        tpu.wait_dma2 semaphore(%run_scoped3A_122 : memref<!tpu.dma_semaphore, #tpu.memory_space<semaphore_mem>>) src(%dma_wait3A_154 : memref<2x128xi32, #tpu.memory_space<hbm>>) dst(%dma_wait3A_150 : memref<2x128xi32, #tpu.memory_space<vmem>>)
        tpu.yield
      }) : () -> ()
      %dma_wait3A_65 = arith.constant 0 : i32
      %dma_wait3A_66 = arith.constant 0 : i32
      %dma_wait3A_67 = arith.constant 0 : i32
      %dma_wait3A_68 = tpu.memref_slice %arg7[%dma_wait3A_65, %dma_wait3A_66, %dma_wait3A_67] : memref<2x128x128xf32, #tpu.memory_space<vmem>> -> memref<1x128x128xf32, #tpu.memory_space<vmem>>
      %dma_wait3A_69 = tpu.memref_squeeze %dma_wait3A_68 : memref<1x128x128xf32, #tpu.memory_space<vmem>> -> memref<128x128xf32, #tpu.memory_space<vmem>>
      %dma_wait3A_70 = arith.constant 0 : i32
      %dma_wait3A_71 = tpu.memref_slice %arg3[%mul3A_4, %dma_wait3A_70] : memref<323584x128xf32, #tpu.memory_space<hbm>> -> memref<128x128xf32, #tpu.memory_space<hbm>>
      %dma_wait3A_72 = arith.constant 0 : i32
      %dma_wait3A_73 = arith.constant 0 : i32
      %dma_wait3A_74 = tpu.memref_slice %arg7[%dma_wait3A_65, %dma_wait3A_72, %dma_wait3A_73] : memref<2x128x128xf32, #tpu.memory_space<vmem>> -> memref<1x128x128xf32, #tpu.memory_space<vmem>>
      %dma_wait3A_75 = tpu.memref_squeeze %dma_wait3A_74 : memref<1x128x128xf32, #tpu.memory_space<vmem>> -> memref<128x128xf32, #tpu.memory_space<vmem>>
      %dma_wait3A_76 = arith.constant 0 : i32
      %dma_wait3A_77 = tpu.memref_slice %arg3[%mul3A_4, %dma_wait3A_76] : memref<323584x128xf32, #tpu.memory_space<hbm>> -> memref<128x128xf32, #tpu.memory_space<hbm>>
      tpu.wait_dma2 semaphore(%arg9 : memref<!tpu.dma_semaphore, #tpu.memory_space<semaphore_mem>>) src(%dma_wait3A_77 : memref<128x128xf32, #tpu.memory_space<hbm>>) dst(%dma_wait3A_75 : memref<128x128xf32, #tpu.memory_space<vmem>>)
      %run_scoped3A_78 = arith.constant 0 : i32
      %run_scoped3A_79 = arith.constant 0 : i32
      %run_scoped3A_80 = arith.constant 1 : i32
      "tpu.region"() ({
        %run_scoped3A_122 = tpu.sem_alloc : memref<!tpu.dma_semaphore, #tpu.memory_space<semaphore_mem>>
        %dma_start3A_123 = arith.constant 0 : i32
        %dma_start3A_124 = arith.constant 0 : i32
        %dma_start3A_125 = tpu.memref_slice %arg7[%run_scoped3A_78, %dma_start3A_123, %dma_start3A_124] : memref<2x128x128xf32, #tpu.memory_space<vmem>> -> memref<1x128x128xf32, #tpu.memory_space<vmem>>
        %dma_start3A_126 = tpu.memref_squeeze %dma_start3A_125 : memref<1x128x128xf32, #tpu.memory_space<vmem>> -> memref<128x128xf32, #tpu.memory_space<vmem>>
        %dma_start3A_127 = arith.constant 0 : i32
        %dma_start3A_128 = tpu.memref_slice %arg6[%run_scoped3A_79, %run_scoped3A_80, %dma_start3A_127] : memref<2x2x128xi32, #tpu.memory_space<vmem>> -> memref<1x1x128xi32, #tpu.memory_space<vmem>>
        %dma_start3A_129 = tpu.memref_squeeze %dma_start3A_128 : memref<1x1x128xi32, #tpu.memory_space<vmem>> -> memref<128xi32, #tpu.memory_space<vmem>>
        %dma_start3A_130 = arith.constant 0 : i32
        %dma_start3A_131 = arith.constant 0 : i32
        %dma_start3A_132 = tpu.memref_slice %arg8[%dma_start3A_130, %dma_start3A_131] : memref<10112x128xf32, #tpu.memory_space<vmem_shared>> -> memref<10112x128xf32, #tpu.memory_space<vmem_shared>>
        tpu.enqueue_indirect_dma source(%dma_start3A_126 : memref<128x128xf32, #tpu.memory_space<vmem>>) target(%dma_start3A_132 : memref<10112x128xf32, #tpu.memory_space<vmem_shared>>) offsets(%dma_start3A_129 : memref<128xi32, #tpu.memory_space<vmem>>) semaphore(%run_scoped3A_122 : memref<!tpu.dma_semaphore, #tpu.memory_space<semaphore_mem>>) {add = true}
        %dma_wait3A_133 = arith.constant 0 : i32
        %dma_wait3A_134 = arith.constant 0 : i32
        %dma_wait3A_135 = tpu.memref_slice %arg7[%run_scoped3A_78, %dma_wait3A_133, %dma_wait3A_134] : memref<2x128x128xf32, #tpu.memory_space<vmem>> -> memref<1x128x128xf32, #tpu.memory_space<vmem>>
        %dma_wait3A_136 = tpu.memref_squeeze %dma_wait3A_135 : memref<1x128x128xf32, #tpu.memory_space<vmem>> -> memref<128x128xf32, #tpu.memory_space<vmem>>
        %dma_wait3A_137 = arith.constant 0 : i32
        %dma_wait3A_138 = tpu.memref_slice %arg6[%run_scoped3A_79, %run_scoped3A_80, %dma_wait3A_137] : memref<2x2x128xi32, #tpu.memory_space<vmem>> -> memref<1x1x128xi32, #tpu.memory_space<vmem>>
        %dma_wait3A_139 = tpu.memref_squeeze %dma_wait3A_138 : memref<1x1x128xi32, #tpu.memory_space<vmem>> -> memref<128xi32, #tpu.memory_space<vmem>>
        %dma_wait3A_140 = arith.constant 0 : i32
        %dma_wait3A_141 = arith.constant 0 : i32
        %dma_wait3A_142 = tpu.memref_slice %arg8[%dma_wait3A_140, %dma_wait3A_141] : memref<10112x128xf32, #tpu.memory_space<vmem_shared>> -> memref<10112x128xf32, #tpu.memory_space<vmem_shared>>
        tpu.wait_indirect_dma semaphore(%run_scoped3A_122 : memref<!tpu.dma_semaphore, #tpu.memory_space<semaphore_mem>>) src(%dma_wait3A_136 : memref<128x128xf32, #tpu.memory_space<vmem>>) dst(%dma_wait3A_142 : memref<10112x128xf32, #tpu.memory_space<vmem_shared>>)
        tpu.yield
      }) : () -> ()
      %mul3A_81 = arith.constant 2 : i32
      %mul3A_82 = arith.muli %scan3A_39, %mul3A_81 : i32
      %add3A_83 = arith.constant 1 : i32
      %add3A_84 = arith.addi %mul3A_82, %add3A_83 : i32
      %add3A_85 = arith.constant 1 : i32
      %add3A_86 = arith.addi %add3A_84, %add3A_85 : i32
      %mul3A_87 = arith.constant 128 : i32
      %mul3A_88 = arith.muli %add3A_86, %mul3A_87 : i32
      %add3A_89 = arith.addi %mul3A_4, %mul3A_88 : i32
      %dma_start3A_90 = arith.constant 0 : i32
      %dma_start3A_91 = arith.constant 0 : i32
      %dma_start3A_92 = arith.constant 0 : i32
      %dma_start3A_93 = tpu.memref_slice %arg7[%dma_start3A_90, %dma_start3A_91, %dma_start3A_92] : memref<2x128x128xf32, #tpu.memory_space<vmem>> -> memref<1x128x128xf32, #tpu.memory_space<vmem>>
      %dma_start3A_94 = tpu.memref_squeeze %dma_start3A_93 : memref<1x128x128xf32, #tpu.memory_space<vmem>> -> memref<128x128xf32, #tpu.memory_space<vmem>>
      %dma_start3A_95 = arith.constant 0 : i32
      %dma_start3A_96 = tpu.memref_slice %arg3[%add3A_89, %dma_start3A_95] : memref<323584x128xf32, #tpu.memory_space<hbm>> -> memref<128x128xf32, #tpu.memory_space<hbm>>
      %dma_start3A_97 = arith.constant 0 : i32
      %dma_start3A_98 = arith.constant 0 : i32
      %dma_start3A_99 = tpu.memref_slice %arg7[%dma_start3A_90, %dma_start3A_97, %dma_start3A_98] : memref<2x128x128xf32, #tpu.memory_space<vmem>> -> memref<1x128x128xf32, #tpu.memory_space<vmem>>
      %dma_start3A_100 = tpu.memref_squeeze %dma_start3A_99 : memref<1x128x128xf32, #tpu.memory_space<vmem>> -> memref<128x128xf32, #tpu.memory_space<vmem>>
      %dma_start3A_101 = arith.constant 0 : i32
      %dma_start3A_102 = tpu.memref_slice %arg3[%add3A_89, %dma_start3A_101] : memref<323584x128xf32, #tpu.memory_space<hbm>> -> memref<128x128xf32, #tpu.memory_space<hbm>>
      tpu.enqueue_dma source(%dma_start3A_102 : memref<128x128xf32, #tpu.memory_space<hbm>>) target(%dma_start3A_100 : memref<128x128xf32, #tpu.memory_space<vmem>>) target_semaphore(%arg9 : memref<!tpu.dma_semaphore, #tpu.memory_space<semaphore_mem>>)
      %add3A_103 = arith.constant 1 : i32
      %add3A_104 = arith.addi %add3A_84, %add3A_103 : i32
      %run_scoped3A_105 = arith.constant 0 : i32
      "tpu.region"() ({
        %run_scoped3A_122 = tpu.sem_alloc : memref<!tpu.dma_semaphore, #tpu.memory_space<semaphore_mem>>
        %dma_start3A_123 = arith.constant 0 : i32
        %dma_start3A_124 = arith.constant 0 : i32
        %dma_start3A_125 = tpu.memref_slice %arg6[%run_scoped3A_105, %dma_start3A_123, %dma_start3A_124] : memref<2x2x128xi32, #tpu.memory_space<vmem>> -> memref<1x2x128xi32, #tpu.memory_space<vmem>>
        %dma_start3A_126 = tpu.memref_squeeze %dma_start3A_125 : memref<1x2x128xi32, #tpu.memory_space<vmem>> -> memref<2x128xi32, #tpu.memory_space<vmem>>
        %dma_start3A_127 = arith.constant 0 : i32
        %dma_start3A_128 = arith.constant 0 : i32
        %dma_start3A_129 = tpu.memref_slice %arg2[%add3A, %add3A_104, %dma_start3A_127, %dma_start3A_128] : memref<32x79x2x128xi32, #tpu.memory_space<hbm>> -> memref<1x1x2x128xi32, #tpu.memory_space<hbm>>
        %dma_start3A_130 = tpu.memref_squeeze %dma_start3A_129 : memref<1x1x2x128xi32, #tpu.memory_space<hbm>> -> memref<2x128xi32, #tpu.memory_space<hbm>>
        %dma_start3A_131 = arith.constant 0 : i32
        %dma_start3A_132 = arith.constant 0 : i32
        %dma_start3A_133 = tpu.memref_slice %arg6[%run_scoped3A_105, %dma_start3A_131, %dma_start3A_132] : memref<2x2x128xi32, #tpu.memory_space<vmem>> -> memref<1x2x128xi32, #tpu.memory_space<vmem>>
        %dma_start3A_134 = tpu.memref_squeeze %dma_start3A_133 : memref<1x2x128xi32, #tpu.memory_space<vmem>> -> memref<2x128xi32, #tpu.memory_space<vmem>>
        %dma_start3A_135 = arith.constant 0 : i32
        %dma_start3A_136 = arith.constant 0 : i32
        %dma_start3A_137 = tpu.memref_slice %arg2[%add3A, %add3A_104, %dma_start3A_135, %dma_start3A_136] : memref<32x79x2x128xi32, #tpu.memory_space<hbm>> -> memref<1x1x2x128xi32, #tpu.memory_space<hbm>>
        %dma_start3A_138 = tpu.memref_squeeze %dma_start3A_137 : memref<1x1x2x128xi32, #tpu.memory_space<hbm>> -> memref<2x128xi32, #tpu.memory_space<hbm>>
        tpu.enqueue_dma source(%dma_start3A_138 : memref<2x128xi32, #tpu.memory_space<hbm>>) target(%dma_start3A_134 : memref<2x128xi32, #tpu.memory_space<vmem>>) target_semaphore(%run_scoped3A_122 : memref<!tpu.dma_semaphore, #tpu.memory_space<semaphore_mem>>)
        %dma_wait3A_139 = arith.constant 0 : i32
        %dma_wait3A_140 = arith.constant 0 : i32
        %dma_wait3A_141 = tpu.memref_slice %arg6[%run_scoped3A_105, %dma_wait3A_139, %dma_wait3A_140] : memref<2x2x128xi32, #tpu.memory_space<vmem>> -> memref<1x2x128xi32, #tpu.memory_space<vmem>>
        %dma_wait3A_142 = tpu.memref_squeeze %dma_wait3A_141 : memref<1x2x128xi32, #tpu.memory_space<vmem>> -> memref<2x128xi32, #tpu.memory_space<vmem>>
        %dma_wait3A_143 = arith.constant 0 : i32
        %dma_wait3A_144 = arith.constant 0 : i32
        %dma_wait3A_145 = tpu.memref_slice %arg2[%add3A, %add3A_104, %dma_wait3A_143, %dma_wait3A_144] : memref<32x79x2x128xi32, #tpu.memory_space<hbm>> -> memref<1x1x2x128xi32, #tpu.memory_space<hbm>>
        %dma_wait3A_146 = tpu.memref_squeeze %dma_wait3A_145 : memref<1x1x2x128xi32, #tpu.memory_space<hbm>> -> memref<2x128xi32, #tpu.memory_space<hbm>>
        %dma_wait3A_147 = arith.constant 0 : i32
        %dma_wait3A_148 = arith.constant 0 : i32
        %dma_wait3A_149 = tpu.memref_slice %arg6[%run_scoped3A_105, %dma_wait3A_147, %dma_wait3A_148] : memref<2x2x128xi32, #tpu.memory_space<vmem>> -> memref<1x2x128xi32, #tpu.memory_space<vmem>>
        %dma_wait3A_150 = tpu.memref_squeeze %dma_wait3A_149 : memref<1x2x128xi32, #tpu.memory_space<vmem>> -> memref<2x128xi32, #tpu.memory_space<vmem>>
        %dma_wait3A_151 = arith.constant 0 : i32
        %dma_wait3A_152 = arith.constant 0 : i32
        %dma_wait3A_153 = tpu.memref_slice %arg2[%add3A, %add3A_104, %dma_wait3A_151, %dma_wait3A_152] : memref<32x79x2x128xi32, #tpu.memory_space<hbm>> -> memref<1x1x2x128xi32, #tpu.memory_space<hbm>>
        %dma_wait3A_154 = tpu.memref_squeeze %dma_wait3A_153 : memref<1x1x2x128xi32, #tpu.memory_space<hbm>> -> memref<2x128xi32, #tpu.memory_space<hbm>>
        tpu.wait_dma2 semaphore(%run_scoped3A_122 : memref<!tpu.dma_semaphore, #tpu.memory_space<semaphore_mem>>) src(%dma_wait3A_154 : memref<2x128xi32, #tpu.memory_space<hbm>>) dst(%dma_wait3A_150 : memref<2x128xi32, #tpu.memory_space<vmem>>)
        tpu.yield
      }) : () -> ()
      %dma_wait3A_106 = arith.constant 1 : i32
      %dma_wait3A_107 = arith.constant 0 : i32
      %dma_wait3A_108 = arith.constant 0 : i32
      %dma_wait3A_109 = tpu.memref_slice %arg7[%dma_wait3A_106, %dma_wait3A_107, %dma_wait3A_108] : memref<2x128x128xf32, #tpu.memory_space<vmem>> -> memref<1x128x128xf32, #tpu.memory_space<vmem>>
      %dma_wait3A_110 = tpu.memref_squeeze %dma_wait3A_109 : memref<1x128x128xf32, #tpu.memory_space<vmem>> -> memref<128x128xf32, #tpu.memory_space<vmem>>
      %dma_wait3A_111 = arith.constant 0 : i32
      %dma_wait3A_112 = tpu.memref_slice %arg3[%mul3A_4, %dma_wait3A_111] : memref<323584x128xf32, #tpu.memory_space<hbm>> -> memref<128x128xf32, #tpu.memory_space<hbm>>
      %dma_wait3A_113 = arith.constant 0 : i32
      %dma_wait3A_114 = arith.constant 0 : i32
      %dma_wait3A_115 = tpu.memref_slice %arg7[%dma_wait3A_106, %dma_wait3A_113, %dma_wait3A_114] : memref<2x128x128xf32, #tpu.memory_space<vmem>> -> memref<1x128x128xf32, #tpu.memory_space<vmem>>
      %dma_wait3A_116 = tpu.memref_squeeze %dma_wait3A_115 : memref<1x128x128xf32, #tpu.memory_space<vmem>> -> memref<128x128xf32, #tpu.memory_space<vmem>>
      %dma_wait3A_117 = arith.constant 0 : i32
      %dma_wait3A_118 = tpu.memref_slice %arg3[%mul3A_4, %dma_wait3A_117] : memref<323584x128xf32, #tpu.memory_space<hbm>> -> memref<128x128xf32, #tpu.memory_space<hbm>>
      tpu.wait_dma2 semaphore(%arg10 : memref<!tpu.dma_semaphore, #tpu.memory_space<semaphore_mem>>) src(%dma_wait3A_118 : memref<128x128xf32, #tpu.memory_space<hbm>>) dst(%dma_wait3A_116 : memref<128x128xf32, #tpu.memory_space<vmem>>)
      %run_scoped3A_119 = arith.constant 1 : i32
      %run_scoped3A_120 = arith.constant 1 : i32
      %run_scoped3A_121 = arith.constant 1 : i32
      "tpu.region"() ({
        %run_scoped3A_122 = tpu.sem_alloc : memref<!tpu.dma_semaphore, #tpu.memory_space<semaphore_mem>>
        %dma_start3A_123 = arith.constant 0 : i32
        %dma_start3A_124 = arith.constant 0 : i32
        %dma_start3A_125 = tpu.memref_slice %arg7[%run_scoped3A_119, %dma_start3A_123, %dma_start3A_124] : memref<2x128x128xf32, #tpu.memory_space<vmem>> -> memref<1x128x128xf32, #tpu.memory_space<vmem>>
        %dma_start3A_126 = tpu.memref_squeeze %dma_start3A_125 : memref<1x128x128xf32, #tpu.memory_space<vmem>> -> memref<128x128xf32, #tpu.memory_space<vmem>>
        %dma_start3A_127 = arith.constant 0 : i32
        %dma_start3A_128 = tpu.memref_slice %arg6[%run_scoped3A_120, %run_scoped3A_121, %dma_start3A_127] : memref<2x2x128xi32, #tpu.memory_space<vmem>> -> memref<1x1x128xi32, #tpu.memory_space<vmem>>
        %dma_start3A_129 = tpu.memref_squeeze %dma_start3A_128 : memref<1x1x128xi32, #tpu.memory_space<vmem>> -> memref<128xi32, #tpu.memory_space<vmem>>
        %dma_start3A_130 = arith.constant 0 : i32
        %dma_start3A_131 = arith.constant 0 : i32
        %dma_start3A_132 = tpu.memref_slice %arg8[%dma_start3A_130, %dma_start3A_131] : memref<10112x128xf32, #tpu.memory_space<vmem_shared>> -> memref<10112x128xf32, #tpu.memory_space<vmem_shared>>
        tpu.enqueue_indirect_dma source(%dma_start3A_126 : memref<128x128xf32, #tpu.memory_space<vmem>>) target(%dma_start3A_132 : memref<10112x128xf32, #tpu.memory_space<vmem_shared>>) offsets(%dma_start3A_129 : memref<128xi32, #tpu.memory_space<vmem>>) semaphore(%run_scoped3A_122 : memref<!tpu.dma_semaphore, #tpu.memory_space<semaphore_mem>>) {add = true}
        %dma_wait3A_133 = arith.constant 0 : i32
        %dma_wait3A_134 = arith.constant 0 : i32
        %dma_wait3A_135 = tpu.memref_slice %arg7[%run_scoped3A_119, %dma_wait3A_133, %dma_wait3A_134] : memref<2x128x128xf32, #tpu.memory_space<vmem>> -> memref<1x128x128xf32, #tpu.memory_space<vmem>>
        %dma_wait3A_136 = tpu.memref_squeeze %dma_wait3A_135 : memref<1x128x128xf32, #tpu.memory_space<vmem>> -> memref<128x128xf32, #tpu.memory_space<vmem>>
        %dma_wait3A_137 = arith.constant 0 : i32
        %dma_wait3A_138 = tpu.memref_slice %arg6[%run_scoped3A_120, %run_scoped3A_121, %dma_wait3A_137] : memref<2x2x128xi32, #tpu.memory_space<vmem>> -> memref<1x1x128xi32, #tpu.memory_space<vmem>>
        %dma_wait3A_139 = tpu.memref_squeeze %dma_wait3A_138 : memref<1x1x128xi32, #tpu.memory_space<vmem>> -> memref<128xi32, #tpu.memory_space<vmem>>
        %dma_wait3A_140 = arith.constant 0 : i32
        %dma_wait3A_141 = arith.constant 0 : i32
        %dma_wait3A_142 = tpu.memref_slice %arg8[%dma_wait3A_140, %dma_wait3A_141] : memref<10112x128xf32, #tpu.memory_space<vmem_shared>> -> memref<10112x128xf32, #tpu.memory_space<vmem_shared>>
        tpu.wait_indirect_dma semaphore(%run_scoped3A_122 : memref<!tpu.dma_semaphore, #tpu.memory_space<semaphore_mem>>) src(%dma_wait3A_136 : memref<128x128xf32, #tpu.memory_space<vmem>>) dst(%dma_wait3A_142 : memref<10112x128xf32, #tpu.memory_space<vmem_shared>>)
        tpu.yield
      }) : () -> ()
    }
    %scan3A_22 = arith.constant 39 : i32
    %dma_wait3A = arith.constant 0 : i32
    %dma_wait3A_23 = arith.constant 0 : i32
    %dma_wait3A_24 = arith.constant 0 : i32
    %dma_wait3A_25 = tpu.memref_slice %arg7[%dma_wait3A, %dma_wait3A_23, %dma_wait3A_24] : memref<2x128x128xf32, #tpu.memory_space<vmem>> -> memref<1x128x128xf32, #tpu.memory_space<vmem>>
    %dma_wait3A_26 = tpu.memref_squeeze %dma_wait3A_25 : memref<1x128x128xf32, #tpu.memory_space<vmem>> -> memref<128x128xf32, #tpu.memory_space<vmem>>
    %dma_wait3A_27 = arith.constant 0 : i32
    %dma_wait3A_28 = tpu.memref_slice %arg3[%mul3A_4, %dma_wait3A_27] : memref<323584x128xf32, #tpu.memory_space<hbm>> -> memref<128x128xf32, #tpu.memory_space<hbm>>
    %dma_wait3A_29 = arith.constant 0 : i32
    %dma_wait3A_30 = arith.constant 0 : i32
    %dma_wait3A_31 = tpu.memref_slice %arg7[%dma_wait3A, %dma_wait3A_29, %dma_wait3A_30] : memref<2x128x128xf32, #tpu.memory_space<vmem>> -> memref<1x128x128xf32, #tpu.memory_space<vmem>>
    %dma_wait3A_32 = tpu.memref_squeeze %dma_wait3A_31 : memref<1x128x128xf32, #tpu.memory_space<vmem>> -> memref<128x128xf32, #tpu.memory_space<vmem>>
    %dma_wait3A_33 = arith.constant 0 : i32
    %dma_wait3A_34 = tpu.memref_slice %arg3[%mul3A_4, %dma_wait3A_33] : memref<323584x128xf32, #tpu.memory_space<hbm>> -> memref<128x128xf32, #tpu.memory_space<hbm>>
    tpu.wait_dma2 semaphore(%arg9 : memref<!tpu.dma_semaphore, #tpu.memory_space<semaphore_mem>>) src(%dma_wait3A_34 : memref<128x128xf32, #tpu.memory_space<hbm>>) dst(%dma_wait3A_32 : memref<128x128xf32, #tpu.memory_space<vmem>>)
    %run_scoped3A_35 = arith.constant 0 : i32
    %run_scoped3A_36 = arith.constant 0 : i32
    %run_scoped3A_37 = arith.constant 1 : i32
    "tpu.region"() ({
      %run_scoped3A_39 = tpu.sem_alloc : memref<!tpu.dma_semaphore, #tpu.memory_space<semaphore_mem>>
      %dma_start3A_40 = arith.constant 0 : i32
      %dma_start3A_41 = arith.constant 0 : i32
      %dma_start3A_42 = tpu.memref_slice %arg7[%run_scoped3A_35, %dma_start3A_40, %dma_start3A_41] : memref<2x128x128xf32, #tpu.memory_space<vmem>> -> memref<1x128x128xf32, #tpu.memory_space<vmem>>
      %dma_start3A_43 = tpu.memref_squeeze %dma_start3A_42 : memref<1x128x128xf32, #tpu.memory_space<vmem>> -> memref<128x128xf32, #tpu.memory_space<vmem>>
      %dma_start3A_44 = arith.constant 0 : i32
      %dma_start3A_45 = tpu.memref_slice %arg6[%run_scoped3A_36, %run_scoped3A_37, %dma_start3A_44] : memref<2x2x128xi32, #tpu.memory_space<vmem>> -> memref<1x1x128xi32, #tpu.memory_space<vmem>>
      %dma_start3A_46 = tpu.memref_squeeze %dma_start3A_45 : memref<1x1x128xi32, #tpu.memory_space<vmem>> -> memref<128xi32, #tpu.memory_space<vmem>>
      %dma_start3A_47 = arith.constant 0 : i32
      %dma_start3A_48 = arith.constant 0 : i32
      %dma_start3A_49 = tpu.memref_slice %arg8[%dma_start3A_47, %dma_start3A_48] : memref<10112x128xf32, #tpu.memory_space<vmem_shared>> -> memref<10112x128xf32, #tpu.memory_space<vmem_shared>>
      tpu.enqueue_indirect_dma source(%dma_start3A_43 : memref<128x128xf32, #tpu.memory_space<vmem>>) target(%dma_start3A_49 : memref<10112x128xf32, #tpu.memory_space<vmem_shared>>) offsets(%dma_start3A_46 : memref<128xi32, #tpu.memory_space<vmem>>) semaphore(%run_scoped3A_39 : memref<!tpu.dma_semaphore, #tpu.memory_space<semaphore_mem>>) {add = true}
      %dma_wait3A_50 = arith.constant 0 : i32
      %dma_wait3A_51 = arith.constant 0 : i32
      %dma_wait3A_52 = tpu.memref_slice %arg7[%run_scoped3A_35, %dma_wait3A_50, %dma_wait3A_51] : memref<2x128x128xf32, #tpu.memory_space<vmem>> -> memref<1x128x128xf32, #tpu.memory_space<vmem>>
      %dma_wait3A_53 = tpu.memref_squeeze %dma_wait3A_52 : memref<1x128x128xf32, #tpu.memory_space<vmem>> -> memref<128x128xf32, #tpu.memory_space<vmem>>
      %dma_wait3A_54 = arith.constant 0 : i32
      %dma_wait3A_55 = tpu.memref_slice %arg6[%run_scoped3A_36, %run_scoped3A_37, %dma_wait3A_54] : memref<2x2x128xi32, #tpu.memory_space<vmem>> -> memref<1x1x128xi32, #tpu.memory_space<vmem>>
      %dma_wait3A_56 = tpu.memref_squeeze %dma_wait3A_55 : memref<1x1x128xi32, #tpu.memory_space<vmem>> -> memref<128xi32, #tpu.memory_space<vmem>>
      %dma_wait3A_57 = arith.constant 0 : i32
      %dma_wait3A_58 = arith.constant 0 : i32
      %dma_wait3A_59 = tpu.memref_slice %arg8[%dma_wait3A_57, %dma_wait3A_58] : memref<10112x128xf32, #tpu.memory_space<vmem_shared>> -> memref<10112x128xf32, #tpu.memory_space<vmem_shared>>
      tpu.wait_indirect_dma semaphore(%run_scoped3A_39 : memref<!tpu.dma_semaphore, #tpu.memory_space<semaphore_mem>>) src(%dma_wait3A_53 : memref<128x128xf32, #tpu.memory_space<vmem>>) dst(%dma_wait3A_59 : memref<10112x128xf32, #tpu.memory_space<vmem_shared>>)
      tpu.yield
    }) : () -> ()
    %barrier3A_38 = arith.constant 0 : index
    tpu.barrier barrier_id(%barrier3A_38)
    "tpu.region"() ({
      %run_scoped3A_39 = tpu.sem_alloc : memref<!tpu.dma_semaphore, #tpu.memory_space<semaphore_mem>>
      %dma_start3A_40 = arith.constant 0 : i32
      %dma_start3A_41 = tpu.memref_slice %arg5[%arg0, %mul3A_2, %dma_start3A_40] : memref<2x10112x128xf32, #tpu.memory_space<hbm>> -> memref<1x632x128xf32, #tpu.memory_space<hbm>>
      %dma_start3A_42 = tpu.memref_squeeze %dma_start3A_41 : memref<1x632x128xf32, #tpu.memory_space<hbm>> -> memref<632x128xf32, #tpu.memory_space<hbm>>
      %dma_start3A_43 = arith.constant 0 : i32
      %dma_start3A_44 = tpu.memref_slice %arg8[%mul3A_2, %dma_start3A_43] : memref<10112x128xf32, #tpu.memory_space<vmem_shared>> -> memref<632x128xf32, #tpu.memory_space<vmem_shared>>
      tpu.enqueue_dma source(%dma_start3A_44 : memref<632x128xf32, #tpu.memory_space<vmem_shared>>) target(%dma_start3A_42 : memref<632x128xf32, #tpu.memory_space<hbm>>) target_semaphore(%run_scoped3A_39 : memref<!tpu.dma_semaphore, #tpu.memory_space<semaphore_mem>>)
      %dma_wait3A_45 = arith.constant 0 : i32
      %dma_wait3A_46 = tpu.memref_slice %arg5[%arg0, %mul3A_2, %dma_wait3A_45] : memref<2x10112x128xf32, #tpu.memory_space<hbm>> -> memref<1x632x128xf32, #tpu.memory_space<hbm>>
      %dma_wait3A_47 = tpu.memref_squeeze %dma_wait3A_46 : memref<1x632x128xf32, #tpu.memory_space<hbm>> -> memref<632x128xf32, #tpu.memory_space<hbm>>
      %dma_wait3A_48 = arith.constant 0 : i32
      %dma_wait3A_49 = tpu.memref_slice %arg8[%mul3A_2, %dma_wait3A_48] : memref<10112x128xf32, #tpu.memory_space<vmem_shared>> -> memref<632x128xf32, #tpu.memory_space<vmem_shared>>
      tpu.wait_dma2 semaphore(%run_scoped3A_39 : memref<!tpu.dma_semaphore, #tpu.memory_space<semaphore_mem>>) src(%dma_wait3A_49 : memref<632x128xf32, #tpu.memory_space<vmem_shared>>) dst(%dma_wait3A_47 : memref<632x128xf32, #tpu.memory_space<hbm>>)
      tpu.yield
    }) : () -> ()
    return
  }
}

#map = affine_map<(d0, d1) -> (0, 0, 0, 0)>
#map1 = affine_map<(d0, d1) -> (0, 0)>
#map2 = affine_map<(d0, d1) -> (0, 0, 0)>
module attributes {stable_mosaic.version = 14 : i64} {
  func.func @_sc_seg(%arg0: i32, %arg1: i32, %arg2: memref<32x157x2x128xi32, #tpu.memory_space<hbm>>, %arg3: memref<10000x128xf32, #tpu.memory_space<hbm>>, %arg4: memref<10112x128xf32, #tpu.memory_space<hbm>>, %arg5: memref<2x10112x128xf32, #tpu.memory_space<hbm>>, %arg6: memref<2x2x128xi32, #tpu.memory_space<vmem>>, %arg7: memref<2x128x128xf32, #tpu.memory_space<vmem>>, %arg8: memref<10112x128xf32, #tpu.memory_space<vmem_shared>>, %arg9: memref<!tpu.dma_semaphore, #tpu.memory_space<semaphore_mem>>, %arg10: memref<!tpu.dma_semaphore, #tpu.memory_space<semaphore_mem>>) attributes {dimension_semantics = [#tpu.dimension_semantics<core_parallel>, #tpu.dimension_semantics<subcore_parallel>], iteration_bounds = array<i64: 2, 16>, scalar_prefetch = 0 : i64, scratch_operands = 5 : i64, tpu.core_type = #tpu.core_type<sc_vector_subcore>, window_params = [{transform_indices = #map}, {transform_indices = #map1}, {transform_indices = #map1}, {transform_indices = #map2}]} {
    %mul3A = arith.constant 16 : i32
    %mul3A_0 = arith.muli %arg0, %mul3A : i32
    %add3A = arith.addi %mul3A_0, %arg1 : i32
    %mul3A_1 = arith.constant 632 : i32
    %mul3A_2 = arith.muli %arg1, %mul3A_1 : i32
    "tpu.region"() ({
      %run_scoped3A = tpu.sem_alloc : memref<!tpu.dma_semaphore, #tpu.memory_space<semaphore_mem>>
      %dma_start3A = arith.constant 0 : i32
      %dma_start3A_11 = tpu.memref_slice %arg8[%mul3A_2, %dma_start3A] : memref<10112x128xf32, #tpu.memory_space<vmem_shared>> -> memref<632x128xf32, #tpu.memory_space<vmem_shared>>
      %dma_start3A_12 = arith.constant 0 : i32
      %dma_start3A_13 = tpu.memref_slice %arg4[%mul3A_2, %dma_start3A_12] : memref<10112x128xf32, #tpu.memory_space<hbm>> -> memref<632x128xf32, #tpu.memory_space<hbm>>
      tpu.enqueue_dma source(%dma_start3A_13 : memref<632x128xf32, #tpu.memory_space<hbm>>) target(%dma_start3A_11 : memref<632x128xf32, #tpu.memory_space<vmem_shared>>) target_semaphore(%run_scoped3A : memref<!tpu.dma_semaphore, #tpu.memory_space<semaphore_mem>>)
      %dma_wait3A = arith.constant 0 : i32
      %dma_wait3A_14 = tpu.memref_slice %arg8[%mul3A_2, %dma_wait3A] : memref<10112x128xf32, #tpu.memory_space<vmem_shared>> -> memref<632x128xf32, #tpu.memory_space<vmem_shared>>
      %dma_wait3A_15 = arith.constant 0 : i32
      %dma_wait3A_16 = tpu.memref_slice %arg4[%mul3A_2, %dma_wait3A_15] : memref<10112x128xf32, #tpu.memory_space<hbm>> -> memref<632x128xf32, #tpu.memory_space<hbm>>
      tpu.wait_dma2 semaphore(%run_scoped3A : memref<!tpu.dma_semaphore, #tpu.memory_space<semaphore_mem>>) src(%dma_wait3A_16 : memref<632x128xf32, #tpu.memory_space<hbm>>) dst(%dma_wait3A_14 : memref<632x128xf32, #tpu.memory_space<vmem_shared>>)
      tpu.yield
    }) : () -> ()
    %barrier3A = arith.constant 0 : index
    tpu.barrier barrier_id(%barrier3A)
    %eq3A = arith.constant 0 : i32
    %eq3A_3 = arith.cmpi eq, %arg0, %eq3A : i32
    %convert_element_type3A = arith.extui %eq3A_3 : i1 to i32
    %cond3A = arith.constant 0 : i32
    %cond3A_4 = arith.cmpi ne, %convert_element_type3A, %cond3A : i32
    scf.if %cond3A_4 {
      %run_scoped3A = arith.constant 0 : i32
      %run_scoped3A_11 = arith.constant 0 : i32
      "tpu.region"() ({
        %run_scoped3A_44 = tpu.sem_alloc : memref<!tpu.dma_semaphore, #tpu.memory_space<semaphore_mem>>
        %dma_start3A_45 = arith.constant 0 : i32
        %dma_start3A_46 = arith.constant 0 : i32
        %dma_start3A_47 = tpu.memref_slice %arg6[%run_scoped3A_11, %dma_start3A_45, %dma_start3A_46] : memref<2x2x128xi32, #tpu.memory_space<vmem>> -> memref<1x2x128xi32, #tpu.memory_space<vmem>>
        %dma_start3A_48 = tpu.memref_squeeze %dma_start3A_47 : memref<1x2x128xi32, #tpu.memory_space<vmem>> -> memref<2x128xi32, #tpu.memory_space<vmem>>
        %dma_start3A_49 = arith.constant 0 : i32
        %dma_start3A_50 = arith.constant 0 : i32
        %dma_start3A_51 = tpu.memref_slice %arg2[%add3A, %run_scoped3A, %dma_start3A_49, %dma_start3A_50] : memref<32x157x2x128xi32, #tpu.memory_space<hbm>> -> memref<1x1x2x128xi32, #tpu.memory_space<hbm>>
        %dma_start3A_52 = tpu.memref_squeeze %dma_start3A_51 : memref<1x1x2x128xi32, #tpu.memory_space<hbm>> -> memref<2x128xi32, #tpu.memory_space<hbm>>
        %dma_start3A_53 = arith.constant 0 : i32
        %dma_start3A_54 = arith.constant 0 : i32
        %dma_start3A_55 = tpu.memref_slice %arg6[%run_scoped3A_11, %dma_start3A_53, %dma_start3A_54] : memref<2x2x128xi32, #tpu.memory_space<vmem>> -> memref<1x2x128xi32, #tpu.memory_space<vmem>>
        %dma_start3A_56 = tpu.memref_squeeze %dma_start3A_55 : memref<1x2x128xi32, #tpu.memory_space<vmem>> -> memref<2x128xi32, #tpu.memory_space<vmem>>
        %dma_start3A_57 = arith.constant 0 : i32
        %dma_start3A_58 = arith.constant 0 : i32
        %dma_start3A_59 = tpu.memref_slice %arg2[%add3A, %run_scoped3A, %dma_start3A_57, %dma_start3A_58] : memref<32x157x2x128xi32, #tpu.memory_space<hbm>> -> memref<1x1x2x128xi32, #tpu.memory_space<hbm>>
        %dma_start3A_60 = tpu.memref_squeeze %dma_start3A_59 : memref<1x1x2x128xi32, #tpu.memory_space<hbm>> -> memref<2x128xi32, #tpu.memory_space<hbm>>
        tpu.enqueue_dma source(%dma_start3A_60 : memref<2x128xi32, #tpu.memory_space<hbm>>) target(%dma_start3A_56 : memref<2x128xi32, #tpu.memory_space<vmem>>) target_semaphore(%run_scoped3A_44 : memref<!tpu.dma_semaphore, #tpu.memory_space<semaphore_mem>>)
        %dma_wait3A_61 = arith.constant 0 : i32
        %dma_wait3A_62 = arith.constant 0 : i32
        %dma_wait3A_63 = tpu.memref_slice %arg6[%run_scoped3A_11, %dma_wait3A_61, %dma_wait3A_62] : memref<2x2x128xi32, #tpu.memory_space<vmem>> -> memref<1x2x128xi32, #tpu.memory_space<vmem>>
        %dma_wait3A_64 = tpu.memref_squeeze %dma_wait3A_63 : memref<1x2x128xi32, #tpu.memory_space<vmem>> -> memref<2x128xi32, #tpu.memory_space<vmem>>
        %dma_wait3A_65 = arith.constant 0 : i32
        %dma_wait3A_66 = arith.constant 0 : i32
        %dma_wait3A_67 = tpu.memref_slice %arg2[%add3A, %run_scoped3A, %dma_wait3A_65, %dma_wait3A_66] : memref<32x157x2x128xi32, #tpu.memory_space<hbm>> -> memref<1x1x2x128xi32, #tpu.memory_space<hbm>>
        %dma_wait3A_68 = tpu.memref_squeeze %dma_wait3A_67 : memref<1x1x2x128xi32, #tpu.memory_space<hbm>> -> memref<2x128xi32, #tpu.memory_space<hbm>>
        %dma_wait3A_69 = arith.constant 0 : i32
        %dma_wait3A_70 = arith.constant 0 : i32
        %dma_wait3A_71 = tpu.memref_slice %arg6[%run_scoped3A_11, %dma_wait3A_69, %dma_wait3A_70] : memref<2x2x128xi32, #tpu.memory_space<vmem>> -> memref<1x2x128xi32, #tpu.memory_space<vmem>>
        %dma_wait3A_72 = tpu.memref_squeeze %dma_wait3A_71 : memref<1x2x128xi32, #tpu.memory_space<vmem>> -> memref<2x128xi32, #tpu.memory_space<vmem>>
        %dma_wait3A_73 = arith.constant 0 : i32
        %dma_wait3A_74 = arith.constant 0 : i32
        %dma_wait3A_75 = tpu.memref_slice %arg2[%add3A, %run_scoped3A, %dma_wait3A_73, %dma_wait3A_74] : memref<32x157x2x128xi32, #tpu.memory_space<hbm>> -> memref<1x1x2x128xi32, #tpu.memory_space<hbm>>
        %dma_wait3A_76 = tpu.memref_squeeze %dma_wait3A_75 : memref<1x1x2x128xi32, #tpu.memory_space<hbm>> -> memref<2x128xi32, #tpu.memory_space<hbm>>
        tpu.wait_dma2 semaphore(%run_scoped3A_44 : memref<!tpu.dma_semaphore, #tpu.memory_space<semaphore_mem>>) src(%dma_wait3A_76 : memref<2x128xi32, #tpu.memory_space<hbm>>) dst(%dma_wait3A_72 : memref<2x128xi32, #tpu.memory_space<vmem>>)
        tpu.yield
      }) : () -> ()
      %dma_start3A = arith.constant 0 : i32
      %dma_start3A_12 = arith.constant 0 : i32
      %dma_start3A_13 = arith.constant 0 : i32
      %dma_start3A_14 = arith.constant 0 : i32
      %dma_start3A_15 = arith.constant 0 : i32
      %dma_start3A_16 = tpu.memref_slice %arg7[%dma_start3A_13, %dma_start3A_14, %dma_start3A_15] : memref<2x128x128xf32, #tpu.memory_space<vmem>> -> memref<1x128x128xf32, #tpu.memory_space<vmem>>
      %dma_start3A_17 = tpu.memref_squeeze %dma_start3A_16 : memref<1x128x128xf32, #tpu.memory_space<vmem>> -> memref<128x128xf32, #tpu.memory_space<vmem>>
      %dma_start3A_18 = arith.constant 0 : i32
      %dma_start3A_19 = tpu.memref_slice %arg6[%dma_start3A, %dma_start3A_12, %dma_start3A_18] : memref<2x2x128xi32, #tpu.memory_space<vmem>> -> memref<1x1x128xi32, #tpu.memory_space<vmem>>
      %dma_start3A_20 = tpu.memref_squeeze %dma_start3A_19 : memref<1x1x128xi32, #tpu.memory_space<vmem>> -> memref<128xi32, #tpu.memory_space<vmem>>
      %dma_start3A_21 = arith.constant 0 : i32
      %dma_start3A_22 = arith.constant 0 : i32
      %dma_start3A_23 = tpu.memref_slice %arg3[%dma_start3A_21, %dma_start3A_22] : memref<10000x128xf32, #tpu.memory_space<hbm>> -> memref<10000x128xf32, #tpu.memory_space<hbm>>
      tpu.enqueue_indirect_dma source(%dma_start3A_23 : memref<10000x128xf32, #tpu.memory_space<hbm>>) target(%dma_start3A_17 : memref<128x128xf32, #tpu.memory_space<vmem>>) offsets(%dma_start3A_20 : memref<128xi32, #tpu.memory_space<vmem>>) semaphore(%arg9 : memref<!tpu.dma_semaphore, #tpu.memory_space<semaphore_mem>>)
      %scan3A = arith.constant 0 : i32
      %scan3A_24 = arith.constant 0 : i32
      %scan3A_25 = arith.constant 78 : i32
      %scan3A_26 = arith.addi %scan3A_24, %scan3A_25 : i32
      %scan3A_27 = arith.constant 1 : i32
      scf.for %scan3A_44 = %scan3A_24 to %scan3A_26 step %scan3A_27  : i32 {
        %mul3A_45 = arith.constant 2 : i32
        %mul3A_46 = arith.muli %scan3A_44, %mul3A_45 : i32
        %add3A_47 = arith.constant 0 : i32
        %add3A_48 = arith.addi %mul3A_46, %add3A_47 : i32
        %add3A_49 = arith.constant 1 : i32
        %add3A_50 = arith.addi %add3A_48, %add3A_49 : i32
        %run_scoped3A_51 = arith.constant 1 : i32
        "tpu.region"() ({
          %run_scoped3A_117 = tpu.sem_alloc : memref<!tpu.dma_semaphore, #tpu.memory_space<semaphore_mem>>
          %dma_start3A_118 = arith.constant 0 : i32
          %dma_start3A_119 = arith.constant 0 : i32
          %dma_start3A_120 = tpu.memref_slice %arg6[%run_scoped3A_51, %dma_start3A_118, %dma_start3A_119] : memref<2x2x128xi32, #tpu.memory_space<vmem>> -> memref<1x2x128xi32, #tpu.memory_space<vmem>>
          %dma_start3A_121 = tpu.memref_squeeze %dma_start3A_120 : memref<1x2x128xi32, #tpu.memory_space<vmem>> -> memref<2x128xi32, #tpu.memory_space<vmem>>
          %dma_start3A_122 = arith.constant 0 : i32
          %dma_start3A_123 = arith.constant 0 : i32
          %dma_start3A_124 = tpu.memref_slice %arg2[%add3A, %add3A_50, %dma_start3A_122, %dma_start3A_123] : memref<32x157x2x128xi32, #tpu.memory_space<hbm>> -> memref<1x1x2x128xi32, #tpu.memory_space<hbm>>
          %dma_start3A_125 = tpu.memref_squeeze %dma_start3A_124 : memref<1x1x2x128xi32, #tpu.memory_space<hbm>> -> memref<2x128xi32, #tpu.memory_space<hbm>>
          %dma_start3A_126 = arith.constant 0 : i32
          %dma_start3A_127 = arith.constant 0 : i32
          %dma_start3A_128 = tpu.memref_slice %arg6[%run_scoped3A_51, %dma_start3A_126, %dma_start3A_127] : memref<2x2x128xi32, #tpu.memory_space<vmem>> -> memref<1x2x128xi32, #tpu.memory_space<vmem>>
          %dma_start3A_129 = tpu.memref_squeeze %dma_start3A_128 : memref<1x2x128xi32, #tpu.memory_space<vmem>> -> memref<2x128xi32, #tpu.memory_space<vmem>>
          %dma_start3A_130 = arith.constant 0 : i32
          %dma_start3A_131 = arith.constant 0 : i32
          %dma_start3A_132 = tpu.memref_slice %arg2[%add3A, %add3A_50, %dma_start3A_130, %dma_start3A_131] : memref<32x157x2x128xi32, #tpu.memory_space<hbm>> -> memref<1x1x2x128xi32, #tpu.memory_space<hbm>>
          %dma_start3A_133 = tpu.memref_squeeze %dma_start3A_132 : memref<1x1x2x128xi32, #tpu.memory_space<hbm>> -> memref<2x128xi32, #tpu.memory_space<hbm>>
          tpu.enqueue_dma source(%dma_start3A_133 : memref<2x128xi32, #tpu.memory_space<hbm>>) target(%dma_start3A_129 : memref<2x128xi32, #tpu.memory_space<vmem>>) target_semaphore(%run_scoped3A_117 : memref<!tpu.dma_semaphore, #tpu.memory_space<semaphore_mem>>)
          %dma_wait3A_134 = arith.constant 0 : i32
          %dma_wait3A_135 = arith.constant 0 : i32
          %dma_wait3A_136 = tpu.memref_slice %arg6[%run_scoped3A_51, %dma_wait3A_134, %dma_wait3A_135] : memref<2x2x128xi32, #tpu.memory_space<vmem>> -> memref<1x2x128xi32, #tpu.memory_space<vmem>>
          %dma_wait3A_137 = tpu.memref_squeeze %dma_wait3A_136 : memref<1x2x128xi32, #tpu.memory_space<vmem>> -> memref<2x128xi32, #tpu.memory_space<vmem>>
          %dma_wait3A_138 = arith.constant 0 : i32
          %dma_wait3A_139 = arith.constant 0 : i32
          %dma_wait3A_140 = tpu.memref_slice %arg2[%add3A, %add3A_50, %dma_wait3A_138, %dma_wait3A_139] : memref<32x157x2x128xi32, #tpu.memory_space<hbm>> -> memref<1x1x2x128xi32, #tpu.memory_space<hbm>>
          %dma_wait3A_141 = tpu.memref_squeeze %dma_wait3A_140 : memref<1x1x2x128xi32, #tpu.memory_space<hbm>> -> memref<2x128xi32, #tpu.memory_space<hbm>>
          %dma_wait3A_142 = arith.constant 0 : i32
          %dma_wait3A_143 = arith.constant 0 : i32
          %dma_wait3A_144 = tpu.memref_slice %arg6[%run_scoped3A_51, %dma_wait3A_142, %dma_wait3A_143] : memref<2x2x128xi32, #tpu.memory_space<vmem>> -> memref<1x2x128xi32, #tpu.memory_space<vmem>>
          %dma_wait3A_145 = tpu.memref_squeeze %dma_wait3A_144 : memref<1x2x128xi32, #tpu.memory_space<vmem>> -> memref<2x128xi32, #tpu.memory_space<vmem>>
          %dma_wait3A_146 = arith.constant 0 : i32
          %dma_wait3A_147 = arith.constant 0 : i32
          %dma_wait3A_148 = tpu.memref_slice %arg2[%add3A, %add3A_50, %dma_wait3A_146, %dma_wait3A_147] : memref<32x157x2x128xi32, #tpu.memory_space<hbm>> -> memref<1x1x2x128xi32, #tpu.memory_space<hbm>>
          %dma_wait3A_149 = tpu.memref_squeeze %dma_wait3A_148 : memref<1x1x2x128xi32, #tpu.memory_space<hbm>> -> memref<2x128xi32, #tpu.memory_space<hbm>>
          tpu.wait_dma2 semaphore(%run_scoped3A_117 : memref<!tpu.dma_semaphore, #tpu.memory_space<semaphore_mem>>) src(%dma_wait3A_149 : memref<2x128xi32, #tpu.memory_space<hbm>>) dst(%dma_wait3A_145 : memref<2x128xi32, #tpu.memory_space<vmem>>)
          tpu.yield
        }) : () -> ()
        %dma_start3A_52 = arith.constant 1 : i32
        %dma_start3A_53 = arith.constant 0 : i32
        %dma_start3A_54 = arith.constant 1 : i32
        %dma_start3A_55 = arith.constant 0 : i32
        %dma_start3A_56 = arith.constant 0 : i32
        %dma_start3A_57 = tpu.memref_slice %arg7[%dma_start3A_54, %dma_start3A_55, %dma_start3A_56] : memref<2x128x128xf32, #tpu.memory_space<vmem>> -> memref<1x128x128xf32, #tpu.memory_space<vmem>>
        %dma_start3A_58 = tpu.memref_squeeze %dma_start3A_57 : memref<1x128x128xf32, #tpu.memory_space<vmem>> -> memref<128x128xf32, #tpu.memory_space<vmem>>
        %dma_start3A_59 = arith.constant 0 : i32
        %dma_start3A_60 = tpu.memref_slice %arg6[%dma_start3A_52, %dma_start3A_53, %dma_start3A_59] : memref<2x2x128xi32, #tpu.memory_space<vmem>> -> memref<1x1x128xi32, #tpu.memory_space<vmem>>
        %dma_start3A_61 = tpu.memref_squeeze %dma_start3A_60 : memref<1x1x128xi32, #tpu.memory_space<vmem>> -> memref<128xi32, #tpu.memory_space<vmem>>
        %dma_start3A_62 = arith.constant 0 : i32
        %dma_start3A_63 = arith.constant 0 : i32
        %dma_start3A_64 = tpu.memref_slice %arg3[%dma_start3A_62, %dma_start3A_63] : memref<10000x128xf32, #tpu.memory_space<hbm>> -> memref<10000x128xf32, #tpu.memory_space<hbm>>
        tpu.enqueue_indirect_dma source(%dma_start3A_64 : memref<10000x128xf32, #tpu.memory_space<hbm>>) target(%dma_start3A_58 : memref<128x128xf32, #tpu.memory_space<vmem>>) offsets(%dma_start3A_61 : memref<128xi32, #tpu.memory_space<vmem>>) semaphore(%arg10 : memref<!tpu.dma_semaphore, #tpu.memory_space<semaphore_mem>>)
        %dma_wait3A_65 = arith.constant 0 : i32
        %dma_wait3A_66 = arith.constant 0 : i32
        %dma_wait3A_67 = arith.constant 0 : i32
        %dma_wait3A_68 = arith.constant 0 : i32
        %dma_wait3A_69 = arith.constant 0 : i32
        %dma_wait3A_70 = tpu.memref_slice %arg7[%dma_wait3A_67, %dma_wait3A_68, %dma_wait3A_69] : memref<2x128x128xf32, #tpu.memory_space<vmem>> -> memref<1x128x128xf32, #tpu.memory_space<vmem>>
        %dma_wait3A_71 = tpu.memref_squeeze %dma_wait3A_70 : memref<1x128x128xf32, #tpu.memory_space<vmem>> -> memref<128x128xf32, #tpu.memory_space<vmem>>
        %dma_wait3A_72 = arith.constant 0 : i32
        %dma_wait3A_73 = tpu.memref_slice %arg6[%dma_wait3A_65, %dma_wait3A_66, %dma_wait3A_72] : memref<2x2x128xi32, #tpu.memory_space<vmem>> -> memref<1x1x128xi32, #tpu.memory_space<vmem>>
        %dma_wait3A_74 = tpu.memref_squeeze %dma_wait3A_73 : memref<1x1x128xi32, #tpu.memory_space<vmem>> -> memref<128xi32, #tpu.memory_space<vmem>>
        %dma_wait3A_75 = arith.constant 0 : i32
        %dma_wait3A_76 = arith.constant 0 : i32
        %dma_wait3A_77 = tpu.memref_slice %arg3[%dma_wait3A_75, %dma_wait3A_76] : memref<10000x128xf32, #tpu.memory_space<hbm>> -> memref<10000x128xf32, #tpu.memory_space<hbm>>
        tpu.wait_indirect_dma semaphore(%arg9 : memref<!tpu.dma_semaphore, #tpu.memory_space<semaphore_mem>>) src(%dma_wait3A_77 : memref<10000x128xf32, #tpu.memory_space<hbm>>) dst(%dma_wait3A_71 : memref<128x128xf32, #tpu.memory_space<vmem>>)
        %run_scoped3A_78 = arith.constant 0 : i32
        %run_scoped3A_79 = arith.constant 0 : i32
        %run_scoped3A_80 = arith.constant 1 : i32
        "tpu.region"() ({
          %run_scoped3A_117 = tpu.sem_alloc : memref<!tpu.dma_semaphore, #tpu.memory_space<semaphore_mem>>
          %dma_start3A_118 = arith.constant 0 : i32
          %dma_start3A_119 = arith.constant 0 : i32
          %dma_start3A_120 = tpu.memref_slice %arg7[%run_scoped3A_78, %dma_start3A_118, %dma_start3A_119] : memref<2x128x128xf32, #tpu.memory_space<vmem>> -> memref<1x128x128xf32, #tpu.memory_space<vmem>>
          %dma_start3A_121 = tpu.memref_squeeze %dma_start3A_120 : memref<1x128x128xf32, #tpu.memory_space<vmem>> -> memref<128x128xf32, #tpu.memory_space<vmem>>
          %dma_start3A_122 = arith.constant 0 : i32
          %dma_start3A_123 = tpu.memref_slice %arg6[%run_scoped3A_79, %run_scoped3A_80, %dma_start3A_122] : memref<2x2x128xi32, #tpu.memory_space<vmem>> -> memref<1x1x128xi32, #tpu.memory_space<vmem>>
          %dma_start3A_124 = tpu.memref_squeeze %dma_start3A_123 : memref<1x1x128xi32, #tpu.memory_space<vmem>> -> memref<128xi32, #tpu.memory_space<vmem>>
          %dma_start3A_125 = arith.constant 0 : i32
          %dma_start3A_126 = arith.constant 0 : i32
          %dma_start3A_127 = tpu.memref_slice %arg8[%dma_start3A_125, %dma_start3A_126] : memref<10112x128xf32, #tpu.memory_space<vmem_shared>> -> memref<10112x128xf32, #tpu.memory_space<vmem_shared>>
          tpu.enqueue_indirect_dma source(%dma_start3A_121 : memref<128x128xf32, #tpu.memory_space<vmem>>) target(%dma_start3A_127 : memref<10112x128xf32, #tpu.memory_space<vmem_shared>>) offsets(%dma_start3A_124 : memref<128xi32, #tpu.memory_space<vmem>>) semaphore(%run_scoped3A_117 : memref<!tpu.dma_semaphore, #tpu.memory_space<semaphore_mem>>) {add = true}
          %dma_wait3A_128 = arith.constant 0 : i32
          %dma_wait3A_129 = arith.constant 0 : i32
          %dma_wait3A_130 = tpu.memref_slice %arg7[%run_scoped3A_78, %dma_wait3A_128, %dma_wait3A_129] : memref<2x128x128xf32, #tpu.memory_space<vmem>> -> memref<1x128x128xf32, #tpu.memory_space<vmem>>
          %dma_wait3A_131 = tpu.memref_squeeze %dma_wait3A_130 : memref<1x128x128xf32, #tpu.memory_space<vmem>> -> memref<128x128xf32, #tpu.memory_space<vmem>>
          %dma_wait3A_132 = arith.constant 0 : i32
          %dma_wait3A_133 = tpu.memref_slice %arg6[%run_scoped3A_79, %run_scoped3A_80, %dma_wait3A_132] : memref<2x2x128xi32, #tpu.memory_space<vmem>> -> memref<1x1x128xi32, #tpu.memory_space<vmem>>
          %dma_wait3A_134 = tpu.memref_squeeze %dma_wait3A_133 : memref<1x1x128xi32, #tpu.memory_space<vmem>> -> memref<128xi32, #tpu.memory_space<vmem>>
          %dma_wait3A_135 = arith.constant 0 : i32
          %dma_wait3A_136 = arith.constant 0 : i32
          %dma_wait3A_137 = tpu.memref_slice %arg8[%dma_wait3A_135, %dma_wait3A_136] : memref<10112x128xf32, #tpu.memory_space<vmem_shared>> -> memref<10112x128xf32, #tpu.memory_space<vmem_shared>>
          tpu.wait_indirect_dma semaphore(%run_scoped3A_117 : memref<!tpu.dma_semaphore, #tpu.memory_space<semaphore_mem>>) src(%dma_wait3A_131 : memref<128x128xf32, #tpu.memory_space<vmem>>) dst(%dma_wait3A_137 : memref<10112x128xf32, #tpu.memory_space<vmem_shared>>)
          tpu.yield
        }) : () -> ()
        %mul3A_81 = arith.constant 2 : i32
        %mul3A_82 = arith.muli %scan3A_44, %mul3A_81 : i32
        %add3A_83 = arith.constant 1 : i32
        %add3A_84 = arith.addi %mul3A_82, %add3A_83 : i32
        %add3A_85 = arith.constant 1 : i32
        %add3A_86 = arith.addi %add3A_84, %add3A_85 : i32
        %run_scoped3A_87 = arith.constant 0 : i32
        "tpu.region"() ({
          %run_scoped3A_117 = tpu.sem_alloc : memref<!tpu.dma_semaphore, #tpu.memory_space<semaphore_mem>>
          %dma_start3A_118 = arith.constant 0 : i32
          %dma_start3A_119 = arith.constant 0 : i32
          %dma_start3A_120 = tpu.memref_slice %arg6[%run_scoped3A_87, %dma_start3A_118, %dma_start3A_119] : memref<2x2x128xi32, #tpu.memory_space<vmem>> -> memref<1x2x128xi32, #tpu.memory_space<vmem>>
          %dma_start3A_121 = tpu.memref_squeeze %dma_start3A_120 : memref<1x2x128xi32, #tpu.memory_space<vmem>> -> memref<2x128xi32, #tpu.memory_space<vmem>>
          %dma_start3A_122 = arith.constant 0 : i32
          %dma_start3A_123 = arith.constant 0 : i32
          %dma_start3A_124 = tpu.memref_slice %arg2[%add3A, %add3A_86, %dma_start3A_122, %dma_start3A_123] : memref<32x157x2x128xi32, #tpu.memory_space<hbm>> -> memref<1x1x2x128xi32, #tpu.memory_space<hbm>>
          %dma_start3A_125 = tpu.memref_squeeze %dma_start3A_124 : memref<1x1x2x128xi32, #tpu.memory_space<hbm>> -> memref<2x128xi32, #tpu.memory_space<hbm>>
          %dma_start3A_126 = arith.constant 0 : i32
          %dma_start3A_127 = arith.constant 0 : i32
          %dma_start3A_128 = tpu.memref_slice %arg6[%run_scoped3A_87, %dma_start3A_126, %dma_start3A_127] : memref<2x2x128xi32, #tpu.memory_space<vmem>> -> memref<1x2x128xi32, #tpu.memory_space<vmem>>
          %dma_start3A_129 = tpu.memref_squeeze %dma_start3A_128 : memref<1x2x128xi32, #tpu.memory_space<vmem>> -> memref<2x128xi32, #tpu.memory_space<vmem>>
          %dma_start3A_130 = arith.constant 0 : i32
          %dma_start3A_131 = arith.constant 0 : i32
          %dma_start3A_132 = tpu.memref_slice %arg2[%add3A, %add3A_86, %dma_start3A_130, %dma_start3A_131] : memref<32x157x2x128xi32, #tpu.memory_space<hbm>> -> memref<1x1x2x128xi32, #tpu.memory_space<hbm>>
          %dma_start3A_133 = tpu.memref_squeeze %dma_start3A_132 : memref<1x1x2x128xi32, #tpu.memory_space<hbm>> -> memref<2x128xi32, #tpu.memory_space<hbm>>
          tpu.enqueue_dma source(%dma_start3A_133 : memref<2x128xi32, #tpu.memory_space<hbm>>) target(%dma_start3A_129 : memref<2x128xi32, #tpu.memory_space<vmem>>) target_semaphore(%run_scoped3A_117 : memref<!tpu.dma_semaphore, #tpu.memory_space<semaphore_mem>>)
          %dma_wait3A_134 = arith.constant 0 : i32
          %dma_wait3A_135 = arith.constant 0 : i32
          %dma_wait3A_136 = tpu.memref_slice %arg6[%run_scoped3A_87, %dma_wait3A_134, %dma_wait3A_135] : memref<2x2x128xi32, #tpu.memory_space<vmem>> -> memref<1x2x128xi32, #tpu.memory_space<vmem>>
          %dma_wait3A_137 = tpu.memref_squeeze %dma_wait3A_136 : memref<1x2x128xi32, #tpu.memory_space<vmem>> -> memref<2x128xi32, #tpu.memory_space<vmem>>
          %dma_wait3A_138 = arith.constant 0 : i32
          %dma_wait3A_139 = arith.constant 0 : i32
          %dma_wait3A_140 = tpu.memref_slice %arg2[%add3A, %add3A_86, %dma_wait3A_138, %dma_wait3A_139] : memref<32x157x2x128xi32, #tpu.memory_space<hbm>> -> memref<1x1x2x128xi32, #tpu.memory_space<hbm>>
          %dma_wait3A_141 = tpu.memref_squeeze %dma_wait3A_140 : memref<1x1x2x128xi32, #tpu.memory_space<hbm>> -> memref<2x128xi32, #tpu.memory_space<hbm>>
          %dma_wait3A_142 = arith.constant 0 : i32
          %dma_wait3A_143 = arith.constant 0 : i32
          %dma_wait3A_144 = tpu.memref_slice %arg6[%run_scoped3A_87, %dma_wait3A_142, %dma_wait3A_143] : memref<2x2x128xi32, #tpu.memory_space<vmem>> -> memref<1x2x128xi32, #tpu.memory_space<vmem>>
          %dma_wait3A_145 = tpu.memref_squeeze %dma_wait3A_144 : memref<1x2x128xi32, #tpu.memory_space<vmem>> -> memref<2x128xi32, #tpu.memory_space<vmem>>
          %dma_wait3A_146 = arith.constant 0 : i32
          %dma_wait3A_147 = arith.constant 0 : i32
          %dma_wait3A_148 = tpu.memref_slice %arg2[%add3A, %add3A_86, %dma_wait3A_146, %dma_wait3A_147] : memref<32x157x2x128xi32, #tpu.memory_space<hbm>> -> memref<1x1x2x128xi32, #tpu.memory_space<hbm>>
          %dma_wait3A_149 = tpu.memref_squeeze %dma_wait3A_148 : memref<1x1x2x128xi32, #tpu.memory_space<hbm>> -> memref<2x128xi32, #tpu.memory_space<hbm>>
          tpu.wait_dma2 semaphore(%run_scoped3A_117 : memref<!tpu.dma_semaphore, #tpu.memory_space<semaphore_mem>>) src(%dma_wait3A_149 : memref<2x128xi32, #tpu.memory_space<hbm>>) dst(%dma_wait3A_145 : memref<2x128xi32, #tpu.memory_space<vmem>>)
          tpu.yield
        }) : () -> ()
        %dma_start3A_88 = arith.constant 0 : i32
        %dma_start3A_89 = arith.constant 0 : i32
        %dma_start3A_90 = arith.constant 0 : i32
        %dma_start3A_91 = arith.constant 0 : i32
        %dma_start3A_92 = arith.constant 0 : i32
        %dma_start3A_93 = tpu.memref_slice %arg7[%dma_start3A_90, %dma_start3A_91, %dma_start3A_92] : memref<2x128x128xf32, #tpu.memory_space<vmem>> -> memref<1x128x128xf32, #tpu.memory_space<vmem>>
        %dma_start3A_94 = tpu.memref_squeeze %dma_start3A_93 : memref<1x128x128xf32, #tpu.memory_space<vmem>> -> memref<128x128xf32, #tpu.memory_space<vmem>>
        %dma_start3A_95 = arith.constant 0 : i32
        %dma_start3A_96 = tpu.memref_slice %arg6[%dma_start3A_88, %dma_start3A_89, %dma_start3A_95] : memref<2x2x128xi32, #tpu.memory_space<vmem>> -> memref<1x1x128xi32, #tpu.memory_space<vmem>>
        %dma_start3A_97 = tpu.memref_squeeze %dma_start3A_96 : memref<1x1x128xi32, #tpu.memory_space<vmem>> -> memref<128xi32, #tpu.memory_space<vmem>>
        %dma_start3A_98 = arith.constant 0 : i32
        %dma_start3A_99 = arith.constant 0 : i32
        %dma_start3A_100 = tpu.memref_slice %arg3[%dma_start3A_98, %dma_start3A_99] : memref<10000x128xf32, #tpu.memory_space<hbm>> -> memref<10000x128xf32, #tpu.memory_space<hbm>>
        tpu.enqueue_indirect_dma source(%dma_start3A_100 : memref<10000x128xf32, #tpu.memory_space<hbm>>) target(%dma_start3A_94 : memref<128x128xf32, #tpu.memory_space<vmem>>) offsets(%dma_start3A_97 : memref<128xi32, #tpu.memory_space<vmem>>) semaphore(%arg9 : memref<!tpu.dma_semaphore, #tpu.memory_space<semaphore_mem>>)
        %dma_wait3A_101 = arith.constant 1 : i32
        %dma_wait3A_102 = arith.constant 0 : i32
        %dma_wait3A_103 = arith.constant 1 : i32
        %dma_wait3A_104 = arith.constant 0 : i32
        %dma_wait3A_105 = arith.constant 0 : i32
        %dma_wait3A_106 = tpu.memref_slice %arg7[%dma_wait3A_103, %dma_wait3A_104, %dma_wait3A_105] : memref<2x128x128xf32, #tpu.memory_space<vmem>> -> memref<1x128x128xf32, #tpu.memory_space<vmem>>
        %dma_wait3A_107 = tpu.memref_squeeze %dma_wait3A_106 : memref<1x128x128xf32, #tpu.memory_space<vmem>> -> memref<128x128xf32, #tpu.memory_space<vmem>>
        %dma_wait3A_108 = arith.constant 0 : i32
        %dma_wait3A_109 = tpu.memref_slice %arg6[%dma_wait3A_101, %dma_wait3A_102, %dma_wait3A_108] : memref<2x2x128xi32, #tpu.memory_space<vmem>> -> memref<1x1x128xi32, #tpu.memory_space<vmem>>
        %dma_wait3A_110 = tpu.memref_squeeze %dma_wait3A_109 : memref<1x1x128xi32, #tpu.memory_space<vmem>> -> memref<128xi32, #tpu.memory_space<vmem>>
        %dma_wait3A_111 = arith.constant 0 : i32
        %dma_wait3A_112 = arith.constant 0 : i32
        %dma_wait3A_113 = tpu.memref_slice %arg3[%dma_wait3A_111, %dma_wait3A_112] : memref<10000x128xf32, #tpu.memory_space<hbm>> -> memref<10000x128xf32, #tpu.memory_space<hbm>>
        tpu.wait_indirect_dma semaphore(%arg10 : memref<!tpu.dma_semaphore, #tpu.memory_space<semaphore_mem>>) src(%dma_wait3A_113 : memref<10000x128xf32, #tpu.memory_space<hbm>>) dst(%dma_wait3A_107 : memref<128x128xf32, #tpu.memory_space<vmem>>)
        %run_scoped3A_114 = arith.constant 1 : i32
        %run_scoped3A_115 = arith.constant 1 : i32
        %run_scoped3A_116 = arith.constant 1 : i32
        "tpu.region"() ({
          %run_scoped3A_117 = tpu.sem_alloc : memref<!tpu.dma_semaphore, #tpu.memory_space<semaphore_mem>>
          %dma_start3A_118 = arith.constant 0 : i32
          %dma_start3A_119 = arith.constant 0 : i32
          %dma_start3A_120 = tpu.memref_slice %arg7[%run_scoped3A_114, %dma_start3A_118, %dma_start3A_119] : memref<2x128x128xf32, #tpu.memory_space<vmem>> -> memref<1x128x128xf32, #tpu.memory_space<vmem>>
          %dma_start3A_121 = tpu.memref_squeeze %dma_start3A_120 : memref<1x128x128xf32, #tpu.memory_space<vmem>> -> memref<128x128xf32, #tpu.memory_space<vmem>>
          %dma_start3A_122 = arith.constant 0 : i32
          %dma_start3A_123 = tpu.memref_slice %arg6[%run_scoped3A_115, %run_scoped3A_116, %dma_start3A_122] : memref<2x2x128xi32, #tpu.memory_space<vmem>> -> memref<1x1x128xi32, #tpu.memory_space<vmem>>
          %dma_start3A_124 = tpu.memref_squeeze %dma_start3A_123 : memref<1x1x128xi32, #tpu.memory_space<vmem>> -> memref<128xi32, #tpu.memory_space<vmem>>
          %dma_start3A_125 = arith.constant 0 : i32
          %dma_start3A_126 = arith.constant 0 : i32
          %dma_start3A_127 = tpu.memref_slice %arg8[%dma_start3A_125, %dma_start3A_126] : memref<10112x128xf32, #tpu.memory_space<vmem_shared>> -> memref<10112x128xf32, #tpu.memory_space<vmem_shared>>
          tpu.enqueue_indirect_dma source(%dma_start3A_121 : memref<128x128xf32, #tpu.memory_space<vmem>>) target(%dma_start3A_127 : memref<10112x128xf32, #tpu.memory_space<vmem_shared>>) offsets(%dma_start3A_124 : memref<128xi32, #tpu.memory_space<vmem>>) semaphore(%run_scoped3A_117 : memref<!tpu.dma_semaphore, #tpu.memory_space<semaphore_mem>>) {add = true}
          %dma_wait3A_128 = arith.constant 0 : i32
          %dma_wait3A_129 = arith.constant 0 : i32
          %dma_wait3A_130 = tpu.memref_slice %arg7[%run_scoped3A_114, %dma_wait3A_128, %dma_wait3A_129] : memref<2x128x128xf32, #tpu.memory_space<vmem>> -> memref<1x128x128xf32, #tpu.memory_space<vmem>>
          %dma_wait3A_131 = tpu.memref_squeeze %dma_wait3A_130 : memref<1x128x128xf32, #tpu.memory_space<vmem>> -> memref<128x128xf32, #tpu.memory_space<vmem>>
          %dma_wait3A_132 = arith.constant 0 : i32
          %dma_wait3A_133 = tpu.memref_slice %arg6[%run_scoped3A_115, %run_scoped3A_116, %dma_wait3A_132] : memref<2x2x128xi32, #tpu.memory_space<vmem>> -> memref<1x1x128xi32, #tpu.memory_space<vmem>>
          %dma_wait3A_134 = tpu.memref_squeeze %dma_wait3A_133 : memref<1x1x128xi32, #tpu.memory_space<vmem>> -> memref<128xi32, #tpu.memory_space<vmem>>
          %dma_wait3A_135 = arith.constant 0 : i32
          %dma_wait3A_136 = arith.constant 0 : i32
          %dma_wait3A_137 = tpu.memref_slice %arg8[%dma_wait3A_135, %dma_wait3A_136] : memref<10112x128xf32, #tpu.memory_space<vmem_shared>> -> memref<10112x128xf32, #tpu.memory_space<vmem_shared>>
          tpu.wait_indirect_dma semaphore(%run_scoped3A_117 : memref<!tpu.dma_semaphore, #tpu.memory_space<semaphore_mem>>) src(%dma_wait3A_131 : memref<128x128xf32, #tpu.memory_space<vmem>>) dst(%dma_wait3A_137 : memref<10112x128xf32, #tpu.memory_space<vmem_shared>>)
          tpu.yield
        }) : () -> ()
      }
      %scan3A_28 = arith.constant 78 : i32
      %dma_wait3A = arith.constant 0 : i32
      %dma_wait3A_29 = arith.constant 0 : i32
      %dma_wait3A_30 = arith.constant 0 : i32
      %dma_wait3A_31 = arith.constant 0 : i32
      %dma_wait3A_32 = arith.constant 0 : i32
      %dma_wait3A_33 = tpu.memref_slice %arg7[%dma_wait3A_30, %dma_wait3A_31, %dma_wait3A_32] : memref<2x128x128xf32, #tpu.memory_space<vmem>> -> memref<1x128x128xf32, #tpu.memory_space<vmem>>
      %dma_wait3A_34 = tpu.memref_squeeze %dma_wait3A_33 : memref<1x128x128xf32, #tpu.memory_space<vmem>> -> memref<128x128xf32, #tpu.memory_space<vmem>>
      %dma_wait3A_35 = arith.constant 0 : i32
      %dma_wait3A_36 = tpu.memref_slice %arg6[%dma_wait3A, %dma_wait3A_29, %dma_wait3A_35] : memref<2x2x128xi32, #tpu.memory_space<vmem>> -> memref<1x1x128xi32, #tpu.memory_space<vmem>>
      %dma_wait3A_37 = tpu.memref_squeeze %dma_wait3A_36 : memref<1x1x128xi32, #tpu.memory_space<vmem>> -> memref<128xi32, #tpu.memory_space<vmem>>
      %dma_wait3A_38 = arith.constant 0 : i32
      %dma_wait3A_39 = arith.constant 0 : i32
      %dma_wait3A_40 = tpu.memref_slice %arg3[%dma_wait3A_38, %dma_wait3A_39] : memref<10000x128xf32, #tpu.memory_space<hbm>> -> memref<10000x128xf32, #tpu.memory_space<hbm>>
      tpu.wait_indirect_dma semaphore(%arg9 : memref<!tpu.dma_semaphore, #tpu.memory_space<semaphore_mem>>) src(%dma_wait3A_40 : memref<10000x128xf32, #tpu.memory_space<hbm>>) dst(%dma_wait3A_34 : memref<128x128xf32, #tpu.memory_space<vmem>>)
      %run_scoped3A_41 = arith.constant 0 : i32
      %run_scoped3A_42 = arith.constant 0 : i32
      %run_scoped3A_43 = arith.constant 1 : i32
      "tpu.region"() ({
        %run_scoped3A_44 = tpu.sem_alloc : memref<!tpu.dma_semaphore, #tpu.memory_space<semaphore_mem>>
        %dma_start3A_45 = arith.constant 0 : i32
        %dma_start3A_46 = arith.constant 0 : i32
        %dma_start3A_47 = tpu.memref_slice %arg7[%run_scoped3A_41, %dma_start3A_45, %dma_start3A_46] : memref<2x128x128xf32, #tpu.memory_space<vmem>> -> memref<1x128x128xf32, #tpu.memory_space<vmem>>
        %dma_start3A_48 = tpu.memref_squeeze %dma_start3A_47 : memref<1x128x128xf32, #tpu.memory_space<vmem>> -> memref<128x128xf32, #tpu.memory_space<vmem>>
        %dma_start3A_49 = arith.constant 0 : i32
        %dma_start3A_50 = tpu.memref_slice %arg6[%run_scoped3A_42, %run_scoped3A_43, %dma_start3A_49] : memref<2x2x128xi32, #tpu.memory_space<vmem>> -> memref<1x1x128xi32, #tpu.memory_space<vmem>>
        %dma_start3A_51 = tpu.memref_squeeze %dma_start3A_50 : memref<1x1x128xi32, #tpu.memory_space<vmem>> -> memref<128xi32, #tpu.memory_space<vmem>>
        %dma_start3A_52 = arith.constant 0 : i32
        %dma_start3A_53 = arith.constant 0 : i32
        %dma_start3A_54 = tpu.memref_slice %arg8[%dma_start3A_52, %dma_start3A_53] : memref<10112x128xf32, #tpu.memory_space<vmem_shared>> -> memref<10112x128xf32, #tpu.memory_space<vmem_shared>>
        tpu.enqueue_indirect_dma source(%dma_start3A_48 : memref<128x128xf32, #tpu.memory_space<vmem>>) target(%dma_start3A_54 : memref<10112x128xf32, #tpu.memory_space<vmem_shared>>) offsets(%dma_start3A_51 : memref<128xi32, #tpu.memory_space<vmem>>) semaphore(%run_scoped3A_44 : memref<!tpu.dma_semaphore, #tpu.memory_space<semaphore_mem>>) {add = true}
        %dma_wait3A_55 = arith.constant 0 : i32
        %dma_wait3A_56 = arith.constant 0 : i32
        %dma_wait3A_57 = tpu.memref_slice %arg7[%run_scoped3A_41, %dma_wait3A_55, %dma_wait3A_56] : memref<2x128x128xf32, #tpu.memory_space<vmem>> -> memref<1x128x128xf32, #tpu.memory_space<vmem>>
        %dma_wait3A_58 = tpu.memref_squeeze %dma_wait3A_57 : memref<1x128x128xf32, #tpu.memory_space<vmem>> -> memref<128x128xf32, #tpu.memory_space<vmem>>
        %dma_wait3A_59 = arith.constant 0 : i32
        %dma_wait3A_60 = tpu.memref_slice %arg6[%run_scoped3A_42, %run_scoped3A_43, %dma_wait3A_59] : memref<2x2x128xi32, #tpu.memory_space<vmem>> -> memref<1x1x128xi32, #tpu.memory_space<vmem>>
        %dma_wait3A_61 = tpu.memref_squeeze %dma_wait3A_60 : memref<1x1x128xi32, #tpu.memory_space<vmem>> -> memref<128xi32, #tpu.memory_space<vmem>>
        %dma_wait3A_62 = arith.constant 0 : i32
        %dma_wait3A_63 = arith.constant 0 : i32
        %dma_wait3A_64 = tpu.memref_slice %arg8[%dma_wait3A_62, %dma_wait3A_63] : memref<10112x128xf32, #tpu.memory_space<vmem_shared>> -> memref<10112x128xf32, #tpu.memory_space<vmem_shared>>
        tpu.wait_indirect_dma semaphore(%run_scoped3A_44 : memref<!tpu.dma_semaphore, #tpu.memory_space<semaphore_mem>>) src(%dma_wait3A_58 : memref<128x128xf32, #tpu.memory_space<vmem>>) dst(%dma_wait3A_64 : memref<10112x128xf32, #tpu.memory_space<vmem_shared>>)
        tpu.yield
      }) : () -> ()
    } else {
    }
    %eq3A_5 = arith.constant 1 : i32
    %eq3A_6 = arith.cmpi eq, %arg0, %eq3A_5 : i32
    %convert_element_type3A_7 = arith.extui %eq3A_6 : i1 to i32
    %cond3A_8 = arith.constant 0 : i32
    %cond3A_9 = arith.cmpi ne, %convert_element_type3A_7, %cond3A_8 : i32
    scf.if %cond3A_9 {
      %run_scoped3A = arith.constant 0 : i32
      %run_scoped3A_11 = arith.constant 0 : i32
      "tpu.region"() ({
        %run_scoped3A_43 = tpu.sem_alloc : memref<!tpu.dma_semaphore, #tpu.memory_space<semaphore_mem>>
        %dma_start3A_44 = arith.constant 0 : i32
        %dma_start3A_45 = arith.constant 0 : i32
        %dma_start3A_46 = tpu.memref_slice %arg6[%run_scoped3A_11, %dma_start3A_44, %dma_start3A_45] : memref<2x2x128xi32, #tpu.memory_space<vmem>> -> memref<1x2x128xi32, #tpu.memory_space<vmem>>
        %dma_start3A_47 = tpu.memref_squeeze %dma_start3A_46 : memref<1x2x128xi32, #tpu.memory_space<vmem>> -> memref<2x128xi32, #tpu.memory_space<vmem>>
        %dma_start3A_48 = arith.constant 0 : i32
        %dma_start3A_49 = arith.constant 0 : i32
        %dma_start3A_50 = tpu.memref_slice %arg2[%add3A, %run_scoped3A, %dma_start3A_48, %dma_start3A_49] : memref<32x157x2x128xi32, #tpu.memory_space<hbm>> -> memref<1x1x2x128xi32, #tpu.memory_space<hbm>>
        %dma_start3A_51 = tpu.memref_squeeze %dma_start3A_50 : memref<1x1x2x128xi32, #tpu.memory_space<hbm>> -> memref<2x128xi32, #tpu.memory_space<hbm>>
        %dma_start3A_52 = arith.constant 0 : i32
        %dma_start3A_53 = arith.constant 0 : i32
        %dma_start3A_54 = tpu.memref_slice %arg6[%run_scoped3A_11, %dma_start3A_52, %dma_start3A_53] : memref<2x2x128xi32, #tpu.memory_space<vmem>> -> memref<1x2x128xi32, #tpu.memory_space<vmem>>
        %dma_start3A_55 = tpu.memref_squeeze %dma_start3A_54 : memref<1x2x128xi32, #tpu.memory_space<vmem>> -> memref<2x128xi32, #tpu.memory_space<vmem>>
        %dma_start3A_56 = arith.constant 0 : i32
        %dma_start3A_57 = arith.constant 0 : i32
        %dma_start3A_58 = tpu.memref_slice %arg2[%add3A, %run_scoped3A, %dma_start3A_56, %dma_start3A_57] : memref<32x157x2x128xi32, #tpu.memory_space<hbm>> -> memref<1x1x2x128xi32, #tpu.memory_space<hbm>>
        %dma_start3A_59 = tpu.memref_squeeze %dma_start3A_58 : memref<1x1x2x128xi32, #tpu.memory_space<hbm>> -> memref<2x128xi32, #tpu.memory_space<hbm>>
        tpu.enqueue_dma source(%dma_start3A_59 : memref<2x128xi32, #tpu.memory_space<hbm>>) target(%dma_start3A_55 : memref<2x128xi32, #tpu.memory_space<vmem>>) target_semaphore(%run_scoped3A_43 : memref<!tpu.dma_semaphore, #tpu.memory_space<semaphore_mem>>)
        %dma_wait3A_60 = arith.constant 0 : i32
        %dma_wait3A_61 = arith.constant 0 : i32
        %dma_wait3A_62 = tpu.memref_slice %arg6[%run_scoped3A_11, %dma_wait3A_60, %dma_wait3A_61] : memref<2x2x128xi32, #tpu.memory_space<vmem>> -> memref<1x2x128xi32, #tpu.memory_space<vmem>>
        %dma_wait3A_63 = tpu.memref_squeeze %dma_wait3A_62 : memref<1x2x128xi32, #tpu.memory_space<vmem>> -> memref<2x128xi32, #tpu.memory_space<vmem>>
        %dma_wait3A_64 = arith.constant 0 : i32
        %dma_wait3A_65 = arith.constant 0 : i32
        %dma_wait3A_66 = tpu.memref_slice %arg2[%add3A, %run_scoped3A, %dma_wait3A_64, %dma_wait3A_65] : memref<32x157x2x128xi32, #tpu.memory_space<hbm>> -> memref<1x1x2x128xi32, #tpu.memory_space<hbm>>
        %dma_wait3A_67 = tpu.memref_squeeze %dma_wait3A_66 : memref<1x1x2x128xi32, #tpu.memory_space<hbm>> -> memref<2x128xi32, #tpu.memory_space<hbm>>
        %dma_wait3A_68 = arith.constant 0 : i32
        %dma_wait3A_69 = arith.constant 0 : i32
        %dma_wait3A_70 = tpu.memref_slice %arg6[%run_scoped3A_11, %dma_wait3A_68, %dma_wait3A_69] : memref<2x2x128xi32, #tpu.memory_space<vmem>> -> memref<1x2x128xi32, #tpu.memory_space<vmem>>
        %dma_wait3A_71 = tpu.memref_squeeze %dma_wait3A_70 : memref<1x2x128xi32, #tpu.memory_space<vmem>> -> memref<2x128xi32, #tpu.memory_space<vmem>>
        %dma_wait3A_72 = arith.constant 0 : i32
        %dma_wait3A_73 = arith.constant 0 : i32
        %dma_wait3A_74 = tpu.memref_slice %arg2[%add3A, %run_scoped3A, %dma_wait3A_72, %dma_wait3A_73] : memref<32x157x2x128xi32, #tpu.memory_space<hbm>> -> memref<1x1x2x128xi32, #tpu.memory_space<hbm>>
        %dma_wait3A_75 = tpu.memref_squeeze %dma_wait3A_74 : memref<1x1x2x128xi32, #tpu.memory_space<hbm>> -> memref<2x128xi32, #tpu.memory_space<hbm>>
        tpu.wait_dma2 semaphore(%run_scoped3A_43 : memref<!tpu.dma_semaphore, #tpu.memory_space<semaphore_mem>>) src(%dma_wait3A_75 : memref<2x128xi32, #tpu.memory_space<hbm>>) dst(%dma_wait3A_71 : memref<2x128xi32, #tpu.memory_space<vmem>>)
        tpu.yield
      }) : () -> ()
      %dma_start3A = arith.constant 0 : i32
      %dma_start3A_12 = arith.constant 0 : i32
      %dma_start3A_13 = arith.constant 0 : i32
      %dma_start3A_14 = arith.constant 0 : i32
      %dma_start3A_15 = arith.constant 0 : i32
      %dma_start3A_16 = tpu.memref_slice %arg7[%dma_start3A_13, %dma_start3A_14, %dma_start3A_15] : memref<2x128x128xf32, #tpu.memory_space<vmem>> -> memref<1x128x128xf32, #tpu.memory_space<vmem>>
      %dma_start3A_17 = tpu.memref_squeeze %dma_start3A_16 : memref<1x128x128xf32, #tpu.memory_space<vmem>> -> memref<128x128xf32, #tpu.memory_space<vmem>>
      %dma_start3A_18 = arith.constant 0 : i32
      %dma_start3A_19 = tpu.memref_slice %arg6[%dma_start3A, %dma_start3A_12, %dma_start3A_18] : memref<2x2x128xi32, #tpu.memory_space<vmem>> -> memref<1x1x128xi32, #tpu.memory_space<vmem>>
      %dma_start3A_20 = tpu.memref_squeeze %dma_start3A_19 : memref<1x1x128xi32, #tpu.memory_space<vmem>> -> memref<128xi32, #tpu.memory_space<vmem>>
      %dma_start3A_21 = arith.constant 0 : i32
      %dma_start3A_22 = arith.constant 0 : i32
      %dma_start3A_23 = tpu.memref_slice %arg3[%dma_start3A_21, %dma_start3A_22] : memref<10000x128xf32, #tpu.memory_space<hbm>> -> memref<10000x128xf32, #tpu.memory_space<hbm>>
      tpu.enqueue_indirect_dma source(%dma_start3A_23 : memref<10000x128xf32, #tpu.memory_space<hbm>>) target(%dma_start3A_17 : memref<128x128xf32, #tpu.memory_space<vmem>>) offsets(%dma_start3A_20 : memref<128xi32, #tpu.memory_space<vmem>>) semaphore(%arg9 : memref<!tpu.dma_semaphore, #tpu.memory_space<semaphore_mem>>)
      %scan3A = arith.constant 0 : i32
      %scan3A_24 = arith.constant 0 : i32
      %scan3A_25 = arith.constant 0 : i32
      %scan3A_26 = arith.addi %scan3A_24, %scan3A_25 : i32
      %scan3A_27 = arith.constant 0 : i32
      %dma_wait3A = arith.constant 0 : i32
      %dma_wait3A_28 = arith.constant 0 : i32
      %dma_wait3A_29 = arith.constant 0 : i32
      %dma_wait3A_30 = arith.constant 0 : i32
      %dma_wait3A_31 = arith.constant 0 : i32
      %dma_wait3A_32 = tpu.memref_slice %arg7[%dma_wait3A_29, %dma_wait3A_30, %dma_wait3A_31] : memref<2x128x128xf32, #tpu.memory_space<vmem>> -> memref<1x128x128xf32, #tpu.memory_space<vmem>>
      %dma_wait3A_33 = tpu.memref_squeeze %dma_wait3A_32 : memref<1x128x128xf32, #tpu.memory_space<vmem>> -> memref<128x128xf32, #tpu.memory_space<vmem>>
      %dma_wait3A_34 = arith.constant 0 : i32
      %dma_wait3A_35 = tpu.memref_slice %arg6[%dma_wait3A, %dma_wait3A_28, %dma_wait3A_34] : memref<2x2x128xi32, #tpu.memory_space<vmem>> -> memref<1x1x128xi32, #tpu.memory_space<vmem>>
      %dma_wait3A_36 = tpu.memref_squeeze %dma_wait3A_35 : memref<1x1x128xi32, #tpu.memory_space<vmem>> -> memref<128xi32, #tpu.memory_space<vmem>>
      %dma_wait3A_37 = arith.constant 0 : i32
      %dma_wait3A_38 = arith.constant 0 : i32
      %dma_wait3A_39 = tpu.memref_slice %arg3[%dma_wait3A_37, %dma_wait3A_38] : memref<10000x128xf32, #tpu.memory_space<hbm>> -> memref<10000x128xf32, #tpu.memory_space<hbm>>
      tpu.wait_indirect_dma semaphore(%arg9 : memref<!tpu.dma_semaphore, #tpu.memory_space<semaphore_mem>>) src(%dma_wait3A_39 : memref<10000x128xf32, #tpu.memory_space<hbm>>) dst(%dma_wait3A_33 : memref<128x128xf32, #tpu.memory_space<vmem>>)
      %run_scoped3A_40 = arith.constant 0 : i32
      %run_scoped3A_41 = arith.constant 0 : i32
      %run_scoped3A_42 = arith.constant 1 : i32
      "tpu.region"() ({
        %run_scoped3A_43 = tpu.sem_alloc : memref<!tpu.dma_semaphore, #tpu.memory_space<semaphore_mem>>
        %dma_start3A_44 = arith.constant 0 : i32
        %dma_start3A_45 = arith.constant 0 : i32
        %dma_start3A_46 = tpu.memref_slice %arg7[%run_scoped3A_40, %dma_start3A_44, %dma_start3A_45] : memref<2x128x128xf32, #tpu.memory_space<vmem>> -> memref<1x128x128xf32, #tpu.memory_space<vmem>>
        %dma_start3A_47 = tpu.memref_squeeze %dma_start3A_46 : memref<1x128x128xf32, #tpu.memory_space<vmem>> -> memref<128x128xf32, #tpu.memory_space<vmem>>
        %dma_start3A_48 = arith.constant 0 : i32
        %dma_start3A_49 = tpu.memref_slice %arg6[%run_scoped3A_41, %run_scoped3A_42, %dma_start3A_48] : memref<2x2x128xi32, #tpu.memory_space<vmem>> -> memref<1x1x128xi32, #tpu.memory_space<vmem>>
        %dma_start3A_50 = tpu.memref_squeeze %dma_start3A_49 : memref<1x1x128xi32, #tpu.memory_space<vmem>> -> memref<128xi32, #tpu.memory_space<vmem>>
        %dma_start3A_51 = arith.constant 0 : i32
        %dma_start3A_52 = arith.constant 0 : i32
        %dma_start3A_53 = tpu.memref_slice %arg8[%dma_start3A_51, %dma_start3A_52] : memref<10112x128xf32, #tpu.memory_space<vmem_shared>> -> memref<10112x128xf32, #tpu.memory_space<vmem_shared>>
        tpu.enqueue_indirect_dma source(%dma_start3A_47 : memref<128x128xf32, #tpu.memory_space<vmem>>) target(%dma_start3A_53 : memref<10112x128xf32, #tpu.memory_space<vmem_shared>>) offsets(%dma_start3A_50 : memref<128xi32, #tpu.memory_space<vmem>>) semaphore(%run_scoped3A_43 : memref<!tpu.dma_semaphore, #tpu.memory_space<semaphore_mem>>) {add = true}
        %dma_wait3A_54 = arith.constant 0 : i32
        %dma_wait3A_55 = arith.constant 0 : i32
        %dma_wait3A_56 = tpu.memref_slice %arg7[%run_scoped3A_40, %dma_wait3A_54, %dma_wait3A_55] : memref<2x128x128xf32, #tpu.memory_space<vmem>> -> memref<1x128x128xf32, #tpu.memory_space<vmem>>
        %dma_wait3A_57 = tpu.memref_squeeze %dma_wait3A_56 : memref<1x128x128xf32, #tpu.memory_space<vmem>> -> memref<128x128xf32, #tpu.memory_space<vmem>>
        %dma_wait3A_58 = arith.constant 0 : i32
        %dma_wait3A_59 = tpu.memref_slice %arg6[%run_scoped3A_41, %run_scoped3A_42, %dma_wait3A_58] : memref<2x2x128xi32, #tpu.memory_space<vmem>> -> memref<1x1x128xi32, #tpu.memory_space<vmem>>
        %dma_wait3A_60 = tpu.memref_squeeze %dma_wait3A_59 : memref<1x1x128xi32, #tpu.memory_space<vmem>> -> memref<128xi32, #tpu.memory_space<vmem>>
        %dma_wait3A_61 = arith.constant 0 : i32
        %dma_wait3A_62 = arith.constant 0 : i32
        %dma_wait3A_63 = tpu.memref_slice %arg8[%dma_wait3A_61, %dma_wait3A_62] : memref<10112x128xf32, #tpu.memory_space<vmem_shared>> -> memref<10112x128xf32, #tpu.memory_space<vmem_shared>>
        tpu.wait_indirect_dma semaphore(%run_scoped3A_43 : memref<!tpu.dma_semaphore, #tpu.memory_space<semaphore_mem>>) src(%dma_wait3A_57 : memref<128x128xf32, #tpu.memory_space<vmem>>) dst(%dma_wait3A_63 : memref<10112x128xf32, #tpu.memory_space<vmem_shared>>)
        tpu.yield
      }) : () -> ()
    } else {
    }
    %barrier3A_10 = arith.constant 0 : index
    tpu.barrier barrier_id(%barrier3A_10)
    "tpu.region"() ({
      %run_scoped3A = tpu.sem_alloc : memref<!tpu.dma_semaphore, #tpu.memory_space<semaphore_mem>>
      %dma_start3A = arith.constant 0 : i32
      %dma_start3A_11 = tpu.memref_slice %arg5[%arg0, %mul3A_2, %dma_start3A] : memref<2x10112x128xf32, #tpu.memory_space<hbm>> -> memref<1x632x128xf32, #tpu.memory_space<hbm>>
      %dma_start3A_12 = tpu.memref_squeeze %dma_start3A_11 : memref<1x632x128xf32, #tpu.memory_space<hbm>> -> memref<632x128xf32, #tpu.memory_space<hbm>>
      %dma_start3A_13 = arith.constant 0 : i32
      %dma_start3A_14 = tpu.memref_slice %arg8[%mul3A_2, %dma_start3A_13] : memref<10112x128xf32, #tpu.memory_space<vmem_shared>> -> memref<632x128xf32, #tpu.memory_space<vmem_shared>>
      tpu.enqueue_dma source(%dma_start3A_14 : memref<632x128xf32, #tpu.memory_space<vmem_shared>>) target(%dma_start3A_12 : memref<632x128xf32, #tpu.memory_space<hbm>>) target_semaphore(%run_scoped3A : memref<!tpu.dma_semaphore, #tpu.memory_space<semaphore_mem>>)
      %dma_wait3A = arith.constant 0 : i32
      %dma_wait3A_15 = tpu.memref_slice %arg5[%arg0, %mul3A_2, %dma_wait3A] : memref<2x10112x128xf32, #tpu.memory_space<hbm>> -> memref<1x632x128xf32, #tpu.memory_space<hbm>>
      %dma_wait3A_16 = tpu.memref_squeeze %dma_wait3A_15 : memref<1x632x128xf32, #tpu.memory_space<hbm>> -> memref<632x128xf32, #tpu.memory_space<hbm>>
      %dma_wait3A_17 = arith.constant 0 : i32
      %dma_wait3A_18 = tpu.memref_slice %arg8[%mul3A_2, %dma_wait3A_17] : memref<10112x128xf32, #tpu.memory_space<vmem_shared>> -> memref<632x128xf32, #tpu.memory_space<vmem_shared>>
      tpu.wait_dma2 semaphore(%run_scoped3A : memref<!tpu.dma_semaphore, #tpu.memory_space<semaphore_mem>>) src(%dma_wait3A_18 : memref<632x128xf32, #tpu.memory_space<vmem_shared>>) dst(%dma_wait3A_16 : memref<632x128xf32, #tpu.memory_space<hbm>>)
      tpu.yield
    }) : () -> ()
    return
  }
}

#map = affine_map<(d0, d1) -> (0, 0, 0)>
#map1 = affine_map<(d0, d1) -> (0)>
module attributes {stable_mosaic.version = 14 : i64} {
  func.func @_sc_head(%arg0: i32, %arg1: i32, %arg2: memref<32x79x128xi32, #tpu.memory_space<hbm>>, %arg3: memref<32x79x128xi32, #tpu.memory_space<hbm>>, %arg4: memref<20000xf32, #tpu.memory_space<hbm>>, %arg5: memref<20000xf32, #tpu.memory_space<hbm>>, %arg6: memref<647168xf32, #tpu.memory_space<hbm>>, %arg7: memref<79x128xi32, #tpu.memory_space<vmem>>, %arg8: memref<79x128xi32, #tpu.memory_space<vmem>>, %arg9: memref<20000xf32, #tpu.memory_space<vmem>>, %arg10: memref<20000xf32, #tpu.memory_space<vmem>>, %arg11: memref<256xf32, #tpu.memory_space<vmem>>) attributes {dimension_semantics = [#tpu.dimension_semantics<core_parallel>, #tpu.dimension_semantics<subcore_parallel>], iteration_bounds = array<i64: 2, 16>, scalar_prefetch = 0 : i64, scratch_operands = 5 : i64, tpu.core_type = #tpu.core_type<sc_vector_subcore>, window_params = [{transform_indices = #map}, {transform_indices = #map}, {transform_indices = #map1}, {transform_indices = #map1}, {transform_indices = #map1}]} {
    %mul3A = arith.constant 16 : i32
    %mul3A_0 = arith.muli %arg0, %mul3A : i32
    %add3A = arith.addi %mul3A_0, %arg1 : i32
    "tpu.region"() ({
      %run_scoped3A = tpu.sem_alloc : memref<!tpu.dma_semaphore, #tpu.memory_space<semaphore_mem>>
      %dma_start3A = arith.constant 0 : i32
      %dma_start3A_6 = arith.constant 0 : i32
      %dma_start3A_7 = tpu.memref_slice %arg2[%add3A, %dma_start3A, %dma_start3A_6] : memref<32x79x128xi32, #tpu.memory_space<hbm>> -> memref<1x79x128xi32, #tpu.memory_space<hbm>>
      %dma_start3A_8 = tpu.memref_squeeze %dma_start3A_7 : memref<1x79x128xi32, #tpu.memory_space<hbm>> -> memref<79x128xi32, #tpu.memory_space<hbm>>
      %dma_start3A_9 = arith.constant 0 : i32
      %dma_start3A_10 = arith.constant 0 : i32
      %dma_start3A_11 = tpu.memref_slice %arg2[%add3A, %dma_start3A_9, %dma_start3A_10] : memref<32x79x128xi32, #tpu.memory_space<hbm>> -> memref<1x79x128xi32, #tpu.memory_space<hbm>>
      %dma_start3A_12 = tpu.memref_squeeze %dma_start3A_11 : memref<1x79x128xi32, #tpu.memory_space<hbm>> -> memref<79x128xi32, #tpu.memory_space<hbm>>
      tpu.enqueue_dma source(%dma_start3A_12 : memref<79x128xi32, #tpu.memory_space<hbm>>) target(%arg7 : memref<79x128xi32, #tpu.memory_space<vmem>>) target_semaphore(%run_scoped3A : memref<!tpu.dma_semaphore, #tpu.memory_space<semaphore_mem>>)
      %dma_wait3A = arith.constant 0 : i32
      %dma_wait3A_13 = arith.constant 0 : i32
      %dma_wait3A_14 = tpu.memref_slice %arg2[%add3A, %dma_wait3A, %dma_wait3A_13] : memref<32x79x128xi32, #tpu.memory_space<hbm>> -> memref<1x79x128xi32, #tpu.memory_space<hbm>>
      %dma_wait3A_15 = tpu.memref_squeeze %dma_wait3A_14 : memref<1x79x128xi32, #tpu.memory_space<hbm>> -> memref<79x128xi32, #tpu.memory_space<hbm>>
      %dma_wait3A_16 = arith.constant 0 : i32
      %dma_wait3A_17 = arith.constant 0 : i32
      %dma_wait3A_18 = tpu.memref_slice %arg2[%add3A, %dma_wait3A_16, %dma_wait3A_17] : memref<32x79x128xi32, #tpu.memory_space<hbm>> -> memref<1x79x128xi32, #tpu.memory_space<hbm>>
      %dma_wait3A_19 = tpu.memref_squeeze %dma_wait3A_18 : memref<1x79x128xi32, #tpu.memory_space<hbm>> -> memref<79x128xi32, #tpu.memory_space<hbm>>
      tpu.wait_dma2 semaphore(%run_scoped3A : memref<!tpu.dma_semaphore, #tpu.memory_space<semaphore_mem>>) src(%dma_wait3A_19 : memref<79x128xi32, #tpu.memory_space<hbm>>) dst(%arg7 : memref<79x128xi32, #tpu.memory_space<vmem>>)
      tpu.yield
    }) : () -> ()
    "tpu.region"() ({
      %run_scoped3A = tpu.sem_alloc : memref<!tpu.dma_semaphore, #tpu.memory_space<semaphore_mem>>
      %dma_start3A = arith.constant 0 : i32
      %dma_start3A_6 = arith.constant 0 : i32
      %dma_start3A_7 = tpu.memref_slice %arg3[%add3A, %dma_start3A, %dma_start3A_6] : memref<32x79x128xi32, #tpu.memory_space<hbm>> -> memref<1x79x128xi32, #tpu.memory_space<hbm>>
      %dma_start3A_8 = tpu.memref_squeeze %dma_start3A_7 : memref<1x79x128xi32, #tpu.memory_space<hbm>> -> memref<79x128xi32, #tpu.memory_space<hbm>>
      %dma_start3A_9 = arith.constant 0 : i32
      %dma_start3A_10 = arith.constant 0 : i32
      %dma_start3A_11 = tpu.memref_slice %arg3[%add3A, %dma_start3A_9, %dma_start3A_10] : memref<32x79x128xi32, #tpu.memory_space<hbm>> -> memref<1x79x128xi32, #tpu.memory_space<hbm>>
      %dma_start3A_12 = tpu.memref_squeeze %dma_start3A_11 : memref<1x79x128xi32, #tpu.memory_space<hbm>> -> memref<79x128xi32, #tpu.memory_space<hbm>>
      tpu.enqueue_dma source(%dma_start3A_12 : memref<79x128xi32, #tpu.memory_space<hbm>>) target(%arg8 : memref<79x128xi32, #tpu.memory_space<vmem>>) target_semaphore(%run_scoped3A : memref<!tpu.dma_semaphore, #tpu.memory_space<semaphore_mem>>)
      %dma_wait3A = arith.constant 0 : i32
      %dma_wait3A_13 = arith.constant 0 : i32
      %dma_wait3A_14 = tpu.memref_slice %arg3[%add3A, %dma_wait3A, %dma_wait3A_13] : memref<32x79x128xi32, #tpu.memory_space<hbm>> -> memref<1x79x128xi32, #tpu.memory_space<hbm>>
      %dma_wait3A_15 = tpu.memref_squeeze %dma_wait3A_14 : memref<1x79x128xi32, #tpu.memory_space<hbm>> -> memref<79x128xi32, #tpu.memory_space<hbm>>
      %dma_wait3A_16 = arith.constant 0 : i32
      %dma_wait3A_17 = arith.constant 0 : i32
      %dma_wait3A_18 = tpu.memref_slice %arg3[%add3A, %dma_wait3A_16, %dma_wait3A_17] : memref<32x79x128xi32, #tpu.memory_space<hbm>> -> memref<1x79x128xi32, #tpu.memory_space<hbm>>
      %dma_wait3A_19 = tpu.memref_squeeze %dma_wait3A_18 : memref<1x79x128xi32, #tpu.memory_space<hbm>> -> memref<79x128xi32, #tpu.memory_space<hbm>>
      tpu.wait_dma2 semaphore(%run_scoped3A : memref<!tpu.dma_semaphore, #tpu.memory_space<semaphore_mem>>) src(%dma_wait3A_19 : memref<79x128xi32, #tpu.memory_space<hbm>>) dst(%arg8 : memref<79x128xi32, #tpu.memory_space<vmem>>)
      tpu.yield
    }) : () -> ()
    "tpu.region"() ({
      %run_scoped3A = tpu.sem_alloc : memref<!tpu.dma_semaphore, #tpu.memory_space<semaphore_mem>>
      tpu.enqueue_dma source(%arg4 : memref<20000xf32, #tpu.memory_space<hbm>>) target(%arg9 : memref<20000xf32, #tpu.memory_space<vmem>>) target_semaphore(%run_scoped3A : memref<!tpu.dma_semaphore, #tpu.memory_space<semaphore_mem>>)
      tpu.wait_dma2 semaphore(%run_scoped3A : memref<!tpu.dma_semaphore, #tpu.memory_space<semaphore_mem>>) src(%arg4 : memref<20000xf32, #tpu.memory_space<hbm>>) dst(%arg9 : memref<20000xf32, #tpu.memory_space<vmem>>)
      tpu.yield
    }) : () -> ()
    "tpu.region"() ({
      %run_scoped3A = tpu.sem_alloc : memref<!tpu.dma_semaphore, #tpu.memory_space<semaphore_mem>>
      tpu.enqueue_dma source(%arg5 : memref<20000xf32, #tpu.memory_space<hbm>>) target(%arg10 : memref<20000xf32, #tpu.memory_space<vmem>>) target_semaphore(%run_scoped3A : memref<!tpu.dma_semaphore, #tpu.memory_space<semaphore_mem>>)
      tpu.wait_dma2 semaphore(%run_scoped3A : memref<!tpu.dma_semaphore, #tpu.memory_space<semaphore_mem>>) src(%arg5 : memref<20000xf32, #tpu.memory_space<hbm>>) dst(%arg10 : memref<20000xf32, #tpu.memory_space<vmem>>)
      tpu.yield
    }) : () -> ()
    %iota3A = tpu.iota {dimensions = array<i32: 0>} : vector<16xi32>
    %scan3A = arith.constant 0 : i32
    %scan3A_1 = arith.constant 0 : i32
    %scan3A_2 = arith.constant 79 : i32
    %scan3A_3 = arith.addi %scan3A_1, %scan3A_2 : i32
    %scan3A_4 = arith.constant 1 : i32
    scf.for %scan3A_6 = %scan3A_1 to %scan3A_3 step %scan3A_4  : i32 {
      %get3A = arith.index_cast %scan3A_6 : i32 to index
      %get3A_7 = arith.constant 0 : index
      %get3A_8 = tpu.vector_load %arg7[%get3A, %get3A_7] {strides = array<i32>} : memref<79x128xi32, #tpu.memory_space<vmem>>, vector<16xi32>,
      %mul3A_9 = arith.constant 2 : i32
      %mul3A_10 = vector.broadcast %mul3A_9 : i32 to vector<16xi32>
      %mul3A_11 = arith.muli %get3A_8, %mul3A_10 : vector<16xi32>
      %get3A_12 = arith.index_cast %scan3A_6 : i32 to index
      %get3A_13 = arith.constant 0 : index
      %get3A_14 = tpu.vector_load %arg8[%get3A_12, %get3A_13] {strides = array<i32>} : memref<79x128xi32, #tpu.memory_space<vmem>>, vector<16xi32>,
      %mul3A_15 = arith.constant 2 : i32
      %mul3A_16 = vector.broadcast %mul3A_15 : i32 to vector<16xi32>
      %mul3A_17 = arith.muli %get3A_14, %mul3A_16 : vector<16xi32>
      %gather3A = tpu.vector_load_idx %arg9[%mul3A_11] : memref<20000xf32, #tpu.memory_space<vmem>>[vector<16xi32>], vector<16xf32>,
      %gather3A_18 = tpu.vector_load_idx %arg10[%mul3A_17] : memref<20000xf32, #tpu.memory_space<vmem>>[vector<16xi32>], vector<16xf32>,
      %add3A_19 = arith.addf %gather3A, %gather3A_18 : vector<16xf32>
      %add3A_20 = arith.constant 1 : i32
      %add3A_21 = vector.broadcast %add3A_20 : i32 to vector<16xi32>
      %add3A_22 = arith.addi %mul3A_11, %add3A_21 : vector<16xi32>
      %gather3A_23 = tpu.vector_load_idx %arg9[%add3A_22] : memref<20000xf32, #tpu.memory_space<vmem>>[vector<16xi32>], vector<16xf32>,
      %add3A_24 = arith.constant 1 : i32
      %add3A_25 = vector.broadcast %add3A_24 : i32 to vector<16xi32>
      %add3A_26 = arith.addi %mul3A_17, %add3A_25 : vector<16xi32>
      %gather3A_27 = tpu.vector_load_idx %arg10[%add3A_26] : memref<20000xf32, #tpu.memory_space<vmem>>[vector<16xi32>], vector<16xf32>,
      %add3A_28 = arith.addf %gather3A_23, %gather3A_27 : vector<16xf32>
      %mul3A_29 = arith.constant 2 : i32
      %mul3A_30 = vector.broadcast %mul3A_29 : i32 to vector<16xi32>
      %mul3A_31 = arith.muli %iota3A, %mul3A_30 : vector<16xi32>
      %add3A_32 = arith.constant 0 : i32
      %add3A_33 = vector.broadcast %add3A_32 : i32 to vector<16xi32>
      %add3A_34 = arith.addi %mul3A_31, %add3A_33 : vector<16xi32>
      tpu.vector_store_idx %arg11[%add3A_34], %add3A_19 : memref<256xf32, #tpu.memory_space<vmem>>[vector<16xi32>], vector<16xf32>,
      %add3A_35 = arith.constant 1 : i32
      %add3A_36 = vector.broadcast %add3A_35 : i32 to vector<16xi32>
      %add3A_37 = arith.addi %add3A_34, %add3A_36 : vector<16xi32>
      tpu.vector_store_idx %arg11[%add3A_37], %add3A_28 : memref<256xf32, #tpu.memory_space<vmem>>[vector<16xi32>], vector<16xf32>,
      %get3A_38 = arith.index_cast %scan3A_6 : i32 to index
      %get3A_39 = arith.constant 16 : index
      %get3A_40 = tpu.vector_load %arg7[%get3A_38, %get3A_39] {strides = array<i32>} : memref<79x128xi32, #tpu.memory_space<vmem>>, vector<16xi32>,
      %mul3A_41 = arith.constant 2 : i32
      %mul3A_42 = vector.broadcast %mul3A_41 : i32 to vector<16xi32>
      %mul3A_43 = arith.muli %get3A_40, %mul3A_42 : vector<16xi32>
      %get3A_44 = arith.index_cast %scan3A_6 : i32 to index
      %get3A_45 = arith.constant 16 : index
      %get3A_46 = tpu.vector_load %arg8[%get3A_44, %get3A_45] {strides = array<i32>} : memref<79x128xi32, #tpu.memory_space<vmem>>, vector<16xi32>,
      %mul3A_47 = arith.constant 2 : i32
      %mul3A_48 = vector.broadcast %mul3A_47 : i32 to vector<16xi32>
      %mul3A_49 = arith.muli %get3A_46, %mul3A_48 : vector<16xi32>
      %gather3A_50 = tpu.vector_load_idx %arg9[%mul3A_43] : memref<20000xf32, #tpu.memory_space<vmem>>[vector<16xi32>], vector<16xf32>,
      %gather3A_51 = tpu.vector_load_idx %arg10[%mul3A_49] : memref<20000xf32, #tpu.memory_space<vmem>>[vector<16xi32>], vector<16xf32>,
      %add3A_52 = arith.addf %gather3A_50, %gather3A_51 : vector<16xf32>
      %add3A_53 = arith.constant 1 : i32
      %add3A_54 = vector.broadcast %add3A_53 : i32 to vector<16xi32>
      %add3A_55 = arith.addi %mul3A_43, %add3A_54 : vector<16xi32>
      %gather3A_56 = tpu.vector_load_idx %arg9[%add3A_55] : memref<20000xf32, #tpu.memory_space<vmem>>[vector<16xi32>], vector<16xf32>,
      %add3A_57 = arith.constant 1 : i32
      %add3A_58 = vector.broadcast %add3A_57 : i32 to vector<16xi32>
      %add3A_59 = arith.addi %mul3A_49, %add3A_58 : vector<16xi32>
      %gather3A_60 = tpu.vector_load_idx %arg10[%add3A_59] : memref<20000xf32, #tpu.memory_space<vmem>>[vector<16xi32>], vector<16xf32>,
      %add3A_61 = arith.addf %gather3A_56, %gather3A_60 : vector<16xf32>
      %mul3A_62 = arith.constant 2 : i32
      %mul3A_63 = vector.broadcast %mul3A_62 : i32 to vector<16xi32>
      %mul3A_64 = arith.muli %iota3A, %mul3A_63 : vector<16xi32>
      %add3A_65 = arith.constant 32 : i32
      %add3A_66 = vector.broadcast %add3A_65 : i32 to vector<16xi32>
      %add3A_67 = arith.addi %mul3A_64, %add3A_66 : vector<16xi32>
      tpu.vector_store_idx %arg11[%add3A_67], %add3A_52 : memref<256xf32, #tpu.memory_space<vmem>>[vector<16xi32>], vector<16xf32>,
      %add3A_68 = arith.constant 1 : i32
      %add3A_69 = vector.broadcast %add3A_68 : i32 to vector<16xi32>
      %add3A_70 = arith.addi %add3A_67, %add3A_69 : vector<16xi32>
      tpu.vector_store_idx %arg11[%add3A_70], %add3A_61 : memref<256xf32, #tpu.memory_space<vmem>>[vector<16xi32>], vector<16xf32>,
      %get3A_71 = arith.index_cast %scan3A_6 : i32 to index
      %get3A_72 = arith.constant 32 : index
      %get3A_73 = tpu.vector_load %arg7[%get3A_71, %get3A_72] {strides = array<i32>} : memref<79x128xi32, #tpu.memory_space<vmem>>, vector<16xi32>,
      %mul3A_74 = arith.constant 2 : i32
      %mul3A_75 = vector.broadcast %mul3A_74 : i32 to vector<16xi32>
      %mul3A_76 = arith.muli %get3A_73, %mul3A_75 : vector<16xi32>
      %get3A_77 = arith.index_cast %scan3A_6 : i32 to index
      %get3A_78 = arith.constant 32 : index
      %get3A_79 = tpu.vector_load %arg8[%get3A_77, %get3A_78] {strides = array<i32>} : memref<79x128xi32, #tpu.memory_space<vmem>>, vector<16xi32>,
      %mul3A_80 = arith.constant 2 : i32
      %mul3A_81 = vector.broadcast %mul3A_80 : i32 to vector<16xi32>
      %mul3A_82 = arith.muli %get3A_79, %mul3A_81 : vector<16xi32>
      %gather3A_83 = tpu.vector_load_idx %arg9[%mul3A_76] : memref<20000xf32, #tpu.memory_space<vmem>>[vector<16xi32>], vector<16xf32>,
      %gather3A_84 = tpu.vector_load_idx %arg10[%mul3A_82] : memref<20000xf32, #tpu.memory_space<vmem>>[vector<16xi32>], vector<16xf32>,
      %add3A_85 = arith.addf %gather3A_83, %gather3A_84 : vector<16xf32>
      %add3A_86 = arith.constant 1 : i32
      %add3A_87 = vector.broadcast %add3A_86 : i32 to vector<16xi32>
      %add3A_88 = arith.addi %mul3A_76, %add3A_87 : vector<16xi32>
      %gather3A_89 = tpu.vector_load_idx %arg9[%add3A_88] : memref<20000xf32, #tpu.memory_space<vmem>>[vector<16xi32>], vector<16xf32>,
      %add3A_90 = arith.constant 1 : i32
      %add3A_91 = vector.broadcast %add3A_90 : i32 to vector<16xi32>
      %add3A_92 = arith.addi %mul3A_82, %add3A_91 : vector<16xi32>
      %gather3A_93 = tpu.vector_load_idx %arg10[%add3A_92] : memref<20000xf32, #tpu.memory_space<vmem>>[vector<16xi32>], vector<16xf32>,
      %add3A_94 = arith.addf %gather3A_89, %gather3A_93 : vector<16xf32>
      %mul3A_95 = arith.constant 2 : i32
      %mul3A_96 = vector.broadcast %mul3A_95 : i32 to vector<16xi32>
      %mul3A_97 = arith.muli %iota3A, %mul3A_96 : vector<16xi32>
      %add3A_98 = arith.constant 64 : i32
      %add3A_99 = vector.broadcast %add3A_98 : i32 to vector<16xi32>
      %add3A_100 = arith.addi %mul3A_97, %add3A_99 : vector<16xi32>
      tpu.vector_store_idx %arg11[%add3A_100], %add3A_85 : memref<256xf32, #tpu.memory_space<vmem>>[vector<16xi32>], vector<16xf32>,
      %add3A_101 = arith.constant 1 : i32
      %add3A_102 = vector.broadcast %add3A_101 : i32 to vector<16xi32>
      %add3A_103 = arith.addi %add3A_100, %add3A_102 : vector<16xi32>
      tpu.vector_store_idx %arg11[%add3A_103], %add3A_94 : memref<256xf32, #tpu.memory_space<vmem>>[vector<16xi32>], vector<16xf32>,
      %get3A_104 = arith.index_cast %scan3A_6 : i32 to index
      %get3A_105 = arith.constant 48 : index
      %get3A_106 = tpu.vector_load %arg7[%get3A_104, %get3A_105] {strides = array<i32>} : memref<79x128xi32, #tpu.memory_space<vmem>>, vector<16xi32>,
      %mul3A_107 = arith.constant 2 : i32
      %mul3A_108 = vector.broadcast %mul3A_107 : i32 to vector<16xi32>
      %mul3A_109 = arith.muli %get3A_106, %mul3A_108 : vector<16xi32>
      %get3A_110 = arith.index_cast %scan3A_6 : i32 to index
      %get3A_111 = arith.constant 48 : index
      %get3A_112 = tpu.vector_load %arg8[%get3A_110, %get3A_111] {strides = array<i32>} : memref<79x128xi32, #tpu.memory_space<vmem>>, vector<16xi32>,
      %mul3A_113 = arith.constant 2 : i32
      %mul3A_114 = vector.broadcast %mul3A_113 : i32 to vector<16xi32>
      %mul3A_115 = arith.muli %get3A_112, %mul3A_114 : vector<16xi32>
      %gather3A_116 = tpu.vector_load_idx %arg9[%mul3A_109] : memref<20000xf32, #tpu.memory_space<vmem>>[vector<16xi32>], vector<16xf32>,
      %gather3A_117 = tpu.vector_load_idx %arg10[%mul3A_115] : memref<20000xf32, #tpu.memory_space<vmem>>[vector<16xi32>], vector<16xf32>,
      %add3A_118 = arith.addf %gather3A_116, %gather3A_117 : vector<16xf32>
      %add3A_119 = arith.constant 1 : i32
      %add3A_120 = vector.broadcast %add3A_119 : i32 to vector<16xi32>
      %add3A_121 = arith.addi %mul3A_109, %add3A_120 : vector<16xi32>
      %gather3A_122 = tpu.vector_load_idx %arg9[%add3A_121] : memref<20000xf32, #tpu.memory_space<vmem>>[vector<16xi32>], vector<16xf32>,
      %add3A_123 = arith.constant 1 : i32
      %add3A_124 = vector.broadcast %add3A_123 : i32 to vector<16xi32>
      %add3A_125 = arith.addi %mul3A_115, %add3A_124 : vector<16xi32>
      %gather3A_126 = tpu.vector_load_idx %arg10[%add3A_125] : memref<20000xf32, #tpu.memory_space<vmem>>[vector<16xi32>], vector<16xf32>,
      %add3A_127 = arith.addf %gather3A_122, %gather3A_126 : vector<16xf32>
      %mul3A_128 = arith.constant 2 : i32
      %mul3A_129 = vector.broadcast %mul3A_128 : i32 to vector<16xi32>
      %mul3A_130 = arith.muli %iota3A, %mul3A_129 : vector<16xi32>
      %add3A_131 = arith.constant 96 : i32
      %add3A_132 = vector.broadcast %add3A_131 : i32 to vector<16xi32>
      %add3A_133 = arith.addi %mul3A_130, %add3A_132 : vector<16xi32>
      tpu.vector_store_idx %arg11[%add3A_133], %add3A_118 : memref<256xf32, #tpu.memory_space<vmem>>[vector<16xi32>], vector<16xf32>,
      %add3A_134 = arith.constant 1 : i32
      %add3A_135 = vector.broadcast %add3A_134 : i32 to vector<16xi32>
      %add3A_136 = arith.addi %add3A_133, %add3A_135 : vector<16xi32>
      tpu.vector_store_idx %arg11[%add3A_136], %add3A_127 : memref<256xf32, #tpu.memory_space<vmem>>[vector<16xi32>], vector<16xf32>,
      %get3A_137 = arith.index_cast %scan3A_6 : i32 to index
      %get3A_138 = arith.constant 64 : index
      %get3A_139 = tpu.vector_load %arg7[%get3A_137, %get3A_138] {strides = array<i32>} : memref<79x128xi32, #tpu.memory_space<vmem>>, vector<16xi32>,
      %mul3A_140 = arith.constant 2 : i32
      %mul3A_141 = vector.broadcast %mul3A_140 : i32 to vector<16xi32>
      %mul3A_142 = arith.muli %get3A_139, %mul3A_141 : vector<16xi32>
      %get3A_143 = arith.index_cast %scan3A_6 : i32 to index
      %get3A_144 = arith.constant 64 : index
      %get3A_145 = tpu.vector_load %arg8[%get3A_143, %get3A_144] {strides = array<i32>} : memref<79x128xi32, #tpu.memory_space<vmem>>, vector<16xi32>,
      %mul3A_146 = arith.constant 2 : i32
      %mul3A_147 = vector.broadcast %mul3A_146 : i32 to vector<16xi32>
      %mul3A_148 = arith.muli %get3A_145, %mul3A_147 : vector<16xi32>
      %gather3A_149 = tpu.vector_load_idx %arg9[%mul3A_142] : memref<20000xf32, #tpu.memory_space<vmem>>[vector<16xi32>], vector<16xf32>,
      %gather3A_150 = tpu.vector_load_idx %arg10[%mul3A_148] : memref<20000xf32, #tpu.memory_space<vmem>>[vector<16xi32>], vector<16xf32>,
      %add3A_151 = arith.addf %gather3A_149, %gather3A_150 : vector<16xf32>
      %add3A_152 = arith.constant 1 : i32
      %add3A_153 = vector.broadcast %add3A_152 : i32 to vector<16xi32>
      %add3A_154 = arith.addi %mul3A_142, %add3A_153 : vector<16xi32>
      %gather3A_155 = tpu.vector_load_idx %arg9[%add3A_154] : memref<20000xf32, #tpu.memory_space<vmem>>[vector<16xi32>], vector<16xf32>,
      %add3A_156 = arith.constant 1 : i32
      %add3A_157 = vector.broadcast %add3A_156 : i32 to vector<16xi32>
      %add3A_158 = arith.addi %mul3A_148, %add3A_157 : vector<16xi32>
      %gather3A_159 = tpu.vector_load_idx %arg10[%add3A_158] : memref<20000xf32, #tpu.memory_space<vmem>>[vector<16xi32>], vector<16xf32>,
      %add3A_160 = arith.addf %gather3A_155, %gather3A_159 : vector<16xf32>
      %mul3A_161 = arith.constant 2 : i32
      %mul3A_162 = vector.broadcast %mul3A_161 : i32 to vector<16xi32>
      %mul3A_163 = arith.muli %iota3A, %mul3A_162 : vector<16xi32>
      %add3A_164 = arith.constant 128 : i32
      %add3A_165 = vector.broadcast %add3A_164 : i32 to vector<16xi32>
      %add3A_166 = arith.addi %mul3A_163, %add3A_165 : vector<16xi32>
      tpu.vector_store_idx %arg11[%add3A_166], %add3A_151 : memref<256xf32, #tpu.memory_space<vmem>>[vector<16xi32>], vector<16xf32>,
      %add3A_167 = arith.constant 1 : i32
      %add3A_168 = vector.broadcast %add3A_167 : i32 to vector<16xi32>
      %add3A_169 = arith.addi %add3A_166, %add3A_168 : vector<16xi32>
      tpu.vector_store_idx %arg11[%add3A_169], %add3A_160 : memref<256xf32, #tpu.memory_space<vmem>>[vector<16xi32>], vector<16xf32>,
      %get3A_170 = arith.index_cast %scan3A_6 : i32 to index
      %get3A_171 = arith.constant 80 : index
      %get3A_172 = tpu.vector_load %arg7[%get3A_170, %get3A_171] {strides = array<i32>} : memref<79x128xi32, #tpu.memory_space<vmem>>, vector<16xi32>,
      %mul3A_173 = arith.constant 2 : i32
      %mul3A_174 = vector.broadcast %mul3A_173 : i32 to vector<16xi32>
      %mul3A_175 = arith.muli %get3A_172, %mul3A_174 : vector<16xi32>
      %get3A_176 = arith.index_cast %scan3A_6 : i32 to index
      %get3A_177 = arith.constant 80 : index
      %get3A_178 = tpu.vector_load %arg8[%get3A_176, %get3A_177] {strides = array<i32>} : memref<79x128xi32, #tpu.memory_space<vmem>>, vector<16xi32>,
      %mul3A_179 = arith.constant 2 : i32
      %mul3A_180 = vector.broadcast %mul3A_179 : i32 to vector<16xi32>
      %mul3A_181 = arith.muli %get3A_178, %mul3A_180 : vector<16xi32>
      %gather3A_182 = tpu.vector_load_idx %arg9[%mul3A_175] : memref<20000xf32, #tpu.memory_space<vmem>>[vector<16xi32>], vector<16xf32>,
      %gather3A_183 = tpu.vector_load_idx %arg10[%mul3A_181] : memref<20000xf32, #tpu.memory_space<vmem>>[vector<16xi32>], vector<16xf32>,
      %add3A_184 = arith.addf %gather3A_182, %gather3A_183 : vector<16xf32>
      %add3A_185 = arith.constant 1 : i32
      %add3A_186 = vector.broadcast %add3A_185 : i32 to vector<16xi32>
      %add3A_187 = arith.addi %mul3A_175, %add3A_186 : vector<16xi32>
      %gather3A_188 = tpu.vector_load_idx %arg9[%add3A_187] : memref<20000xf32, #tpu.memory_space<vmem>>[vector<16xi32>], vector<16xf32>,
      %add3A_189 = arith.constant 1 : i32
      %add3A_190 = vector.broadcast %add3A_189 : i32 to vector<16xi32>
      %add3A_191 = arith.addi %mul3A_181, %add3A_190 : vector<16xi32>
      %gather3A_192 = tpu.vector_load_idx %arg10[%add3A_191] : memref<20000xf32, #tpu.memory_space<vmem>>[vector<16xi32>], vector<16xf32>,
      %add3A_193 = arith.addf %gather3A_188, %gather3A_192 : vector<16xf32>
      %mul3A_194 = arith.constant 2 : i32
      %mul3A_195 = vector.broadcast %mul3A_194 : i32 to vector<16xi32>
      %mul3A_196 = arith.muli %iota3A, %mul3A_195 : vector<16xi32>
      %add3A_197 = arith.constant 160 : i32
      %add3A_198 = vector.broadcast %add3A_197 : i32 to vector<16xi32>
      %add3A_199 = arith.addi %mul3A_196, %add3A_198 : vector<16xi32>
      tpu.vector_store_idx %arg11[%add3A_199], %add3A_184 : memref<256xf32, #tpu.memory_space<vmem>>[vector<16xi32>], vector<16xf32>,
      %add3A_200 = arith.constant 1 : i32
      %add3A_201 = vector.broadcast %add3A_200 : i32 to vector<16xi32>
      %add3A_202 = arith.addi %add3A_199, %add3A_201 : vector<16xi32>
      tpu.vector_store_idx %arg11[%add3A_202], %add3A_193 : memref<256xf32, #tpu.memory_space<vmem>>[vector<16xi32>], vector<16xf32>,
      %get3A_203 = arith.index_cast %scan3A_6 : i32 to index
      %get3A_204 = arith.constant 96 : index
      %get3A_205 = tpu.vector_load %arg7[%get3A_203, %get3A_204] {strides = array<i32>} : memref<79x128xi32, #tpu.memory_space<vmem>>, vector<16xi32>,
      %mul3A_206 = arith.constant 2 : i32
      %mul3A_207 = vector.broadcast %mul3A_206 : i32 to vector<16xi32>
      %mul3A_208 = arith.muli %get3A_205, %mul3A_207 : vector<16xi32>
      %get3A_209 = arith.index_cast %scan3A_6 : i32 to index
      %get3A_210 = arith.constant 96 : index
      %get3A_211 = tpu.vector_load %arg8[%get3A_209, %get3A_210] {strides = array<i32>} : memref<79x128xi32, #tpu.memory_space<vmem>>, vector<16xi32>,
      %mul3A_212 = arith.constant 2 : i32
      %mul3A_213 = vector.broadcast %mul3A_212 : i32 to vector<16xi32>
      %mul3A_214 = arith.muli %get3A_211, %mul3A_213 : vector<16xi32>
      %gather3A_215 = tpu.vector_load_idx %arg9[%mul3A_208] : memref<20000xf32, #tpu.memory_space<vmem>>[vector<16xi32>], vector<16xf32>,
      %gather3A_216 = tpu.vector_load_idx %arg10[%mul3A_214] : memref<20000xf32, #tpu.memory_space<vmem>>[vector<16xi32>], vector<16xf32>,
      %add3A_217 = arith.addf %gather3A_215, %gather3A_216 : vector<16xf32>
      %add3A_218 = arith.constant 1 : i32
      %add3A_219 = vector.broadcast %add3A_218 : i32 to vector<16xi32>
      %add3A_220 = arith.addi %mul3A_208, %add3A_219 : vector<16xi32>
      %gather3A_221 = tpu.vector_load_idx %arg9[%add3A_220] : memref<20000xf32, #tpu.memory_space<vmem>>[vector<16xi32>], vector<16xf32>,
      %add3A_222 = arith.constant 1 : i32
      %add3A_223 = vector.broadcast %add3A_222 : i32 to vector<16xi32>
      %add3A_224 = arith.addi %mul3A_214, %add3A_223 : vector<16xi32>
      %gather3A_225 = tpu.vector_load_idx %arg10[%add3A_224] : memref<20000xf32, #tpu.memory_space<vmem>>[vector<16xi32>], vector<16xf32>,
      %add3A_226 = arith.addf %gather3A_221, %gather3A_225 : vector<16xf32>
      %mul3A_227 = arith.constant 2 : i32
      %mul3A_228 = vector.broadcast %mul3A_227 : i32 to vector<16xi32>
      %mul3A_229 = arith.muli %iota3A, %mul3A_228 : vector<16xi32>
      %add3A_230 = arith.constant 192 : i32
      %add3A_231 = vector.broadcast %add3A_230 : i32 to vector<16xi32>
      %add3A_232 = arith.addi %mul3A_229, %add3A_231 : vector<16xi32>
      tpu.vector_store_idx %arg11[%add3A_232], %add3A_217 : memref<256xf32, #tpu.memory_space<vmem>>[vector<16xi32>], vector<16xf32>,
      %add3A_233 = arith.constant 1 : i32
      %add3A_234 = vector.broadcast %add3A_233 : i32 to vector<16xi32>
      %add3A_235 = arith.addi %add3A_232, %add3A_234 : vector<16xi32>
      tpu.vector_store_idx %arg11[%add3A_235], %add3A_226 : memref<256xf32, #tpu.memory_space<vmem>>[vector<16xi32>], vector<16xf32>,
      %get3A_236 = arith.index_cast %scan3A_6 : i32 to index
      %get3A_237 = arith.constant 112 : index
      %get3A_238 = tpu.vector_load %arg7[%get3A_236, %get3A_237] {strides = array<i32>} : memref<79x128xi32, #tpu.memory_space<vmem>>, vector<16xi32>,
      %mul3A_239 = arith.constant 2 : i32
      %mul3A_240 = vector.broadcast %mul3A_239 : i32 to vector<16xi32>
      %mul3A_241 = arith.muli %get3A_238, %mul3A_240 : vector<16xi32>
      %get3A_242 = arith.index_cast %scan3A_6 : i32 to index
      %get3A_243 = arith.constant 112 : index
      %get3A_244 = tpu.vector_load %arg8[%get3A_242, %get3A_243] {strides = array<i32>} : memref<79x128xi32, #tpu.memory_space<vmem>>, vector<16xi32>,
      %mul3A_245 = arith.constant 2 : i32
      %mul3A_246 = vector.broadcast %mul3A_245 : i32 to vector<16xi32>
      %mul3A_247 = arith.muli %get3A_244, %mul3A_246 : vector<16xi32>
      %gather3A_248 = tpu.vector_load_idx %arg9[%mul3A_241] : memref<20000xf32, #tpu.memory_space<vmem>>[vector<16xi32>], vector<16xf32>,
      %gather3A_249 = tpu.vector_load_idx %arg10[%mul3A_247] : memref<20000xf32, #tpu.memory_space<vmem>>[vector<16xi32>], vector<16xf32>,
      %add3A_250 = arith.addf %gather3A_248, %gather3A_249 : vector<16xf32>
      %add3A_251 = arith.constant 1 : i32
      %add3A_252 = vector.broadcast %add3A_251 : i32 to vector<16xi32>
      %add3A_253 = arith.addi %mul3A_241, %add3A_252 : vector<16xi32>
      %gather3A_254 = tpu.vector_load_idx %arg9[%add3A_253] : memref<20000xf32, #tpu.memory_space<vmem>>[vector<16xi32>], vector<16xf32>,
      %add3A_255 = arith.constant 1 : i32
      %add3A_256 = vector.broadcast %add3A_255 : i32 to vector<16xi32>
      %add3A_257 = arith.addi %mul3A_247, %add3A_256 : vector<16xi32>
      %gather3A_258 = tpu.vector_load_idx %arg10[%add3A_257] : memref<20000xf32, #tpu.memory_space<vmem>>[vector<16xi32>], vector<16xf32>,
      %add3A_259 = arith.addf %gather3A_254, %gather3A_258 : vector<16xf32>
      %mul3A_260 = arith.constant 2 : i32
      %mul3A_261 = vector.broadcast %mul3A_260 : i32 to vector<16xi32>
      %mul3A_262 = arith.muli %iota3A, %mul3A_261 : vector<16xi32>
      %add3A_263 = arith.constant 224 : i32
      %add3A_264 = vector.broadcast %add3A_263 : i32 to vector<16xi32>
      %add3A_265 = arith.addi %mul3A_262, %add3A_264 : vector<16xi32>
      tpu.vector_store_idx %arg11[%add3A_265], %add3A_250 : memref<256xf32, #tpu.memory_space<vmem>>[vector<16xi32>], vector<16xf32>,
      %add3A_266 = arith.constant 1 : i32
      %add3A_267 = vector.broadcast %add3A_266 : i32 to vector<16xi32>
      %add3A_268 = arith.addi %add3A_265, %add3A_267 : vector<16xi32>
      tpu.vector_store_idx %arg11[%add3A_268], %add3A_259 : memref<256xf32, #tpu.memory_space<vmem>>[vector<16xi32>], vector<16xf32>,
      %mul3A_269 = arith.constant 10112 : i32
      %mul3A_270 = arith.muli %add3A, %mul3A_269 : i32
      %mul3A_271 = arith.constant 128 : i32
      %mul3A_272 = arith.muli %scan3A_6, %mul3A_271 : i32
      %add3A_273 = arith.addi %mul3A_270, %mul3A_272 : i32
      %mul3A_274 = arith.constant 2 : i32
      %mul3A_275 = arith.muli %add3A_273, %mul3A_274 : i32
      "tpu.region"() ({
        %run_scoped3A = tpu.sem_alloc : memref<!tpu.dma_semaphore, #tpu.memory_space<semaphore_mem>>
        %dma_start3A = tpu.memref_slice %arg6[%mul3A_275] : memref<647168xf32, #tpu.memory_space<hbm>> -> memref<256xf32, #tpu.memory_space<hbm>>
        %dma_start3A_276 = tpu.memref_slice %arg6[%mul3A_275] : memref<647168xf32, #tpu.memory_space<hbm>> -> memref<256xf32, #tpu.memory_space<hbm>>
        tpu.enqueue_dma source(%arg11 : memref<256xf32, #tpu.memory_space<vmem>>) target(%dma_start3A_276 : memref<256xf32, #tpu.memory_space<hbm>>) target_semaphore(%run_scoped3A : memref<!tpu.dma_semaphore, #tpu.memory_space<semaphore_mem>>)
        %dma_wait3A = tpu.memref_slice %arg6[%mul3A_275] : memref<647168xf32, #tpu.memory_space<hbm>> -> memref<256xf32, #tpu.memory_space<hbm>>
        %dma_wait3A_277 = tpu.memref_slice %arg6[%mul3A_275] : memref<647168xf32, #tpu.memory_space<hbm>> -> memref<256xf32, #tpu.memory_space<hbm>>
        tpu.wait_dma2 semaphore(%run_scoped3A : memref<!tpu.dma_semaphore, #tpu.memory_space<semaphore_mem>>) src(%arg11 : memref<256xf32, #tpu.memory_space<vmem>>) dst(%dma_wait3A_277 : memref<256xf32, #tpu.memory_space<hbm>>)
        tpu.yield
      }) : () -> ()
    }
    %scan3A_5 = arith.constant 79 : i32
    return
  }
}

module attributes {stable_mosaic.version = 14 : i64} {
  func.func @_tc_pre_body(%arg0: i32, %arg1: memref<1000x128xf32, #tpu.memory_space<vmem>>, %arg2: memref<128x128xf32, #tpu.memory_space<vmem>>, %arg3: memref<1x128xf32, #tpu.memory_space<vmem>>, %arg4: memref<1000x128xf32, #tpu.memory_space<vmem>>) attributes {dimension_semantics = [#tpu.dimension_semantics<arbitrary>], iteration_bounds = array<i64: 10>, scalar_prefetch = 0 : i64, scratch_operands = 0 : i64, tpu.core_type = #tpu.core_type<tc>, window_params = [{transform_indices = @transform_0, window_bounds = array<i64: 1000, 128>}, {pipeline_mode = #tpu.pipeline_mode<synchronous>, transform_indices = @transform_1, window_bounds = array<i64: 128, 128>}, {pipeline_mode = #tpu.pipeline_mode<synchronous>, transform_indices = @transform_2, window_bounds = array<i64: 1, 128>}, {transform_indices = @transform_3, window_bounds = array<i64: 1000, 128>}]} {
    %get3A = arith.constant 0 : index
    %get3A_0 = arith.constant 0 : index
    %get3A_1 = vector.load %arg1[%get3A, %get3A_0] : memref<1000x128xf32, #tpu.memory_space<vmem>>, vector<1000x128xf32>
    %get3A_2 = arith.constant 0 : index
    %get3A_3 = arith.constant 0 : index
    %get3A_4 = vector.load %arg2[%get3A_2, %get3A_3] : memref<128x128xf32, #tpu.memory_space<vmem>>, vector<128x128xf32>
    %dot_general3A = arith.constant dense<0.000000e+00> : vector<1000x128xf32>
    %dot_general3A_5 = tpu.matmul %get3A_1, %get3A_4, %dot_general3A {dimension_numbers = #tpu.dot_dimension_numbers<[1], [0], [0], [1], [0, 0, 1, 1], [], []>, transpose_lhs_hint = false} : vector<1000x128xf32>, vector<128x128xf32>, vector<1000x128xf32> -> vector<1000x128xf32>
    %get3A_6 = arith.constant 0 : index
    %get3A_7 = arith.constant 0 : index
    %get3A_8 = vector.load %arg3[%get3A_6, %get3A_7] : memref<1x128xf32, #tpu.memory_space<vmem>>, vector<1x128xf32>
    %add3A = vector.broadcast %get3A_8 : vector<1x128xf32> to vector<1000x128xf32>
    %add3A_9 = arith.addf %dot_general3A_5, %add3A : vector<1000x128xf32>
    %max3A = arith.constant 0.000000e+00 : f32
    %max3A_10 = vector.broadcast %max3A : f32 to vector<1000x128xf32>
    %max3A_11 = arith.maximumf %add3A_9, %max3A_10 : vector<1000x128xf32>
    %swap3A = arith.constant 0 : index
    %swap3A_12 = arith.constant 0 : index
    %swap3A_13 = vector.load %arg4[%swap3A, %swap3A_12] : memref<1000x128xf32, #tpu.memory_space<vmem>>, vector<1000x128xf32>
    tpu.vector_store %arg4[%swap3A, %swap3A_12], %max3A_11 {strides = array<i32>} : memref<1000x128xf32, #tpu.memory_space<vmem>>, vector<1000x128xf32>,
    return
  }
  func.func @transform_0(%arg0: i32) -> (i32, i32) {
    %c0_i32 = arith.constant 0 : i32
    %c0_i32_0 = arith.constant 0 : i32
    return %arg0, %c0_i32 : i32, i32
  }
  func.func @transform_1(%arg0: i32) -> (i32, i32) {
    %c0_i32 = arith.constant 0 : i32
    %c0_i32_0 = arith.constant 0 : i32
    %c0_i32_1 = arith.constant 0 : i32
    return %c0_i32, %c0_i32_0 : i32, i32
  }
  func.func @transform_2(%arg0: i32) -> (i32, i32) {
    %c0_i32 = arith.constant 0 : i32
    %c0_i32_0 = arith.constant 0 : i32
    %c0_i32_1 = arith.constant 0 : i32
    return %c0_i32, %c0_i32_0 : i32, i32
  }
  func.func @transform_3(%arg0: i32) -> (i32, i32) {
    %c0_i32 = arith.constant 0 : i32
    %c0_i32_0 = arith.constant 0 : i32
    return %arg0, %c0_i32 : i32, i32
  }
}

module attributes {stable_mosaic.version = 14 : i64} {
  func.func @_tc_mid_body(%arg0: i32, %arg1: memref<1000x128xf32, #tpu.memory_space<vmem>>, %arg2: memref<2x1000x128xf32, #tpu.memory_space<vmem>>, %arg3: memref<2x1000x128xf32, #tpu.memory_space<vmem>>, %arg4: memref<128x128xf32, #tpu.memory_space<vmem>>, %arg5: memref<128x128xf32, #tpu.memory_space<vmem>>, %arg6: memref<16x128xf32, #tpu.memory_space<vmem>>, %arg7: memref<1x128xf32, #tpu.memory_space<vmem>>, %arg8: memref<128x128xf32, #tpu.memory_space<vmem>>, %arg9: memref<1x128xf32, #tpu.memory_space<vmem>>, %arg10: memref<1000x128xf32, #tpu.memory_space<vmem>>) attributes {dimension_semantics = [#tpu.dimension_semantics<arbitrary>], iteration_bounds = array<i64: 10>, scalar_prefetch = 0 : i64, scratch_operands = 0 : i64, tpu.core_type = #tpu.core_type<tc>, window_params = [{transform_indices = @transform_0, window_bounds = array<i64: 1000, 128>}, {transform_indices = @transform_1, window_bounds = array<i64: 2, 1000, 128>}, {transform_indices = @transform_2, window_bounds = array<i64: 2, 1000, 128>}, {pipeline_mode = #tpu.pipeline_mode<synchronous>, transform_indices = @transform_3, window_bounds = array<i64: 128, 128>}, {pipeline_mode = #tpu.pipeline_mode<synchronous>, transform_indices = @transform_4, window_bounds = array<i64: 128, 128>}, {pipeline_mode = #tpu.pipeline_mode<synchronous>, transform_indices = @transform_5, window_bounds = array<i64: 16, 128>}, {pipeline_mode = #tpu.pipeline_mode<synchronous>, transform_indices = @transform_6, window_bounds = array<i64: 1, 128>}, {pipeline_mode = #tpu.pipeline_mode<synchronous>, transform_indices = @transform_7, window_bounds = array<i64: 128, 128>}, {pipeline_mode = #tpu.pipeline_mode<synchronous>, transform_indices = @transform_8, window_bounds = array<i64: 1, 128>}, {transform_indices = @transform_9, window_bounds = array<i64: 1000, 128>}]} {
    %get3A = arith.constant 0 : index
    %get3A_0 = arith.constant 0 : index
    %get3A_1 = vector.load %arg1[%get3A, %get3A_0] : memref<1000x128xf32, #tpu.memory_space<vmem>>, vector<1000x128xf32>
    %get3A_2 = arith.constant 0 : index
    %get3A_3 = arith.constant 0 : index
    %get3A_4 = arith.constant 0 : index
    %get3A_5 = vector.load %arg2[%get3A_2, %get3A_3, %get3A_4] : memref<2x1000x128xf32, #tpu.memory_space<vmem>>, vector<2x1000x128xf32>
    %get3A_6 = arith.constant 0 : index
    %get3A_7 = arith.constant 0 : index
    %get3A_8 = arith.constant 0 : index
    %get3A_9 = vector.load %arg3[%get3A_6, %get3A_7, %get3A_8] : memref<2x1000x128xf32, #tpu.memory_space<vmem>>, vector<2x1000x128xf32>
    %get3A_10 = arith.constant 0 : index
    %get3A_11 = arith.constant 0 : index
    %get3A_12 = vector.load %arg4[%get3A_10, %get3A_11] : memref<128x128xf32, #tpu.memory_space<vmem>>, vector<128x128xf32>
    %get3A_13 = arith.constant 0 : index
    %get3A_14 = arith.constant 0 : index
    %get3A_15 = vector.load %arg5[%get3A_13, %get3A_14] : memref<128x128xf32, #tpu.memory_space<vmem>>, vector<128x128xf32>
    %get3A_16 = arith.constant 0 : index
    %get3A_17 = arith.constant 0 : index
    %get3A_18 = vector.load %arg6[%get3A_16, %get3A_17] : memref<16x128xf32, #tpu.memory_space<vmem>>, vector<16x128xf32>
    %get3A_19 = arith.constant 0 : index
    %get3A_20 = arith.constant 0 : index
    %get3A_21 = vector.load %arg7[%get3A_19, %get3A_20] : memref<1x128xf32, #tpu.memory_space<vmem>>, vector<1x128xf32>
    %slice3A = vector.extract_strided_slice %get3A_5 {offsets = [0, 0, 0], sizes = [1, 1000, 128], strides = [1, 1, 1]} : vector<2x1000x128xf32> to vector<1x1000x128xf32>
    %squeeze3A = vector.shape_cast %slice3A : vector<1x1000x128xf32> to vector<1000x128xf32>
    %slice3A_22 = vector.extract_strided_slice %get3A_5 {offsets = [1, 0, 0], sizes = [1, 1000, 128], strides = [1, 1, 1]} : vector<2x1000x128xf32> to vector<1x1000x128xf32>
    %squeeze3A_23 = vector.shape_cast %slice3A_22 : vector<1x1000x128xf32> to vector<1000x128xf32>
    %add3A = arith.addf %squeeze3A, %squeeze3A_23 : vector<1000x128xf32>
    %slice3A_24 = vector.extract_strided_slice %get3A_9 {offsets = [0, 0, 0], sizes = [1, 1000, 16], strides = [1, 1, 1]} : vector<2x1000x128xf32> to vector<1x1000x16xf32>
    %squeeze3A_25 = vector.shape_cast %slice3A_24 : vector<1x1000x16xf32> to vector<1000x16xf32>
    %slice3A_26 = vector.extract_strided_slice %get3A_9 {offsets = [1, 0, 0], sizes = [1, 1000, 16], strides = [1, 1, 1]} : vector<2x1000x128xf32> to vector<1x1000x16xf32>
    %squeeze3A_27 = vector.shape_cast %slice3A_26 : vector<1x1000x16xf32> to vector<1000x16xf32>
    %add3A_28 = arith.addf %squeeze3A_25, %squeeze3A_27 : vector<1000x16xf32>
    %slice3A_29 = vector.extract_strided_slice %get3A_9 {offsets = [0, 0, 16], sizes = [1, 1000, 1], strides = [1, 1, 1]} : vector<2x1000x128xf32> to vector<1x1000x1xf32>
    %squeeze3A_30 = vector.shape_cast %slice3A_29 : vector<1x1000x1xf32> to vector<1000x1xf32>
    %slice3A_31 = vector.extract_strided_slice %get3A_9 {offsets = [1, 0, 16], sizes = [1, 1000, 1], strides = [1, 1, 1]} : vector<2x1000x128xf32> to vector<1x1000x1xf32>
    %squeeze3A_32 = vector.shape_cast %slice3A_31 : vector<1x1000x1xf32> to vector<1000x1xf32>
    %add3A_33 = arith.addf %squeeze3A_30, %squeeze3A_32 : vector<1000x1xf32>
    %dot_general3A = arith.constant dense<0.000000e+00> : vector<1000x128xf32>
    %dot_general3A_34 = tpu.matmul %get3A_1, %get3A_12, %dot_general3A {dimension_numbers = #tpu.dot_dimension_numbers<[1], [0], [0], [1], [0, 0, 1, 1], [], []>, transpose_lhs_hint = false} : vector<1000x128xf32>, vector<128x128xf32>, vector<1000x128xf32> -> vector<1000x128xf32>
    %add3A_35 = vector.broadcast %get3A_21 : vector<1x128xf32> to vector<1000x128xf32>
    %add3A_36 = arith.addf %dot_general3A_34, %add3A_35 : vector<1000x128xf32>
    %mul3A = vector.broadcast %add3A_33 : vector<1000x1xf32> to vector<1000x128xf32>
    %mul3A_37 = arith.mulf %mul3A, %add3A_36 : vector<1000x128xf32>
    %dot_general3A_38 = arith.constant dense<0.000000e+00> : vector<1000x128xf32>
    %dot_general3A_39 = tpu.matmul %add3A, %get3A_15, %dot_general3A_38 {dimension_numbers = #tpu.dot_dimension_numbers<[1], [0], [0], [1], [0, 0, 1, 1], [], []>, transpose_lhs_hint = false} : vector<1000x128xf32>, vector<128x128xf32>, vector<1000x128xf32> -> vector<1000x128xf32>
    %add3A_40 = arith.addf %mul3A_37, %dot_general3A_39 : vector<1000x128xf32>
    %dot_general3A_41 = arith.constant dense<0.000000e+00> : vector<1000x128xf32>
    %dot_general3A_42 = tpu.matmul %add3A_28, %get3A_18, %dot_general3A_41 {dimension_numbers = #tpu.dot_dimension_numbers<[1], [0], [0], [1], [0, 0, 1, 1], [], []>, transpose_lhs_hint = false} : vector<1000x16xf32>, vector<16x128xf32>, vector<1000x128xf32> -> vector<1000x128xf32>
    %add3A_43 = arith.addf %add3A_40, %dot_general3A_42 : vector<1000x128xf32>
    %max3A = arith.constant 0.000000e+00 : f32
    %max3A_44 = vector.broadcast %max3A : f32 to vector<1000x128xf32>
    %max3A_45 = arith.maximumf %add3A_43, %max3A_44 : vector<1000x128xf32>
    %get3A_46 = arith.constant 0 : index
    %get3A_47 = arith.constant 0 : index
    %get3A_48 = vector.load %arg8[%get3A_46, %get3A_47] : memref<128x128xf32, #tpu.memory_space<vmem>>, vector<128x128xf32>
    %dot_general3A_49 = arith.constant dense<0.000000e+00> : vector<1000x128xf32>
    %dot_general3A_50 = tpu.matmul %max3A_45, %get3A_48, %dot_general3A_49 {dimension_numbers = #tpu.dot_dimension_numbers<[1], [0], [0], [1], [0, 0, 1, 1], [], []>, transpose_lhs_hint = false} : vector<1000x128xf32>, vector<128x128xf32>, vector<1000x128xf32> -> vector<1000x128xf32>
    %get3A_51 = arith.constant 0 : index
    %get3A_52 = arith.constant 0 : index
    %get3A_53 = vector.load %arg9[%get3A_51, %get3A_52] : memref<1x128xf32, #tpu.memory_space<vmem>>, vector<1x128xf32>
    %add3A_54 = vector.broadcast %get3A_53 : vector<1x128xf32> to vector<1000x128xf32>
    %add3A_55 = arith.addf %dot_general3A_50, %add3A_54 : vector<1000x128xf32>
    %max3A_56 = arith.constant 0.000000e+00 : f32
    %max3A_57 = vector.broadcast %max3A_56 : f32 to vector<1000x128xf32>
    %max3A_58 = arith.maximumf %add3A_55, %max3A_57 : vector<1000x128xf32>
    %swap3A = arith.constant 0 : index
    %swap3A_59 = arith.constant 0 : index
    %swap3A_60 = vector.load %arg10[%swap3A, %swap3A_59] : memref<1000x128xf32, #tpu.memory_space<vmem>>, vector<1000x128xf32>
    tpu.vector_store %arg10[%swap3A, %swap3A_59], %max3A_58 {strides = array<i32>} : memref<1000x128xf32, #tpu.memory_space<vmem>>, vector<1000x128xf32>,
    return
  }
  func.func @transform_0(%arg0: i32) -> (i32, i32) {
    %c0_i32 = arith.constant 0 : i32
    %c0_i32_0 = arith.constant 0 : i32
    return %arg0, %c0_i32 : i32, i32
  }
  func.func @transform_1(%arg0: i32) -> (i32, i32, i32) {
    %c0_i32 = arith.constant 0 : i32
    %c0_i32_0 = arith.constant 0 : i32
    %c0_i32_1 = arith.constant 0 : i32
    return %c0_i32, %arg0, %c0_i32_0 : i32, i32, i32
  }
  func.func @transform_2(%arg0: i32) -> (i32, i32, i32) {
    %c0_i32 = arith.constant 0 : i32
    %c0_i32_0 = arith.constant 0 : i32
    %c0_i32_1 = arith.constant 0 : i32
    return %c0_i32, %arg0, %c0_i32_0 : i32, i32, i32
  }
  func.func @transform_3(%arg0: i32) -> (i32, i32) {
    %c0_i32 = arith.constant 0 : i32
    %c0_i32_0 = arith.constant 0 : i32
    %c0_i32_1 = arith.constant 0 : i32
    return %c0_i32, %c0_i32_0 : i32, i32
  }
  func.func @transform_4(%arg0: i32) -> (i32, i32) {
    %c0_i32 = arith.constant 0 : i32
    %c0_i32_0 = arith.constant 0 : i32
    %c0_i32_1 = arith.constant 0 : i32
    return %c0_i32, %c0_i32_0 : i32, i32
  }
  func.func @transform_5(%arg0: i32) -> (i32, i32) {
    %c0_i32 = arith.constant 0 : i32
    %c0_i32_0 = arith.constant 0 : i32
    %c0_i32_1 = arith.constant 0 : i32
    return %c0_i32, %c0_i32_0 : i32, i32
  }
  func.func @transform_6(%arg0: i32) -> (i32, i32) {
    %c0_i32 = arith.constant 0 : i32
    %c0_i32_0 = arith.constant 0 : i32
    %c0_i32_1 = arith.constant 0 : i32
    return %c0_i32, %c0_i32_0 : i32, i32
  }
  func.func @transform_7(%arg0: i32) -> (i32, i32) {
    %c0_i32 = arith.constant 0 : i32
    %c0_i32_0 = arith.constant 0 : i32
    %c0_i32_1 = arith.constant 0 : i32
    return %c0_i32, %c0_i32_0 : i32, i32
  }
  func.func @transform_8(%arg0: i32) -> (i32, i32) {
    %c0_i32 = arith.constant 0 : i32
    %c0_i32_0 = arith.constant 0 : i32
    %c0_i32_1 = arith.constant 0 : i32
    return %c0_i32, %c0_i32_0 : i32, i32
  }
  func.func @transform_9(%arg0: i32) -> (i32, i32) {
    %c0_i32 = arith.constant 0 : i32
    %c0_i32_0 = arith.constant 0 : i32
    return %arg0, %c0_i32 : i32, i32
  }
}

module attributes {stable_mosaic.version = 14 : i64} {
  func.func @_tc_fin_body(%arg0: i32, %arg1: memref<1000x128xf32, #tpu.memory_space<vmem>>, %arg2: memref<2x1000x128xf32, #tpu.memory_space<vmem>>, %arg3: memref<2x1000x128xf32, #tpu.memory_space<vmem>>, %arg4: memref<128x128xf32, #tpu.memory_space<vmem>>, %arg5: memref<128x128xf32, #tpu.memory_space<vmem>>, %arg6: memref<16x128xf32, #tpu.memory_space<vmem>>, %arg7: memref<1x128xf32, #tpu.memory_space<vmem>>, %arg8: memref<128x2xf32, #tpu.memory_space<vmem>>, %arg9: memref<128x2xf32, #tpu.memory_space<vmem>>, %arg10: memref<1x2xf32, #tpu.memory_space<vmem>>, %arg11: memref<1000x2xf32, #tpu.memory_space<vmem>>, %arg12: memref<1000x2xf32, #tpu.memory_space<vmem>>) attributes {dimension_semantics = [#tpu.dimension_semantics<arbitrary>], iteration_bounds = array<i64: 10>, scalar_prefetch = 0 : i64, scratch_operands = 0 : i64, tpu.core_type = #tpu.core_type<tc>, window_params = [{transform_indices = @transform_0, window_bounds = array<i64: 1000, 128>}, {transform_indices = @transform_1, window_bounds = array<i64: 2, 1000, 128>}, {transform_indices = @transform_2, window_bounds = array<i64: 2, 1000, 128>}, {pipeline_mode = #tpu.pipeline_mode<synchronous>, transform_indices = @transform_3, window_bounds = array<i64: 128, 128>}, {pipeline_mode = #tpu.pipeline_mode<synchronous>, transform_indices = @transform_4, window_bounds = array<i64: 128, 128>}, {pipeline_mode = #tpu.pipeline_mode<synchronous>, transform_indices = @transform_5, window_bounds = array<i64: 16, 128>}, {pipeline_mode = #tpu.pipeline_mode<synchronous>, transform_indices = @transform_6, window_bounds = array<i64: 1, 128>}, {pipeline_mode = #tpu.pipeline_mode<synchronous>, transform_indices = @transform_7, window_bounds = array<i64: 128, 2>}, {pipeline_mode = #tpu.pipeline_mode<synchronous>, transform_indices = @transform_8, window_bounds = array<i64: 128, 2>}, {pipeline_mode = #tpu.pipeline_mode<synchronous>, transform_indices = @transform_9, window_bounds = array<i64: 1, 2>}, {transform_indices = @transform_10, window_bounds = array<i64: 1000, 2>}, {transform_indices = @transform_11, window_bounds = array<i64: 1000, 2>}]} {
    %get3A = arith.constant 0 : index
    %get3A_0 = arith.constant 0 : index
    %get3A_1 = vector.load %arg1[%get3A, %get3A_0] : memref<1000x128xf32, #tpu.memory_space<vmem>>, vector<1000x128xf32>
    %get3A_2 = arith.constant 0 : index
    %get3A_3 = arith.constant 0 : index
    %get3A_4 = arith.constant 0 : index
    %get3A_5 = vector.load %arg2[%get3A_2, %get3A_3, %get3A_4] : memref<2x1000x128xf32, #tpu.memory_space<vmem>>, vector<2x1000x128xf32>
    %get3A_6 = arith.constant 0 : index
    %get3A_7 = arith.constant 0 : index
    %get3A_8 = arith.constant 0 : index
    %get3A_9 = vector.load %arg3[%get3A_6, %get3A_7, %get3A_8] : memref<2x1000x128xf32, #tpu.memory_space<vmem>>, vector<2x1000x128xf32>
    %get3A_10 = arith.constant 0 : index
    %get3A_11 = arith.constant 0 : index
    %get3A_12 = vector.load %arg4[%get3A_10, %get3A_11] : memref<128x128xf32, #tpu.memory_space<vmem>>, vector<128x128xf32>
    %get3A_13 = arith.constant 0 : index
    %get3A_14 = arith.constant 0 : index
    %get3A_15 = vector.load %arg5[%get3A_13, %get3A_14] : memref<128x128xf32, #tpu.memory_space<vmem>>, vector<128x128xf32>
    %get3A_16 = arith.constant 0 : index
    %get3A_17 = arith.constant 0 : index
    %get3A_18 = vector.load %arg6[%get3A_16, %get3A_17] : memref<16x128xf32, #tpu.memory_space<vmem>>, vector<16x128xf32>
    %get3A_19 = arith.constant 0 : index
    %get3A_20 = arith.constant 0 : index
    %get3A_21 = vector.load %arg7[%get3A_19, %get3A_20] : memref<1x128xf32, #tpu.memory_space<vmem>>, vector<1x128xf32>
    %slice3A = vector.extract_strided_slice %get3A_5 {offsets = [0, 0, 0], sizes = [1, 1000, 128], strides = [1, 1, 1]} : vector<2x1000x128xf32> to vector<1x1000x128xf32>
    %squeeze3A = vector.shape_cast %slice3A : vector<1x1000x128xf32> to vector<1000x128xf32>
    %slice3A_22 = vector.extract_strided_slice %get3A_5 {offsets = [1, 0, 0], sizes = [1, 1000, 128], strides = [1, 1, 1]} : vector<2x1000x128xf32> to vector<1x1000x128xf32>
    %squeeze3A_23 = vector.shape_cast %slice3A_22 : vector<1x1000x128xf32> to vector<1000x128xf32>
    %add3A = arith.addf %squeeze3A, %squeeze3A_23 : vector<1000x128xf32>
    %slice3A_24 = vector.extract_strided_slice %get3A_9 {offsets = [0, 0, 0], sizes = [1, 1000, 16], strides = [1, 1, 1]} : vector<2x1000x128xf32> to vector<1x1000x16xf32>
    %squeeze3A_25 = vector.shape_cast %slice3A_24 : vector<1x1000x16xf32> to vector<1000x16xf32>
    %slice3A_26 = vector.extract_strided_slice %get3A_9 {offsets = [1, 0, 0], sizes = [1, 1000, 16], strides = [1, 1, 1]} : vector<2x1000x128xf32> to vector<1x1000x16xf32>
    %squeeze3A_27 = vector.shape_cast %slice3A_26 : vector<1x1000x16xf32> to vector<1000x16xf32>
    %add3A_28 = arith.addf %squeeze3A_25, %squeeze3A_27 : vector<1000x16xf32>
    %slice3A_29 = vector.extract_strided_slice %get3A_9 {offsets = [0, 0, 16], sizes = [1, 1000, 1], strides = [1, 1, 1]} : vector<2x1000x128xf32> to vector<1x1000x1xf32>
    %squeeze3A_30 = vector.shape_cast %slice3A_29 : vector<1x1000x1xf32> to vector<1000x1xf32>
    %slice3A_31 = vector.extract_strided_slice %get3A_9 {offsets = [1, 0, 16], sizes = [1, 1000, 1], strides = [1, 1, 1]} : vector<2x1000x128xf32> to vector<1x1000x1xf32>
    %squeeze3A_32 = vector.shape_cast %slice3A_31 : vector<1x1000x1xf32> to vector<1000x1xf32>
    %add3A_33 = arith.addf %squeeze3A_30, %squeeze3A_32 : vector<1000x1xf32>
    %dot_general3A = arith.constant dense<0.000000e+00> : vector<1000x128xf32>
    %dot_general3A_34 = tpu.matmul %get3A_1, %get3A_12, %dot_general3A {dimension_numbers = #tpu.dot_dimension_numbers<[1], [0], [0], [1], [0, 0, 1, 1], [], []>, transpose_lhs_hint = false} : vector<1000x128xf32>, vector<128x128xf32>, vector<1000x128xf32> -> vector<1000x128xf32>
    %add3A_35 = vector.broadcast %get3A_21 : vector<1x128xf32> to vector<1000x128xf32>
    %add3A_36 = arith.addf %dot_general3A_34, %add3A_35 : vector<1000x128xf32>
    %mul3A = vector.broadcast %add3A_33 : vector<1000x1xf32> to vector<1000x128xf32>
    %mul3A_37 = arith.mulf %mul3A, %add3A_36 : vector<1000x128xf32>
    %dot_general3A_38 = arith.constant dense<0.000000e+00> : vector<1000x128xf32>
    %dot_general3A_39 = tpu.matmul %add3A, %get3A_15, %dot_general3A_38 {dimension_numbers = #tpu.dot_dimension_numbers<[1], [0], [0], [1], [0, 0, 1, 1], [], []>, transpose_lhs_hint = false} : vector<1000x128xf32>, vector<128x128xf32>, vector<1000x128xf32> -> vector<1000x128xf32>
    %add3A_40 = arith.addf %mul3A_37, %dot_general3A_39 : vector<1000x128xf32>
    %dot_general3A_41 = arith.constant dense<0.000000e+00> : vector<1000x128xf32>
    %dot_general3A_42 = tpu.matmul %add3A_28, %get3A_18, %dot_general3A_41 {dimension_numbers = #tpu.dot_dimension_numbers<[1], [0], [0], [1], [0, 0, 1, 1], [], []>, transpose_lhs_hint = false} : vector<1000x16xf32>, vector<16x128xf32>, vector<1000x128xf32> -> vector<1000x128xf32>
    %add3A_43 = arith.addf %add3A_40, %dot_general3A_42 : vector<1000x128xf32>
    %get3A_44 = arith.constant 0 : index
    %get3A_45 = arith.constant 0 : index
    %get3A_46 = vector.load %arg8[%get3A_44, %get3A_45] : memref<128x2xf32, #tpu.memory_space<vmem>>, vector<128x2xf32>
    %dot_general3A_47 = arith.constant dense<0.000000e+00> : vector<1000x2xf32>
    %dot_general3A_48 = tpu.matmul %add3A_43, %get3A_46, %dot_general3A_47 {dimension_numbers = #tpu.dot_dimension_numbers<[1], [0], [0], [1], [0, 0, 1, 1], [], []>, transpose_lhs_hint = false} : vector<1000x128xf32>, vector<128x2xf32>, vector<1000x2xf32> -> vector<1000x2xf32>
    %get3A_49 = arith.constant 0 : index
    %get3A_50 = arith.constant 0 : index
    %get3A_51 = vector.load %arg10[%get3A_49, %get3A_50] : memref<1x2xf32, #tpu.memory_space<vmem>>, vector<1x2xf32>
    %add3A_52 = vector.broadcast %get3A_51 : vector<1x2xf32> to vector<1000x2xf32>
    %add3A_53 = arith.addf %dot_general3A_48, %add3A_52 : vector<1000x2xf32>
    %swap3A = arith.constant 0 : index
    %swap3A_54 = arith.constant 0 : index
    %swap3A_55 = vector.load %arg11[%swap3A, %swap3A_54] : memref<1000x2xf32, #tpu.memory_space<vmem>>, vector<1000x2xf32>
    tpu.vector_store %arg11[%swap3A, %swap3A_54], %add3A_53 {strides = array<i32>} : memref<1000x2xf32, #tpu.memory_space<vmem>>, vector<1000x2xf32>,
    %get3A_56 = arith.constant 0 : index
    %get3A_57 = arith.constant 0 : index
    %get3A_58 = vector.load %arg9[%get3A_56, %get3A_57] : memref<128x2xf32, #tpu.memory_space<vmem>>, vector<128x2xf32>
    %dot_general3A_59 = arith.constant dense<0.000000e+00> : vector<1000x2xf32>
    %dot_general3A_60 = tpu.matmul %add3A_43, %get3A_58, %dot_general3A_59 {dimension_numbers = #tpu.dot_dimension_numbers<[1], [0], [0], [1], [0, 0, 1, 1], [], []>, transpose_lhs_hint = false} : vector<1000x128xf32>, vector<128x2xf32>, vector<1000x2xf32> -> vector<1000x2xf32>
    %swap3A_61 = arith.constant 0 : index
    %swap3A_62 = arith.constant 0 : index
    %swap3A_63 = vector.load %arg12[%swap3A_61, %swap3A_62] : memref<1000x2xf32, #tpu.memory_space<vmem>>, vector<1000x2xf32>
    tpu.vector_store %arg12[%swap3A_61, %swap3A_62], %dot_general3A_60 {strides = array<i32>} : memref<1000x2xf32, #tpu.memory_space<vmem>>, vector<1000x2xf32>,
    return
  }
  func.func @transform_0(%arg0: i32) -> (i32, i32) {
    %c0_i32 = arith.constant 0 : i32
    %c0_i32_0 = arith.constant 0 : i32
    return %arg0, %c0_i32 : i32, i32
  }
  func.func @transform_1(%arg0: i32) -> (i32, i32, i32) {
    %c0_i32 = arith.constant 0 : i32
    %c0_i32_0 = arith.constant 0 : i32
    %c0_i32_1 = arith.constant 0 : i32
    return %c0_i32, %arg0, %c0_i32_0 : i32, i32, i32
  }
  func.func @transform_2(%arg0: i32) -> (i32, i32, i32) {
    %c0_i32 = arith.constant 0 : i32
    %c0_i32_0 = arith.constant 0 : i32
    %c0_i32_1 = arith.constant 0 : i32
    return %c0_i32, %arg0, %c0_i32_0 : i32, i32, i32
  }
  func.func @transform_3(%arg0: i32) -> (i32, i32) {
    %c0_i32 = arith.constant 0 : i32
    %c0_i32_0 = arith.constant 0 : i32
    %c0_i32_1 = arith.constant 0 : i32
    return %c0_i32, %c0_i32_0 : i32, i32
  }
  func.func @transform_4(%arg0: i32) -> (i32, i32) {
    %c0_i32 = arith.constant 0 : i32
    %c0_i32_0 = arith.constant 0 : i32
    %c0_i32_1 = arith.constant 0 : i32
    return %c0_i32, %c0_i32_0 : i32, i32
  }
  func.func @transform_5(%arg0: i32) -> (i32, i32) {
    %c0_i32 = arith.constant 0 : i32
    %c0_i32_0 = arith.constant 0 : i32
    %c0_i32_1 = arith.constant 0 : i32
    return %c0_i32, %c0_i32_0 : i32, i32
  }
  func.func @transform_6(%arg0: i32) -> (i32, i32) {
    %c0_i32 = arith.constant 0 : i32
    %c0_i32_0 = arith.constant 0 : i32
    %c0_i32_1 = arith.constant 0 : i32
    return %c0_i32, %c0_i32_0 : i32, i32
  }
  func.func @transform_7(%arg0: i32) -> (i32, i32) {
    %c0_i32 = arith.constant 0 : i32
    %c0_i32_0 = arith.constant 0 : i32
    %c0_i32_1 = arith.constant 0 : i32
    return %c0_i32, %c0_i32_0 : i32, i32
  }
  func.func @transform_8(%arg0: i32) -> (i32, i32) {
    %c0_i32 = arith.constant 0 : i32
    %c0_i32_0 = arith.constant 0 : i32
    %c0_i32_1 = arith.constant 0 : i32
    return %c0_i32, %c0_i32_0 : i32, i32
  }
  func.func @transform_9(%arg0: i32) -> (i32, i32) {
    %c0_i32 = arith.constant 0 : i32
    %c0_i32_0 = arith.constant 0 : i32
    %c0_i32_1 = arith.constant 0 : i32
    return %c0_i32, %c0_i32_0 : i32, i32
  }
  func.func @transform_10(%arg0: i32) -> (i32, i32) {
    %c0_i32 = arith.constant 0 : i32
    %c0_i32_0 = arith.constant 0 : i32
    return %arg0, %c0_i32 : i32, i32
  }
  func.func @transform_11(%arg0: i32) -> (i32, i32) {
    %c0_i32 = arith.constant 0 : i32
    %c0_i32_0 = arith.constant 0 : i32
    return %arg0, %c0_i32 : i32, i32
  }
}

</mosaic_0001>

<sc_bundles>
// kernel: kernel.12.cloned.1.call-start
scs
__scs_entry_jumppad:
0x0: {  	(pc) =	sbr.rel $0x88, $3  }
0x1: {  	(tag) =	ssettag $0x0;
	lr =	simm.s32 $0x1  }
0x2: {  	[smem:$0x3F93] =	sst lr;
	_ =	strace $0xD0000000  }
0x3: {  	_ = 	snop  }
0x4: {  	_ = 	snop  }
0x5: {  	_ = 	snop  }
0x6: {  	_ = 	snop  }
0x7: {  	_ = 	snop  }
__scs_overlays_trampoline_lowered:
0x8: {  	[smem:$0x3FA2] =	sst s0  }
0x9: {  	[smem:$0x3FA3] =	sst s1  }
0xa: {  	[smem:$0x3FA4] =	sst s2  }
0xb: {  	[smem:$0x3FA5] =	sst s3  }
0xc: {  	[smem:$0x3FA6] =	sst s4  }
0xd: {  	[smem:$0x3FA7] =	sst s5  }
0xe: {  	[smem:$0x3FA8] =	sst s6  }
0xf: {  	[smem:$0x3FA9] =	sst s7  }
0x10: {  	[smem:$0x3FAA] =	sst s8  }
0x11: {  	[smem:$0x3FAB] =	sst s9;
	s0 =	simm.s32 @!p0 $0x0  }
0x12: {  	s1 =	sld [smem:$0x3F91];
	s0 =	simm.s32 @p0 $0x1  }
0x13: {  	[smem:$0x3FAC] =	sst s0;
	s0 =	simm.s32 @!p1 $0x0  }
0x14: {  	s2 =	sld [smem:$0x3F90];
	s0 =	simm.s32 @p1 $0x1  }
0x15: {  	[smem:$0x3FAD] =	sst s0;
	s0 =	simm.s32 @!p2 $0x0  }
0x16: {  	s3 =	sld [smem:$0x3FDB];
	s0 =	simm.s32 @p2 $0x1  }
0x17: {  	s4 =	simm.s32 $0x1BF5;
	[smem:$0x3FAF] =	sst s0  }
0x18: {  	s0 =	sld [smem:$0x3F92];
	_ =	swait.ge [sflag:s4], $0x0  }
0x19: {  	s7 =	sld [smem:$0x3F93]  }
0x1a: {  	s8 =	sadd.s32 $0xFFFFE003, lr  }
0x1b: {  	s9 =	sadd.s32 $0xFFFFFEF7, lr;
	s5 =	simm.s32 $0xFFFFFFFF;
	p2 =	slt.u32 s8, $0xFFFFF086  }
0x1c: {  	p1 =	slt.u32 s9, $0xF7A;
	s5 =	simm.s32 @!p2 $0x0  }
0x1d: {  	s5 =	simm.s32 @p1 $0x1;
	p0 =	seq.s32 s7, s2  }
0x1e: {  	s7 =	smul.u32 @!p0 $0xF7A, s2;
	p2 =	seq.s32 @!p0 s5, $0x0  }
0x1f: {  	s9 =	smul.u32 $0xF7A, s1;
	s8 =	simm.s32 @!p0 $0x1BF5;
	p2 =	por !p2, p0  }
0x20: {  	[sflag:s8] =	ssyncset.s32 @!p0 $0xFFFFF086;
	s6 =	sadd.s32 @!p0 s3, s7;
	s7 =	simm.s32 @!p0 $0x108  }
0x21: {  	s3 =	sadd.s32 s3, s9;
	s6 =	sadd.s32 @!p0 $0x88, s6;
	s7 =	simm.s32 @p2 $0x1082  }
0x22: {  	[simem:s7], [sflag:s8] =	dma.local @!p0 [hbm:s6], $0xF7A  }
0x23: {  	s9 =	sor.u32 $0xD0000000, s2;
	s6 =	simm.s32 $0x108;
	_ =	swait.ge @!p0 [sflag:s8], $0x0  }
0x24: {  	s3 =	sadd.s32 $0x88, s3;
	s6 =	simm.s32 @!p1 $0x1082;
	[sflag:s4] =	ssyncset.s32 $0xFFFFF086  }
0x25: {  	[simem:s6], [sflag:s4] =	dma.local [hbm:s3], $0xF7A  }
0x26: {  	[smem:$0x3F93] =	sst s1;
	(tag) =	ssettag s2;
	_ =	strace s9  }
0x27: {  	s1 =	sld [smem:$0x3FA3]  }
0x28: {  	s2 =	sld [smem:$0x3FA4]  }
0x29: {  	s4 =	sld [smem:$0x3FA6]  }
0x2a: {  	p0 =	seq.s32 s5, $0x0;
	s5 =	sld [smem:$0x3FA7]  }
0x2b: {  	s6 =	sld [smem:$0x3FA8]  }
0x2c: {  	s7 =	sld [smem:$0x3FA9]  }
0x2d: {  	s3 =	simm.s32 $0x108;
	s8 =	sld [smem:$0x3FAA]  }
0x2e: {  	s3 =	simm.s32 @!p0 $0x1082;
	s9 =	sld [smem:$0x3FAB]  }
0x2f: {  	lr =	sadd.s32 s0, s3;
	s0 =	sld [smem:$0x3FA2]  }
0x30: {  	s3 =	sld [smem:$0x3FA5]  }
0x31: {  	[smem:$0x3FAE] =	sst s10  }
0x32: {  	s10 =	sld [smem:$0x3FAC];
	_ =	sdelay $0x3  }
0x33: {  	p0 =	seq.s32 s10, $0x1;
	s10 =	sld [smem:$0x3FAE];
	_ =	sdelay $0x3  }
0x34: {  	[smem:$0x3FAE] =	sst s10  }
0x35: {  	s10 =	sld [smem:$0x3FAD];
	_ =	sdelay $0x3  }
0x36: {  	p1 =	seq.s32 s10, $0x1;
	s10 =	sld [smem:$0x3FAE];
	_ =	sdelay $0x3  }
0x37: {  	[smem:$0x3FAE] =	sst s10  }
0x38: {  	s10 =	sld [smem:$0x3FAF]  }
0x39: {  	_ = 	snop;
	(pc) =	sbr.ind lr, $3  }
0x3a: {  	_ = 	snop  }
0x3b: {  	_ = 	snop  }
0x3c: {  	p2 =	seq.s32 s10, $0x1;
	s10 =	sld [smem:$0x3FAE]  }
0x3d: {  	_ =	shalt  }
0x3e: {  	_ =	shalt  }
0x3f: {  	_ =	shalt  }
0x40: {  	_ =	shalt  }
0x41: {  	_ =	shalt  }
0x42: {  	_ =	shalt  }
0x43: {  	_ =	shalt  }
0x44: {  	_ =	shalt  }
0x45: {  	_ =	shalt  }
0x46: {  	_ =	shalt  }
0x47: {  	_ =	shalt  }
0x48: {  	_ =	shalt  }
0x49: {  	_ =	shalt  }
0x4a: {  	_ =	shalt  }
0x4b: {  	_ =	shalt  }
0x4c: {  	_ =	shalt  }
0x4d: {  	_ =	shalt  }
0x4e: {  	_ =	shalt  }
0x4f: {  	_ =	shalt  }
0x50: {  	_ =	shalt  }
0x51: {  	_ =	shalt  }
0x52: {  	_ =	shalt  }
0x53: {  	_ =	shalt  }
0x54: {  	_ =	shalt  }
0x55: {  	_ =	shalt  }
0x56: {  	_ =	shalt  }
0x57: {  	_ =	shalt  }
0x58: {  	_ =	shalt  }
0x59: {  	_ =	shalt  }
0x5a: {  	_ =	shalt  }
0x5b: {  	_ =	shalt  }
0x5c: {  	_ =	shalt  }
0x5d: {  	_ =	shalt  }
0x5e: {  	_ =	shalt  }
0x5f: {  	_ =	shalt  }
0x60: {  	_ =	shalt  }
0x61: {  	_ =	shalt  }
0x62: {  	_ =	shalt  }
0x63: {  	_ =	shalt  }
0x64: {  	_ =	shalt  }
0x65: {  	_ =	shalt  }
0x66: {  	_ =	shalt  }
0x67: {  	_ =	shalt  }
0x68: {  	_ =	shalt  }
0x69: {  	_ =	shalt  }
0x6a: {  	_ =	shalt  }
0x6b: {  	_ =	shalt  }
0x6c: {  	_ =	shalt  }
0x6d: {  	_ =	shalt  }
0x6e: {  	_ =	shalt  }
0x6f: {  	_ =	shalt  }
0x70: {  	_ =	shalt  }
0x71: {  	_ =	shalt  }
0x72: {  	_ =	shalt  }
0x73: {  	_ =	shalt  }
0x74: {  	_ =	shalt  }
0x75: {  	_ =	shalt  }
0x76: {  	_ =	shalt  }
0x77: {  	_ =	shalt  }
0x78: {  	_ =	shalt  }
0x79: {  	_ =	shalt  }
0x7a: {  	_ =	shalt  }
0x7b: {  	_ =	shalt  }
0x7c: {  	_ =	shalt  }
0x7d: {  	_ =	shalt  }
0x7e: {  	_ =	shalt  }
0x7f: {  	_ =	shalt  }
0x80: {  	_ =	shalt  }
0x81: {  	_ =	shalt  }
0x82: {  	_ =	shalt  }
0x83: {  	_ =	shalt  }
0x84: {  	_ =	shalt  }
0x85: {  	_ =	shalt  }
0x86: {  	_ =	shalt  }
0x87: {  	_ =	shalt  }
.Lfunc_end0:
.L_simem_size_0:
called_computation.1_lowered:
.L_overlay_start_0:
0x88: {  	s2 =	sld [smem:$0x3FD9]  }
0x89: {  	s3 =	sld [smem:$0x3FFE];
	_ =	sdelay $0x1  }
0x8a: {  	s1 =	srdreg.scid  }
0x8b: {  	s0 =	sand.u32 $0x1, s1  }
0x8c: {  	s16 =	sshll.u32 s0, $0xA;
	s2 =	sadd.s32 s3, s2  }
0x8d: {  	s2 =	sadd.s32 s2, s16  }
0x8e: {  	[smem:$0x3FBA] =	sst s2  }
0x8f: {  	_ = 	snop  }
0x90: {  	(tm) =	ssettm $0x1  }
0x91: {  	s17 =	sld [smem:$0x3FFB];
	_ =	sdelay $0x3  }
0x92: {  	_ =	strace s17  }
0x93: {  	s2 =	sld [smem:$0x3FFC];
	_ =	sdelay $0x3  }
0x94: {  	_ =	strace s2  }
0x95: {  	s2 =	sld [smem:$0x3FFD];
	_ =	sdelay $0x3  }
0x96: {  	_ =	strace s2  }
0x97: {  	_ =	strace $0x8FFFFFFF  }
0x98: {  	s18 =	sld [smem:$0x3FDB];
	_ =	sdelay $0x1  }
0x99: {  	s19 =	simm.s32 $_scs_section_size  }
0x9a: {  	s4 =	simm.s32 $_size__tile_overlayer_lowered;
	s5 =	simm.s32 $_tile_overlayer_lowered  }
0x9b: {  	s22 =	simm.s32 $0x1BFF;
	s21 =	sshll.u32 s5, $0x1;
	s2 =	sadd.s32 s19, s18  }
0x9c: {  	s6 =	simm.s32 $0x0;
	s20 =	sshll.u32 s4, $0x1;
	s4 =	sadd.s32 s21, s2  }
0x9d: {  	[timem:s6], [sflag:s22] =	dma.local [hbm:s4], s20  }
0x9e: {  	_ =	swait.ge [sflag:s22], s20  }
0x9f: {  	s3 =	ssub.s32 $0x0, s20;
	[sflag:s22] =	ssyncset.done $0x0  }
0xa0: {  	[sflag:s22] =	ssyncadd.s32 s3;
	_ =	sdelay $0x1  }
0xa1: {  	s23 =	simm.s32 $0x1B8B  }
0xa2: {  	_ =	swait.ge [sflag:s23], $0x1  }
0xa3: {  	[sflag:s23] =	ssyncset.done $0x0  }
0xa4: {  	s25 =	simm.s32 $0x1B8E;
	s24 =	sld [smem:$0x3FFE];
	[sflag:s23] =	ssyncadd.s32 $0xFFFFFFFF  }
0xa5: {  	s26 =	simm.s32 $execute0_lowered;
	[smem:$0x3FD2] =	sst s25  }
0xa6: {  	s4 =	sshll.u32 s26, $0x1;
	_ =	strace $0x80000046;
	[dreg:$0x1] =	wrdreg $0xFFFFFFFF  }
0xa7: {  	s28 =	simm.s32 $_size_execute0_lowered;
	s2 =	sadd.s32 s2, s4;
	[dreg:$0x0] =	wrdreg $0x0  }
0xa8: {  	s4 =	sshll.u32 s28, $0x1;
	[dreg:$0x2] =	wrdreg s2  }
0xa9: {  	[dreg:$0x3] =	wrdreg s4  }
0xaa: {  	[dreg:$0x4] =	wrdreg $0xC0  }
0xab: {  	_ =	task [dreg:s6], $0x5FFFF  }
0xac: {  	[dreg:$0x1] =	wrdreg $0xFFFFFFFF  }
0xad: {  	[dreg:$0x0] =	wrdreg $0x60  }
0xae: {  	[dreg:$0x2] =	wrdreg s24  }
0xaf: {  	[dreg:$0x3] =	wrdreg $0x82000  }
0xb0: {  	[dreg:$0x4] =	wrdreg $0xA  }
0xb1: {  	_ =	task.clear_ibuf [dreg:s6], $0x5FFFF;
	_ =	strace $0x90000046  }
0xb2: {  	s29 =	simm.s32 $0xA;
	_ =	strace $0x80000048  }
0xb3: {  	_ =	swait.ge [sflag:s29], $0x1  }
0xb4: {  	[sflag:s29] =	ssyncadd.s32 $0xFFFFFFFF  }
0xb5: {  	_ =	strace $0x90000048  }
0xb6: {  	_ =	sfence  }
0xb7: {  	s30 =	sld [smem:$0x0];
	_ =	sdelay $0x2  }
0xb8: {  	s31 =	sshll.u32 s1, $0xD;
	s1 =	sshrl.u32 s1, $0x2  }
0xb9: {  	s3 =	sand.u32 $0x4000, s31;
	s1 =	sadd.s32 s1, s30  }
0xba: {  	s0 =	sor.u32 s3, s0;
	s1 =	sshll.u32 s1, $0x11  }
0xbb: {  	s0 =	sor.u32 s1, s0  }
0xbc: {  	s0 =	sadd.s32 $0x8F2B, s0  }
0xbd: {  	[sflag:s0] =	ssyncadd.remote.s32 $0x1  }
0xbe: {  	_ =	sfence.sel $0xFFFF  }
0xbf: {  	[dreg:$0x0] =	wrdreg $0xFFFFFFFF;
	(pc) =	sbr.abs _section_cstart, $3  }
0xc0: {  	[dreg:$0x1] =	wrdreg $0xFFFFFFFF  }
0xc1: {  	_ =	task.clear_ibuf [dreg:s6], $0x2FFFF;
	_ =	strace $0x9FFFFFFF  }
0xc2: {  	(tm) =	ssettm $0x7FFFFFFF  }
0xc3: {  	_ =	shalt  }
tec
execute0_lowered:
.L_overlay_start_1:
0x0: {  	(tag) =	ssettag $0x1  }
0x1: {  	s6 =	rddreg [dreg:$0x0]  }
0x2: {  	s2 =	rddreg [dreg:$0x1]  }
0x3: {  	s0 =	rddreg [dreg:$0x2];
	s1 =	stileid.u32  }
0x4: {  	s4 =	srdreg.scid;
	s3 =	simm.s32 $0x0;
	s17 =	simm.s32 $0x200  }
0x5: {  	s18 =	simm.s32 $0x1;
	s19 =	simm.s32 $0x100;
	s7 =	smul.u32 $0x13C00, s1  }
0x6: {  	s20 =	simm.s32 $0x4200;
	s8 =	sand.u32 $0x1, s4;
	s12 =	smul.u32 $0x4F000, s1  }
0x7: {  	[smem:$0x7FF] =	sst s3;
	s4 =	sadd.s32 $0xFC00, s6;
	s16 =	smul.u32 $0x9D00, s1  }
0x8: {  	s5 =	sadd.s32 $0x37000, s6;
	s26 =	sshll.u32 s1, $0x6;
	s9 =	smul.u32 $0x13C000, s8  }
0x9: {  	_ =	strace $0x80000047;
	s22 =	sshll.u32 s8, $0x4;
	s11 =	ssub.s32 $0x2, s8  }
0xa: {  	s25 =	smul.u32 $0x9D000, s8;
	p0 =	seq.s32 s8, $0x1;
	s10 =	sshrl.u32 s7, $0x3  }
0xb: {  	s23 =	sshrl.u32 s11, $0x1;
	s24 =	sshrl.u32 s12, $0x2;
	s7 =	sadd.s32 s7, s9  }
0xc: {  	s21 =	sadd.s32 s10, s6;
	s10 =	sor.u32 s1, s22;
	s11 =	ssub.s32 s11, s23  }
0xd: {  	s15 =	sadd.s32 s24, s2;
	s12 =	sadd.s32 s16, s25;
	s16 =	simm.s32 $0x80  }
0xe: {  	s22 =	simm.s32 $0x180;
	s23 =	simm.s32 $0x0;
	s14 =	smul.u32 $0x9D00, s10  }
0xf: {  	s7 =	sshrl.u32 s7, $0x3;
	s28 =	smul.u32 $0x13A0, s10;
	s30 =	sadd.s32 $0x100, s12  }
.Ltmp0:
0x10: {  	s11 =	smax.u32 s11, $0x1;
	s12 =	sadd.s32 $0x200, s12;
	(pc) =	sbr.rel .LBB2_1-.Ltmp0, $4  }
0x11: {  	s13 =	sadd.s32 s7, s6;
	s6 =	sadd.s32 $0x5E200, s21;
	s7 =	sor.u32 $0x1C03, s26  }
0x12: {  	s31 =	sshrl.u32 s30, $0x3;
	s21 =	simm.s32 $0x2;
	s29 =	sshrl.u32 s14, $0x3  }
0x13: {  	s9 =	sadd.s32 s4, s28;
	s10 =	sadd.s32 $0x85A00, s13;
	s13 =	sadd.s32 s31, s4  }
0x14: {  	s14 =	sshrl.u32 s15, $0x3;
	s15 =	simm.s32 $0x3;
	s8 =	sadd.s32 s4, s29  }
.LBB2_5:
0x15: {  	[tilespmem:s3], [sflag:$0x3] =	stream.linear.gather [hbm4b:s9+s3], $0x100, $0x38;
	[tilespmem:$0x1BE00] =	vst v63  }
0x16: {  	_ =	swait.ge [sflag:s15], $0x100  }
0x17: {  	[sflag:s15] =	ssyncset.done $0x0  }
0x18: {  	[sflag:s15] =	ssyncadd.s32 $0xFFFFFF00  }
0x19: {  	[tilespmem:s17], [sflag:$0x1] =	stream.indirect.gather [hbm4b:s5+s16], $0x80, s3, s16, $0xb8;
	[tilespmem:$0x1BE00] =	vst v63  }
.LBB2_6:
0x1a: {  	_ =	swait.ge [sflag:s18], $0x4000  }
0x1b: {  	[sflag:s18] =	ssyncset.done $0x0  }
0x1c: {  	[sflag:s18] =	ssyncadd.s32 $0xFFFFC000  }
0x1d: {  	[spmem:s2] =	stream.indirect.scatter.add.f32 [tilespmem:s17], [sflag:$0x3], $0x80, s16, s16, $0xb8;
	[tilespmem:$0x1BE00] =	vst v63  }
0x1e: {  	_ =	swait.ge [sflag:s15], $0x4000  }
0x1f: {  	s23 =	sadd.s32 $0x1, s23;
	[sflag:s15] =	ssyncset.done $0x0  }
0x20: {  	p1 =	sne.s32 s23, s11;
	[sflag:s15] =	ssyncadd.s32 $0xFFFFC000  }
.Ltmp1:
0x21: {  	[bflag:$0x0] =	sbarrier.arrive $0xFFFF;
	(pc) =	sbr.rel @!p1 .LBB2_7-.Ltmp1, $4  }
0x22: {  	[hbm:s10], [sflag:s7] =	dma.local [spmem:s14], $0x2780  }
0x23: {  	_ =	swait.ge [sflag:s15], $0x2780  }
0x24: {  	[sflag:s15] =	ssyncset.done $0x0  }
0x25: {  	[sflag:s15] =	ssyncadd.s32 $0xFFFFD880  }
.LBB2_1:
0x26: {  	[spmem:s14], [sflag:s7] =	dma.local [hbm:s6], $0x2780  }
.Ltmp2:
0x27: {  	_ =	swait.ge [sflag:s15], $0x2780;
	(pc) =	sbr.rel @p0 .LBB2_5-.Ltmp2, $3  }
0x28: {  	[sflag:s15] =	ssyncset.done $0x0  }
0x29: {  	[sflag:s15] =	ssyncadd.s32 $0xFFFFD880  }
0x2a: {  	[bflag:$0x0] =	sbarrier.arrive $0xFFFF;
	_ =	sdelay $0x1  }
0x2b: {  	s24 =	simm.s32 $0x0  }
0x2c: {  	[tilespmem:s24], [sflag:$0x3] =	stream.linear.gather [hbm4b:s8+s24], $0x100, $0x38;
	[tilespmem:$0x1BE00] =	vst v63  }
0x2d: {  	_ =	swait.ge [sflag:s15], $0x100  }
0x2e: {  	[sflag:s15] =	ssyncset.done $0x0  }
0x2f: {  	[sflag:s15] =	ssyncadd.s32 $0xFFFFFF00  }
0x30: {  	[tilespmem:s17], [sflag:$0x1] =	stream.indirect.gather [hbm4b:s5+s16], $0x80, s24, s16, $0xb8;
	[tilespmem:$0x1BE00] =	vst v63  }
0x31: {  	s30 =	sadd.s32 $0x0, s13  }
0x32: {  	[tilespmem:s19], [sflag:$0x3] =	stream.linear.gather [hbm4b:s30+s3], $0x100, $0x38;
	[tilespmem:$0x1BE00] =	vst v63  }
0x33: {  	_ =	swait.ge [sflag:s15], $0x100  }
0x34: {  	[sflag:s15] =	ssyncset.done $0x0  }
0x35: {  	[sflag:s15] =	ssyncadd.s32 $0xFFFFFF00  }
0x36: {  	[tilespmem:s20], [sflag:$0x2] =	stream.indirect.gather [hbm4b:s5+s16], $0x80, s19, s16, $0xb8;
	[tilespmem:$0x1BE00] =	vst v63  }
0x37: {  	_ =	swait.ge [sflag:s18], $0x4000  }
0x38: {  	[sflag:s18] =	ssyncset.done $0x0  }
0x39: {  	[sflag:s18] =	ssyncadd.s32 $0xFFFFC000  }
0x3a: {  	[spmem:s2] =	stream.indirect.scatter.add.f32 [tilespmem:s17], [sflag:$0x3], $0x80, s16, s16, $0xb8;
	[tilespmem:$0x1BE00] =	vst v63  }
0x3b: {  	_ =	swait.ge [sflag:s15], $0x4000  }
0x3c: {  	s31 =	sshrl.u32 s12, $0x3;
	[sflag:s15] =	ssyncset.done $0x0  }
0x3d: {  	s24 =	sadd.s32 s4, s31;
	[sflag:s15] =	ssyncadd.s32 $0xFFFFC000  }
0x3e: {  	[tilespmem:s3], [sflag:$0x3] =	stream.linear.gather [hbm4b:s24+s3], $0x100, $0x38;
	[tilespmem:$0x1BE00] =	vst v63  }
0x3f: {  	_ =	swait.ge [sflag:s15], $0x100  }
0x40: {  	[sflag:s15] =	ssyncset.done $0x0  }
0x41: {  	[sflag:s15] =	ssyncadd.s32 $0xFFFFFF00  }
0x42: {  	[tilespmem:s17], [sflag:$0x1] =	stream.indirect.gather [hbm4b:s5+s16], $0x80, s3, s16, $0xb8;
	[tilespmem:$0x1BE00] =	vst v63  }
0x43: {  	_ =	swait.ge [sflag:s21], $0x4000  }
0x44: {  	[sflag:s21] =	ssyncset.done $0x0  }
0x45: {  	[sflag:s21] =	ssyncadd.s32 $0xFFFFC000  }
0x46: {  	[spmem:s2] =	stream.indirect.scatter.add.f32 [tilespmem:s20], [sflag:$0x3], $0x80, s22, s16, $0xb8;
	[tilespmem:$0x1BE00] =	vst v63  }
0x47: {  	s25 =	simm.s32 $0x40;
	_ =	swait.ge [sflag:s15], $0x4000  }
0x48: {  	s26 =	simm.s32 $0x80;
	s24 =	sadd.s32 $0x200, s12;
	[sflag:s15] =	ssyncset.done $0x0  }
.LBB2_3:
0x49: {  	s28 =	sadd.s32 s25, s13  }
0x4a: {  	[sflag:s15] =	ssyncadd.s32 $0xFFFFC000;
	s25 =	smov.u32 s26;
	s29 =	sadd.s32 $0x40, s26  }
0x4b: {  	[tilespmem:s19], [sflag:$0x3] =	stream.linear.gather [hbm4b:s28+s3], $0x100, $0x38;
	[tilespmem:$0x1BE00] =	vst v63  }
0x4c: {  	p1 =	seq.s32 s26, $0x1340;
	_ =	swait.ge [sflag:s15], $0x100  }
0x4d: {  	[sflag:s15] =	ssyncset.done $0x0  }
0x4e: {  	[sflag:s15] =	ssyncadd.s32 $0xFFFFFF00  }
0x4f: {  	[tilespmem:s20], [sflag:$0x2] =	stream.indirect.gather [hbm4b:s5+s16], $0x80, s19, s16, $0xb8;
	[tilespmem:$0x1BE00] =	vst v63  }
0x50: {  	_ =	swait.ge [sflag:s18], $0x4000  }
0x51: {  	[sflag:s18] =	ssyncset.done $0x0  }
0x52: {  	[sflag:s18] =	ssyncadd.s32 $0xFFFFC000  }
0x53: {  	[spmem:s2] =	stream.indirect.scatter.add.f32 [tilespmem:s17], [sflag:$0x3], $0x80, s16, s16, $0xb8;
	[tilespmem:$0x1BE00] =	vst v63  }
0x54: {  	_ =	swait.ge [sflag:s15], $0x4000  }
0x55: {  	s26 =	sshrl.u32 s24, $0x3;
	[sflag:s15] =	ssyncset.done $0x0  }
0x56: {  	s26 =	sadd.s32 s4, s26;
	[sflag:s15] =	ssyncadd.s32 $0xFFFFC000  }
0x57: {  	[tilespmem:s3], [sflag:$0x3] =	stream.linear.gather [hbm4b:s26+s3], $0x100, $0x38;
	[tilespmem:$0x1BE00] =	vst v63  }
0x58: {  	_ =	swait.ge [sflag:s15], $0x100  }
0x59: {  	[sflag:s15] =	ssyncset.done $0x0  }
0x5a: {  	[sflag:s15] =	ssyncadd.s32 $0xFFFFFF00  }
0x5b: {  	[tilespmem:s17], [sflag:$0x1] =	stream.indirect.gather [hbm4b:s5+s16], $0x80, s3, s16, $0xb8;
	[tilespmem:$0x1BE00] =	vst v63  }
0x5c: {  	_ =	swait.ge [sflag:s21], $0x4000  }
.Ltmp3:
0x5d: {  	[sflag:s21] =	ssyncset.done $0x0;
	(pc) =	sbr.rel @!p1 .LBB2_3-.Ltmp3, $4  }
0x5e: {  	[sflag:s21] =	ssyncadd.s32 $0xFFFFC000  }
0x5f: {  	[spmem:s2] =	stream.indirect.scatter.add.f32 [tilespmem:s20], [sflag:$0x3], $0x80, s22, s16, $0xb8;
	[tilespmem:$0x1BE00] =	vst v63  }
0x60: {  	_ =	swait.ge [sflag:s15], $0x4000  }
0x61: {  	s24 =	sadd.s32 $0x200, s24;
	s26 =	smov.u32 s29;
	[sflag:s15] =	ssyncset.done $0x0  }
0x62: {  	s25 =	sadd.s32 s25, s13;
	[sflag:s15] =	ssyncadd.s32 $0xFFFFC000  }
0x63: {  	[tilespmem:s19], [sflag:$0x3] =	stream.linear.gather [hbm4b:s25+s3], $0x100, $0x38;
	[tilespmem:$0x1BE00] =	vst v63  }
0x64: {  	_ =	swait.ge [sflag:s15], $0x100  }
0x65: {  	[sflag:s15] =	ssyncset.done $0x0  }
0x66: {  	[sflag:s15] =	ssyncadd.s32 $0xFFFFFF00  }
0x67: {  	[tilespmem:s20], [sflag:$0x2] =	stream.indirect.gather [hbm4b:s5+s16], $0x80, s19, s16, $0xb8;
	[tilespmem:$0x1BE00] =	vst v63  }
0x68: {  	_ =	swait.ge [sflag:s18], $0x4000  }
0x69: {  	[sflag:s18] =	ssyncset.done $0x0  }
0x6a: {  	[sflag:s18] =	ssyncadd.s32 $0xFFFFC000  }
0x6b: {  	[spmem:s2] =	stream.indirect.scatter.add.f32 [tilespmem:s17], [sflag:$0x3], $0x80, s16, s16, $0xb8;
	[tilespmem:$0x1BE00] =	vst v63  }
0x6c: {  	_ =	swait.ge [sflag:s15], $0x4000  }
0x6d: {  	s24 =	sshrl.u32 s24, $0x3;
	[sflag:s15] =	ssyncset.done $0x0  }
0x6e: {  	s24 =	sadd.s32 s4, s24;
	[sflag:s15] =	ssyncadd.s32 $0xFFFFC000  }
0x6f: {  	[tilespmem:s3], [sflag:$0x3] =	stream.linear.gather [hbm4b:s24+s3], $0x100, $0x38;
	[tilespmem:$0x1BE00] =	vst v63  }
0x70: {  	_ =	swait.ge [sflag:s15], $0x100  }
0x71: {  	[sflag:s15] =	ssyncset.done $0x0  }
0x72: {  	[sflag:s15] =	ssyncadd.s32 $0xFFFFFF00  }
0x73: {  	[tilespmem:s17], [sflag:$0x1] =	stream.indirect.gather [hbm4b:s5+s16], $0x80, s3, s16, $0xb8;
	[tilespmem:$0x1BE00] =	vst v63  }
0x74: {  	_ =	swait.ge [sflag:s21], $0x4000  }
0x75: {  	[sflag:s21] =	ssyncset.done $0x0  }
.Ltmp4:
0x76: {  	[sflag:s21] =	ssyncadd.s32 $0xFFFFC000;
	(pc) =	sbr.rel .LBB2_6-.Ltmp4, $4  }
0x77: {  	[spmem:s2] =	stream.indirect.scatter.add.f32 [tilespmem:s20], [sflag:$0x3], $0x80, s22, s16, $0xb8;
	[tilespmem:$0x1BE00] =	vst v63  }
0x78: {  	_ =	swait.ge [sflag:s15], $0x4000  }
0x79: {  	[sflag:s15] =	ssyncset.done $0x0  }
0x7a: {  	[sflag:s15] =	ssyncadd.s32 $0xFFFFC000  }
.LBB2_7:
0x7b: {  	_ =	sfence.sel $0x180000  }
0x7c: {  	[bflag:$0x0] =	sbarrier.arrive $0xFFFF  }
0x7d: {  	p0 =	sne.s32 s1, $0x0;
	_ =	strace $0x90000047  }
0x7e: {  	s0 =	sadd.s32 @!p0 $0x100000, s0;
	[bflag:$0x2] =	sbarrier.arrive $0xFFFF  }
0x7f: {  	[sflag:s0] =	ssyncadd.tile.s32 @!p0 $0x1;
	_ =	shalt  }
.Lfunc_end2:
_tile_overlayer_lowered:
.L_overlay_start_2:
0x80: {  	(tag) =	ssettag $0x2  }
0x81: {  	s0 =	rddreg [dreg:$0x0];
	s2 =	stileid.u32  }
0x82: {  	s1 =	rddreg [dreg:$0x1];
	p0 =	sne.s32 s2, $0x0  }
0x83: {  	s3 =	rddreg [dreg:$0x2];
	[bflag:$0x3] =	sbarrier.arrive $0xFFFF;
	s2 =	simm.s32 @!p0 $0x1C03  }
0x84: {  	[timem:s3], [sflag:s2] =	dma.local @!p0 [hbm:s0], s1  }
0x85: {  	s0 =	simm.s32 @!p0 $0x3  }
0x86: {  	_ =	swait.ge @!p0 [sflag:s0], s1  }
0x87: {  	s1 =	ssub.s32 @!p0 $0x0, s1;
	[sflag:s0] =	ssyncset.done @!p0 $0x0  }
0x88: {  	[sflag:s0] =	ssyncadd.s32 @!p0 s1  }
0x89: {  	[bflag:$0x3] =	sbarrier.arrive $0xFFFF  }
0x8a: {  	_ =	shalt  }

// kernel: kernel.15.cloned.1.call-start
scs
__scs_entry_jumppad:
0x0: {  	(pc) =	sbr.rel $0x88, $3  }
0x1: {  	(tag) =	ssettag $0x0;
	lr =	simm.s32 $0x1  }
0x2: {  	[smem:$0x3F93] =	sst lr;
	_ =	strace $0xD0000000  }
0x3: {  	_ = 	snop  }
0x4: {  	_ = 	snop  }
0x5: {  	_ = 	snop  }
0x6: {  	_ = 	snop  }
0x7: {  	_ = 	snop  }
__scs_overlays_trampoline_lowered:
0x8: {  	[smem:$0x3FA2] =	sst s0  }
0x9: {  	[smem:$0x3FA3] =	sst s1  }
0xa: {  	[smem:$0x3FA4] =	sst s2  }
0xb: {  	[smem:$0x3FA5] =	sst s3  }
0xc: {  	[smem:$0x3FA6] =	sst s4  }
0xd: {  	[smem:$0x3FA7] =	sst s5  }
0xe: {  	[smem:$0x3FA8] =	sst s6  }
0xf: {  	[smem:$0x3FA9] =	sst s7  }
0x10: {  	[smem:$0x3FAA] =	sst s8  }
0x11: {  	[smem:$0x3FAB] =	sst s9;
	s0 =	simm.s32 @!p0 $0x0  }
0x12: {  	s1 =	sld [smem:$0x3F91];
	s0 =	simm.s32 @p0 $0x1  }
0x13: {  	[smem:$0x3FAC] =	sst s0;
	s0 =	simm.s32 @!p1 $0x0  }
0x14: {  	s2 =	sld [smem:$0x3F90];
	s0 =	simm.s32 @p1 $0x1  }
0x15: {  	[smem:$0x3FAD] =	sst s0;
	s0 =	simm.s32 @!p2 $0x0  }
0x16: {  	s3 =	sld [smem:$0x3FDB];
	s0 =	simm.s32 @p2 $0x1  }
0x17: {  	s4 =	simm.s32 $0x1BF5;
	[smem:$0x3FAF] =	sst s0  }
0x18: {  	s0 =	sld [smem:$0x3F92];
	_ =	swait.ge [sflag:s4], $0x0  }
0x19: {  	s7 =	sld [smem:$0x3F93]  }
0x1a: {  	s8 =	sadd.s32 $0xFFFFE003, lr  }
0x1b: {  	s9 =	sadd.s32 $0xFFFFFEF7, lr;
	s5 =	simm.s32 $0xFFFFFFFF;
	p2 =	slt.u32 s8, $0xFFFFF086  }
0x1c: {  	p1 =	slt.u32 s9, $0xF7A;
	s5 =	simm.s32 @!p2 $0x0  }
0x1d: {  	s5 =	simm.s32 @p1 $0x1;
	p0 =	seq.s32 s7, s2  }
0x1e: {  	s7 =	smul.u32 @!p0 $0xF7A, s2;
	p2 =	seq.s32 @!p0 s5, $0x0  }
0x1f: {  	s9 =	smul.u32 $0xF7A, s1;
	s8 =	simm.s32 @!p0 $0x1BF5;
	p2 =	por !p2, p0  }
0x20: {  	[sflag:s8] =	ssyncset.s32 @!p0 $0xFFFFF086;
	s6 =	sadd.s32 @!p0 s3, s7;
	s7 =	simm.s32 @!p0 $0x108  }
0x21: {  	s3 =	sadd.s32 s3, s9;
	s6 =	sadd.s32 @!p0 $0x88, s6;
	s7 =	simm.s32 @p2 $0x1082  }
0x22: {  	[simem:s7], [sflag:s8] =	dma.local @!p0 [hbm:s6], $0xF7A  }
0x23: {  	s9 =	sor.u32 $0xD0000000, s2;
	s6 =	simm.s32 $0x108;
	_ =	swait.ge @!p0 [sflag:s8], $0x0  }
0x24: {  	s3 =	sadd.s32 $0x88, s3;
	s6 =	simm.s32 @!p1 $0x1082;
	[sflag:s4] =	ssyncset.s32 $0xFFFFF086  }
0x25: {  	[simem:s6], [sflag:s4] =	dma.local [hbm:s3], $0xF7A  }
0x26: {  	[smem:$0x3F93] =	sst s1;
	(tag) =	ssettag s2;
	_ =	strace s9  }
0x27: {  	s1 =	sld [smem:$0x3FA3]  }
0x28: {  	s2 =	sld [smem:$0x3FA4]  }
0x29: {  	s4 =	sld [smem:$0x3FA6]  }
0x2a: {  	p0 =	seq.s32 s5, $0x0;
	s5 =	sld [smem:$0x3FA7]  }
0x2b: {  	s6 =	sld [smem:$0x3FA8]  }
0x2c: {  	s7 =	sld [smem:$0x3FA9]  }
0x2d: {  	s3 =	simm.s32 $0x108;
	s8 =	sld [smem:$0x3FAA]  }
0x2e: {  	s3 =	simm.s32 @!p0 $0x1082;
	s9 =	sld [smem:$0x3FAB]  }
0x2f: {  	lr =	sadd.s32 s0, s3;
	s0 =	sld [smem:$0x3FA2]  }
0x30: {  	s3 =	sld [smem:$0x3FA5]  }
0x31: {  	[smem:$0x3FAE] =	sst s10  }
0x32: {  	s10 =	sld [smem:$0x3FAC];
	_ =	sdelay $0x3  }
0x33: {  	p0 =	seq.s32 s10, $0x1;
	s10 =	sld [smem:$0x3FAE];
	_ =	sdelay $0x3  }
0x34: {  	[smem:$0x3FAE] =	sst s10  }
0x35: {  	s10 =	sld [smem:$0x3FAD];
	_ =	sdelay $0x3  }
0x36: {  	p1 =	seq.s32 s10, $0x1;
	s10 =	sld [smem:$0x3FAE];
	_ =	sdelay $0x3  }
0x37: {  	[smem:$0x3FAE] =	sst s10  }
0x38: {  	s10 =	sld [smem:$0x3FAF]  }
0x39: {  	_ = 	snop;
	(pc) =	sbr.ind lr, $3  }
0x3a: {  	_ = 	snop  }
0x3b: {  	_ = 	snop  }
0x3c: {  	p2 =	seq.s32 s10, $0x1;
	s10 =	sld [smem:$0x3FAE]  }
0x3d: {  	_ =	shalt  }
0x3e: {  	_ =	shalt  }
0x3f: {  	_ =	shalt  }
0x40: {  	_ =	shalt  }
0x41: {  	_ =	shalt  }
0x42: {  	_ =	shalt  }
0x43: {  	_ =	shalt  }
0x44: {  	_ =	shalt  }
0x45: {  	_ =	shalt  }
0x46: {  	_ =	shalt  }
0x47: {  	_ =	shalt  }
0x48: {  	_ =	shalt  }
0x49: {  	_ =	shalt  }
0x4a: {  	_ =	shalt  }
0x4b: {  	_ =	shalt  }
0x4c: {  	_ =	shalt  }
0x4d: {  	_ =	shalt  }
0x4e: {  	_ =	shalt  }
0x4f: {  	_ =	shalt  }
0x50: {  	_ =	shalt  }
0x51: {  	_ =	shalt  }
0x52: {  	_ =	shalt  }
0x53: {  	_ =	shalt  }
0x54: {  	_ =	shalt  }
0x55: {  	_ =	shalt  }
0x56: {  	_ =	shalt  }
0x57: {  	_ =	shalt  }
0x58: {  	_ =	shalt  }
0x59: {  	_ =	shalt  }
0x5a: {  	_ =	shalt  }
0x5b: {  	_ =	shalt  }
0x5c: {  	_ =	shalt  }
0x5d: {  	_ =	shalt  }
0x5e: {  	_ =	shalt  }
0x5f: {  	_ =	shalt  }
0x60: {  	_ =	shalt  }
0x61: {  	_ =	shalt  }
0x62: {  	_ =	shalt  }
0x63: {  	_ =	shalt  }
0x64: {  	_ =	shalt  }
0x65: {  	_ =	shalt  }
0x66: {  	_ =	shalt  }
0x67: {  	_ =	shalt  }
0x68: {  	_ =	shalt  }
0x69: {  	_ =	shalt  }
0x6a: {  	_ =	shalt  }
0x6b: {  	_ =	shalt  }
0x6c: {  	_ =	shalt  }
0x6d: {  	_ =	shalt  }
0x6e: {  	_ =	shalt  }
0x6f: {  	_ =	shalt  }
0x70: {  	_ =	shalt  }
0x71: {  	_ =	shalt  }
0x72: {  	_ =	shalt  }
0x73: {  	_ =	shalt  }
0x74: {  	_ =	shalt  }
0x75: {  	_ =	shalt  }
0x76: {  	_ =	shalt  }
0x77: {  	_ =	shalt  }
0x78: {  	_ =	shalt  }
0x79: {  	_ =	shalt  }
0x7a: {  	_ =	shalt  }
0x7b: {  	_ =	shalt  }
0x7c: {  	_ =	shalt  }
0x7d: {  	_ =	shalt  }
0x7e: {  	_ =	shalt  }
0x7f: {  	_ =	shalt  }
0x80: {  	_ =	shalt  }
0x81: {  	_ =	shalt  }
0x82: {  	_ =	shalt  }
0x83: {  	_ =	shalt  }
0x84: {  	_ =	shalt  }
0x85: {  	_ =	shalt  }
0x86: {  	_ =	shalt  }
0x87: {  	_ =	shalt  }
.Lfunc_end0:
.L_simem_size_0:
called_computation.2_lowered:
.L_overlay_start_0:
0x88: {  	s2 =	sld [smem:$0x3FD9]  }
0x89: {  	s3 =	sld [smem:$0x3FFE];
	_ =	sdelay $0x1  }
0x8a: {  	s1 =	srdreg.scid  }
0x8b: {  	s0 =	sand.u32 $0x1, s1  }
0x8c: {  	s16 =	sshll.u32 s0, $0xA;
	s2 =	sadd.s32 s3, s2  }
0x8d: {  	s2 =	sadd.s32 s2, s16  }
0x8e: {  	[smem:$0x3FBA] =	sst s2  }
0x8f: {  	_ = 	snop  }
0x90: {  	(tm) =	ssettm $0x1  }
0x91: {  	s17 =	sld [smem:$0x3FFB];
	_ =	sdelay $0x3  }
0x92: {  	_ =	strace s17  }
0x93: {  	s2 =	sld [smem:$0x3FFC];
	_ =	sdelay $0x3  }
0x94: {  	_ =	strace s2  }
0x95: {  	s2 =	sld [smem:$0x3FFD];
	_ =	sdelay $0x3  }
0x96: {  	_ =	strace s2  }
0x97: {  	_ =	strace $0x8FFFFFFF  }
0x98: {  	s18 =	sld [smem:$0x3FDB];
	_ =	sdelay $0x1  }
0x99: {  	s19 =	simm.s32 $_scs_section_size  }
0x9a: {  	s4 =	simm.s32 $_size__tile_overlayer_lowered;
	s5 =	simm.s32 $_tile_overlayer_lowered  }
0x9b: {  	s22 =	simm.s32 $0x1BFF;
	s21 =	sshll.u32 s5, $0x1;
	s2 =	sadd.s32 s19, s18  }
0x9c: {  	s6 =	simm.s32 $0x0;
	s20 =	sshll.u32 s4, $0x1;
	s4 =	sadd.s32 s21, s2  }
0x9d: {  	[timem:s6], [sflag:s22] =	dma.local [hbm:s4], s20  }
0x9e: {  	_ =	swait.ge [sflag:s22], s20  }
0x9f: {  	s3 =	ssub.s32 $0x0, s20;
	[sflag:s22] =	ssyncset.done $0x0  }
0xa0: {  	[sflag:s22] =	ssyncadd.s32 s3;
	_ =	sdelay $0x1  }
0xa1: {  	s23 =	simm.s32 $0x1B8B  }
0xa2: {  	_ =	swait.ge [sflag:s23], $0x1  }
0xa3: {  	[sflag:s23] =	ssyncset.done $0x0  }
0xa4: {  	s25 =	simm.s32 $0x1B8E;
	s24 =	sld [smem:$0x3FFE];
	[sflag:s23] =	ssyncadd.s32 $0xFFFFFFFF  }
0xa5: {  	s26 =	simm.s32 $execute0_lowered;
	[smem:$0x3FD2] =	sst s25  }
0xa6: {  	s4 =	sshll.u32 s26, $0x1;
	_ =	strace $0x8000004C;
	[dreg:$0x1] =	wrdreg $0xFFFFFFFF  }
0xa7: {  	s28 =	simm.s32 $_size_execute0_lowered;
	s2 =	sadd.s32 s2, s4;
	[dreg:$0x0] =	wrdreg $0x0  }
0xa8: {  	s4 =	sshll.u32 s28, $0x1;
	[dreg:$0x2] =	wrdreg s2  }
0xa9: {  	[dreg:$0x3] =	wrdreg s4  }
0xaa: {  	[dreg:$0x4] =	wrdreg $0xC0  }
0xab: {  	_ =	task [dreg:s6], $0x5FFFF  }
0xac: {  	[dreg:$0x1] =	wrdreg $0xFFFFFFFF  }
0xad: {  	[dreg:$0x0] =	wrdreg $0x60  }
0xae: {  	[dreg:$0x2] =	wrdreg s24  }
0xaf: {  	[dreg:$0x3] =	wrdreg $0x82000  }
0xb0: {  	[dreg:$0x4] =	wrdreg $0x9  }
0xb1: {  	_ =	task.clear_ibuf [dreg:s6], $0x5FFFF;
	_ =	strace $0x9000004C  }
0xb2: {  	s29 =	simm.s32 $0x9;
	_ =	strace $0x8000004E  }
0xb3: {  	_ =	swait.ge [sflag:s29], $0x1  }
0xb4: {  	[sflag:s29] =	ssyncadd.s32 $0xFFFFFFFF  }
0xb5: {  	_ =	strace $0x9000004E  }
0xb6: {  	_ =	sfence  }
0xb7: {  	s30 =	sld [smem:$0x0];
	_ =	sdelay $0x2  }
0xb8: {  	s31 =	sshll.u32 s1, $0xD;
	s1 =	sshrl.u32 s1, $0x2  }
0xb9: {  	s3 =	sand.u32 $0x4000, s31;
	s1 =	sadd.s32 s1, s30  }
0xba: {  	s0 =	sor.u32 s3, s0;
	s1 =	sshll.u32 s1, $0x11  }
0xbb: {  	s0 =	sor.u32 s1, s0  }
0xbc: {  	s0 =	sadd.s32 $0x8F2B, s0  }
0xbd: {  	[sflag:s0] =	ssyncadd.remote.s32 $0x1  }
0xbe: {  	_ =	sfence.sel $0xFFFF  }
0xbf: {  	[dreg:$0x0] =	wrdreg $0xFFFFFFFF;
	(pc) =	sbr.abs _section_cstart, $3  }
0xc0: {  	[dreg:$0x1] =	wrdreg $0xFFFFFFFF  }
0xc1: {  	_ =	task.clear_ibuf [dreg:s6], $0x2FFFF;
	_ =	strace $0x9FFFFFFF  }
0xc2: {  	(tm) =	ssettm $0x7FFFFFFF  }
0xc3: {  	_ =	shalt  }
tec
execute0_lowered:
.L_overlay_start_1:
0x0: {  	(tag) =	ssettag $0x1  }
0x1: {  	s6 =	rddreg [dreg:$0x0]  }
0x2: {  	s2 =	rddreg [dreg:$0x1]  }
0x3: {  	s0 =	rddreg [dreg:$0x2];
	s1 =	stileid.u32  }
0x4: {  	s4 =	srdreg.scid;
	s3 =	simm.s32 $0x0;
	s17 =	simm.s32 $0x200  }
0x5: {  	s18 =	simm.s32 $0x1;
	s19 =	simm.s32 $0x100;
	s7 =	smul.u32 $0x13C00, s1  }
0x6: {  	s20 =	simm.s32 $0x4200;
	s8 =	sand.u32 $0x1, s4;
	s12 =	smul.u32 $0x4F000, s1  }
0x7: {  	[smem:$0x7FF] =	sst s3;
	s4 =	sadd.s32 $0xFC00, s6;
	s16 =	smul.u32 $0x9D00, s1  }
0x8: {  	s5 =	sadd.s32 $0x37000, s6;
	s26 =	sshll.u32 s1, $0x6;
	s9 =	smul.u32 $0x13C000, s8  }
0x9: {  	_ =	strace $0x8000004D;
	s22 =	sshll.u32 s8, $0x4;
	s11 =	ssub.s32 $0x2, s8  }
0xa: {  	s25 =	smul.u32 $0x9D000, s8;
	p0 =	seq.s32 s8, $0x1;
	s10 =	sshrl.u32 s7, $0x3  }
0xb: {  	s23 =	sshrl.u32 s11, $0x1;
	s24 =	sshrl.u32 s12, $0x2;
	s7 =	sadd.s32 s7, s9  }
0xc: {  	s21 =	sadd.s32 s10, s6;
	s10 =	sor.u32 s1, s22;
	s11 =	ssub.s32 s11, s23  }
0xd: {  	s15 =	sadd.s32 s24, s2;
	s12 =	sadd.s32 s16, s25;
	s16 =	simm.s32 $0x80  }
0xe: {  	s22 =	simm.s32 $0x180;
	s23 =	simm.s32 $0x0;
	s14 =	smul.u32 $0x9D00, s10  }
0xf: {  	s7 =	sshrl.u32 s7, $0x3;
	s28 =	smul.u32 $0x13A0, s10;
	s30 =	sadd.s32 $0x100, s12  }
.Ltmp0:
0x10: {  	s11 =	smax.u32 s11, $0x1;
	s12 =	sadd.s32 $0x200, s12;
	(pc) =	sbr.rel .LBB2_1-.Ltmp0, $4  }
0x11: {  	s13 =	sadd.s32 s7, s6;
	s6 =	sadd.s32 $0x5E200, s21;
	s7 =	sor.u32 $0x1C03, s26  }
0x12: {  	s31 =	sshrl.u32 s30, $0x3;
	s21 =	simm.s32 $0x2;
	s29 =	sshrl.u32 s14, $0x3  }
0x13: {  	s9 =	sadd.s32 s4, s28;
	s10 =	sadd.s32 $0xD3C00, s13;
	s13 =	sadd.s32 s31, s4  }
0x14: {  	s14 =	sshrl.u32 s15, $0x3;
	s15 =	simm.s32 $0x3;
	s8 =	sadd.s32 s4, s29  }
.LBB2_5:
0x15: {  	[tilespmem:s3], [sflag:$0x3] =	stream.linear.gather [hbm4b:s9+s3], $0x100, $0x38;
	[tilespmem:$0x1BE00] =	vst v63  }
0x16: {  	_ =	swait.ge [sflag:s15], $0x100  }
0x17: {  	[sflag:s15] =	ssyncset.done $0x0  }
0x18: {  	[sflag:s15] =	ssyncadd.s32 $0xFFFFFF00  }
0x19: {  	[tilespmem:s17], [sflag:$0x1] =	stream.indirect.gather [hbm4b:s5+s16], $0x80, s3, s16, $0xb8;
	[tilespmem:$0x1BE00] =	vst v63  }
.LBB2_6:
0x1a: {  	_ =	swait.ge [sflag:s18], $0x4000  }
0x1b: {  	[sflag:s18] =	ssyncset.done $0x0  }
0x1c: {  	[sflag:s18] =	ssyncadd.s32 $0xFFFFC000  }
0x1d: {  	[spmem:s2] =	stream.indirect.scatter.add.f32 [tilespmem:s17], [sflag:$0x3], $0x80, s16, s16, $0xb8;
	[tilespmem:$0x1BE00] =	vst v63  }
0x1e: {  	_ =	swait.ge [sflag:s15], $0x4000  }
0x1f: {  	s23 =	sadd.s32 $0x1, s23;
	[sflag:s15] =	ssyncset.done $0x0  }
0x20: {  	p1 =	sne.s32 s23, s11;
	[sflag:s15] =	ssyncadd.s32 $0xFFFFC000  }
.Ltmp1:
0x21: {  	[bflag:$0x0] =	sbarrier.arrive $0xFFFF;
	(pc) =	sbr.rel @!p1 .LBB2_7-.Ltmp1, $4  }
0x22: {  	[hbm:s10], [sflag:s7] =	dma.local [spmem:s14], $0x2780  }
0x23: {  	_ =	swait.ge [sflag:s15], $0x2780  }
0x24: {  	[sflag:s15] =	ssyncset.done $0x0  }
0x25: {  	[sflag:s15] =	ssyncadd.s32 $0xFFFFD880  }
.LBB2_1:
0x26: {  	[spmem:s14], [sflag:s7] =	dma.local [hbm:s6], $0x2780  }
.Ltmp2:
0x27: {  	_ =	swait.ge [sflag:s15], $0x2780;
	(pc) =	sbr.rel @p0 .LBB2_5-.Ltmp2, $3  }
0x28: {  	[sflag:s15] =	ssyncset.done $0x0  }
0x29: {  	[sflag:s15] =	ssyncadd.s32 $0xFFFFD880  }
0x2a: {  	[bflag:$0x0] =	sbarrier.arrive $0xFFFF;
	_ =	sdelay $0x1  }
0x2b: {  	s24 =	simm.s32 $0x0  }
0x2c: {  	[tilespmem:s24], [sflag:$0x3] =	stream.linear.gather [hbm4b:s8+s24], $0x100, $0x38;
	[tilespmem:$0x1BE00] =	vst v63  }
0x2d: {  	_ =	swait.ge [sflag:s15], $0x100  }
0x2e: {  	[sflag:s15] =	ssyncset.done $0x0  }
0x2f: {  	[sflag:s15] =	ssyncadd.s32 $0xFFFFFF00  }
0x30: {  	[tilespmem:s17], [sflag:$0x1] =	stream.indirect.gather [hbm4b:s5+s16], $0x80, s24, s16, $0xb8;
	[tilespmem:$0x1BE00] =	vst v63  }
0x31: {  	s30 =	sadd.s32 $0x0, s13  }
0x32: {  	[tilespmem:s19], [sflag:$0x3] =	stream.linear.gather [hbm4b:s30+s3], $0x100, $0x38;
	[tilespmem:$0x1BE00] =	vst v63  }
0x33: {  	_ =	swait.ge [sflag:s15], $0x100  }
0x34: {  	[sflag:s15] =	ssyncset.done $0x0  }
0x35: {  	[sflag:s15] =	ssyncadd.s32 $0xFFFFFF00  }
0x36: {  	[tilespmem:s20], [sflag:$0x2] =	stream.indirect.gather [hbm4b:s5+s16], $0x80, s19, s16, $0xb8;
	[tilespmem:$0x1BE00] =	vst v63  }
0x37: {  	_ =	swait.ge [sflag:s18], $0x4000  }
0x38: {  	[sflag:s18] =	ssyncset.done $0x0  }
0x39: {  	[sflag:s18] =	ssyncadd.s32 $0xFFFFC000  }
0x3a: {  	[spmem:s2] =	stream.indirect.scatter.add.f32 [tilespmem:s17], [sflag:$0x3], $0x80, s16, s16, $0xb8;
	[tilespmem:$0x1BE00] =	vst v63  }
0x3b: {  	_ =	swait.ge [sflag:s15], $0x4000  }
0x3c: {  	s31 =	sshrl.u32 s12, $0x3;
	[sflag:s15] =	ssyncset.done $0x0  }
0x3d: {  	s24 =	sadd.s32 s4, s31;
	[sflag:s15] =	ssyncadd.s32 $0xFFFFC000  }
0x3e: {  	[tilespmem:s3], [sflag:$0x3] =	stream.linear.gather [hbm4b:s24+s3], $0x100, $0x38;
	[tilespmem:$0x1BE00] =	vst v63  }
0x3f: {  	_ =	swait.ge [sflag:s15], $0x100  }
0x40: {  	[sflag:s15] =	ssyncset.done $0x0  }
0x41: {  	[sflag:s15] =	ssyncadd.s32 $0xFFFFFF00  }
0x42: {  	[tilespmem:s17], [sflag:$0x1] =	stream.indirect.gather [hbm4b:s5+s16], $0x80, s3, s16, $0xb8;
	[tilespmem:$0x1BE00] =	vst v63  }
0x43: {  	_ =	swait.ge [sflag:s21], $0x4000  }
0x44: {  	[sflag:s21] =	ssyncset.done $0x0  }
0x45: {  	[sflag:s21] =	ssyncadd.s32 $0xFFFFC000  }
0x46: {  	[spmem:s2] =	stream.indirect.scatter.add.f32 [tilespmem:s20], [sflag:$0x3], $0x80, s22, s16, $0xb8;
	[tilespmem:$0x1BE00] =	vst v63  }
0x47: {  	s25 =	simm.s32 $0x40;
	_ =	swait.ge [sflag:s15], $0x4000  }
0x48: {  	s26 =	simm.s32 $0x80;
	s24 =	sadd.s32 $0x200, s12;
	[sflag:s15] =	ssyncset.done $0x0  }
.LBB2_3:
0x49: {  	s28 =	sadd.s32 s25, s13  }
0x4a: {  	[sflag:s15] =	ssyncadd.s32 $0xFFFFC000;
	s25 =	smov.u32 s26;
	s29 =	sadd.s32 $0x40, s26  }
0x4b: {  	[tilespmem:s19], [sflag:$0x3] =	stream.linear.gather [hbm4b:s28+s3], $0x100, $0x38;
	[tilespmem:$0x1BE00] =	vst v63  }
0x4c: {  	p1 =	seq.s32 s26, $0x1340;
	_ =	swait.ge [sflag:s15], $0x100  }
0x4d: {  	[sflag:s15] =	ssyncset.done $0x0  }
0x4e: {  	[sflag:s15] =	ssyncadd.s32 $0xFFFFFF00  }
0x4f: {  	[tilespmem:s20], [sflag:$0x2] =	stream.indirect.gather [hbm4b:s5+s16], $0x80, s19, s16, $0xb8;
	[tilespmem:$0x1BE00] =	vst v63  }
0x50: {  	_ =	swait.ge [sflag:s18], $0x4000  }
0x51: {  	[sflag:s18] =	ssyncset.done $0x0  }
0x52: {  	[sflag:s18] =	ssyncadd.s32 $0xFFFFC000  }
0x53: {  	[spmem:s2] =	stream.indirect.scatter.add.f32 [tilespmem:s17], [sflag:$0x3], $0x80, s16, s16, $0xb8;
	[tilespmem:$0x1BE00] =	vst v63  }
0x54: {  	_ =	swait.ge [sflag:s15], $0x4000  }
0x55: {  	s26 =	sshrl.u32 s24, $0x3;
	[sflag:s15] =	ssyncset.done $0x0  }
0x56: {  	s26 =	sadd.s32 s4, s26;
	[sflag:s15] =	ssyncadd.s32 $0xFFFFC000  }
0x57: {  	[tilespmem:s3], [sflag:$0x3] =	stream.linear.gather [hbm4b:s26+s3], $0x100, $0x38;
	[tilespmem:$0x1BE00] =	vst v63  }
0x58: {  	_ =	swait.ge [sflag:s15], $0x100  }
0x59: {  	[sflag:s15] =	ssyncset.done $0x0  }
0x5a: {  	[sflag:s15] =	ssyncadd.s32 $0xFFFFFF00  }
0x5b: {  	[tilespmem:s17], [sflag:$0x1] =	stream.indirect.gather [hbm4b:s5+s16], $0x80, s3, s16, $0xb8;
	[tilespmem:$0x1BE00] =	vst v63  }
0x5c: {  	_ =	swait.ge [sflag:s21], $0x4000  }
.Ltmp3:
0x5d: {  	[sflag:s21] =	ssyncset.done $0x0;
	(pc) =	sbr.rel @!p1 .LBB2_3-.Ltmp3, $4  }
0x5e: {  	[sflag:s21] =	ssyncadd.s32 $0xFFFFC000  }
0x5f: {  	[spmem:s2] =	stream.indirect.scatter.add.f32 [tilespmem:s20], [sflag:$0x3], $0x80, s22, s16, $0xb8;
	[tilespmem:$0x1BE00] =	vst v63  }
0x60: {  	_ =	swait.ge [sflag:s15], $0x4000  }
0x61: {  	s24 =	sadd.s32 $0x200, s24;
	s26 =	smov.u32 s29;
	[sflag:s15] =	ssyncset.done $0x0  }
0x62: {  	s25 =	sadd.s32 s25, s13;
	[sflag:s15] =	ssyncadd.s32 $0xFFFFC000  }
0x63: {  	[tilespmem:s19], [sflag:$0x3] =	stream.linear.gather [hbm4b:s25+s3], $0x100, $0x38;
	[tilespmem:$0x1BE00] =	vst v63  }
0x64: {  	_ =	swait.ge [sflag:s15], $0x100  }
0x65: {  	[sflag:s15] =	ssyncset.done $0x0  }
0x66: {  	[sflag:s15] =	ssyncadd.s32 $0xFFFFFF00  }
0x67: {  	[tilespmem:s20], [sflag:$0x2] =	stream.indirect.gather [hbm4b:s5+s16], $0x80, s19, s16, $0xb8;
	[tilespmem:$0x1BE00] =	vst v63  }
0x68: {  	_ =	swait.ge [sflag:s18], $0x4000  }
0x69: {  	[sflag:s18] =	ssyncset.done $0x0  }
0x6a: {  	[sflag:s18] =	ssyncadd.s32 $0xFFFFC000  }
0x6b: {  	[spmem:s2] =	stream.indirect.scatter.add.f32 [tilespmem:s17], [sflag:$0x3], $0x80, s16, s16, $0xb8;
	[tilespmem:$0x1BE00] =	vst v63  }
0x6c: {  	_ =	swait.ge [sflag:s15], $0x4000  }
0x6d: {  	s24 =	sshrl.u32 s24, $0x3;
	[sflag:s15] =	ssyncset.done $0x0  }
0x6e: {  	s24 =	sadd.s32 s4, s24;
	[sflag:s15] =	ssyncadd.s32 $0xFFFFC000  }
0x6f: {  	[tilespmem:s3], [sflag:$0x3] =	stream.linear.gather [hbm4b:s24+s3], $0x100, $0x38;
	[tilespmem:$0x1BE00] =	vst v63  }
0x70: {  	_ =	swait.ge [sflag:s15], $0x100  }
0x71: {  	[sflag:s15] =	ssyncset.done $0x0  }
0x72: {  	[sflag:s15] =	ssyncadd.s32 $0xFFFFFF00  }
0x73: {  	[tilespmem:s17], [sflag:$0x1] =	stream.indirect.gather [hbm4b:s5+s16], $0x80, s3, s16, $0xb8;
	[tilespmem:$0x1BE00] =	vst v63  }
0x74: {  	_ =	swait.ge [sflag:s21], $0x4000  }
0x75: {  	[sflag:s21] =	ssyncset.done $0x0  }
.Ltmp4:
0x76: {  	[sflag:s21] =	ssyncadd.s32 $0xFFFFC000;
	(pc) =	sbr.rel .LBB2_6-.Ltmp4, $4  }
0x77: {  	[spmem:s2] =	stream.indirect.scatter.add.f32 [tilespmem:s20], [sflag:$0x3], $0x80, s22, s16, $0xb8;
	[tilespmem:$0x1BE00] =	vst v63  }
0x78: {  	_ =	swait.ge [sflag:s15], $0x4000  }
0x79: {  	[sflag:s15] =	ssyncset.done $0x0  }
0x7a: {  	[sflag:s15] =	ssyncadd.s32 $0xFFFFC000  }
.LBB2_7:
0x7b: {  	_ =	sfence.sel $0x180000  }
0x7c: {  	[bflag:$0x0] =	sbarrier.arrive $0xFFFF  }
0x7d: {  	p0 =	sne.s32 s1, $0x0;
	_ =	strace $0x9000004D  }
0x7e: {  	s0 =	sadd.s32 @!p0 $0x100000, s0;
	[bflag:$0x2] =	sbarrier.arrive $0xFFFF  }
0x7f: {  	[sflag:s0] =	ssyncadd.tile.s32 @!p0 $0x1;
	_ =	shalt  }
.Lfunc_end2:
_tile_overlayer_lowered:
.L_overlay_start_2:
0x80: {  	(tag) =	ssettag $0x2  }
0x81: {  	s0 =	rddreg [dreg:$0x0];
	s2 =	stileid.u32  }
0x82: {  	s1 =	rddreg [dreg:$0x1];
	p0 =	sne.s32 s2, $0x0  }
0x83: {  	s3 =	rddreg [dreg:$0x2];
	[bflag:$0x3] =	sbarrier.arrive $0xFFFF;
	s2 =	simm.s32 @!p0 $0x1C03  }
0x84: {  	[timem:s3], [sflag:s2] =	dma.local @!p0 [hbm:s0], s1  }
0x85: {  	s0 =	simm.s32 @!p0 $0x3  }
0x86: {  	_ =	swait.ge @!p0 [sflag:s0], s1  }
0x87: {  	s1 =	ssub.s32 @!p0 $0x0, s1;
	[sflag:s0] =	ssyncset.done @!p0 $0x0  }
0x88: {  	[sflag:s0] =	ssyncadd.s32 @!p0 s1  }
0x89: {  	[bflag:$0x3] =	sbarrier.arrive $0xFFFF  }
0x8a: {  	_ =	shalt  }

// kernel: kernel.18.cloned.1.call-start
scs
__scs_entry_jumppad:
0x0: {  	(pc) =	sbr.rel $0x88, $3  }
0x1: {  	(tag) =	ssettag $0x0;
	lr =	simm.s32 $0x1  }
0x2: {  	[smem:$0x3F93] =	sst lr;
	_ =	strace $0xD0000000  }
0x3: {  	_ = 	snop  }
0x4: {  	_ = 	snop  }
0x5: {  	_ = 	snop  }
0x6: {  	_ = 	snop  }
0x7: {  	_ = 	snop  }
__scs_overlays_trampoline_lowered:
0x8: {  	[smem:$0x3FA2] =	sst s0  }
0x9: {  	[smem:$0x3FA3] =	sst s1  }
0xa: {  	[smem:$0x3FA4] =	sst s2  }
0xb: {  	[smem:$0x3FA5] =	sst s3  }
0xc: {  	[smem:$0x3FA6] =	sst s4  }
0xd: {  	[smem:$0x3FA7] =	sst s5  }
0xe: {  	[smem:$0x3FA8] =	sst s6  }
0xf: {  	[smem:$0x3FA9] =	sst s7  }
0x10: {  	[smem:$0x3FAA] =	sst s8  }
0x11: {  	[smem:$0x3FAB] =	sst s9;
	s0 =	simm.s32 @!p0 $0x0  }
0x12: {  	s1 =	sld [smem:$0x3F91];
	s0 =	simm.s32 @p0 $0x1  }
0x13: {  	[smem:$0x3FAC] =	sst s0;
	s0 =	simm.s32 @!p1 $0x0  }
0x14: {  	s2 =	sld [smem:$0x3F90];
	s0 =	simm.s32 @p1 $0x1  }
0x15: {  	[smem:$0x3FAD] =	sst s0;
	s0 =	simm.s32 @!p2 $0x0  }
0x16: {  	s3 =	sld [smem:$0x3FDB];
	s0 =	simm.s32 @p2 $0x1  }
0x17: {  	s4 =	simm.s32 $0x1BF5;
	[smem:$0x3FAF] =	sst s0  }
0x18: {  	s0 =	sld [smem:$0x3F92];
	_ =	swait.ge [sflag:s4], $0x0  }
0x19: {  	s7 =	sld [smem:$0x3F93]  }
0x1a: {  	s8 =	sadd.s32 $0xFFFFE003, lr  }
0x1b: {  	s9 =	sadd.s32 $0xFFFFFEF7, lr;
	s5 =	simm.s32 $0xFFFFFFFF;
	p2 =	slt.u32 s8, $0xFFFFF086  }
0x1c: {  	p1 =	slt.u32 s9, $0xF7A;
	s5 =	simm.s32 @!p2 $0x0  }
0x1d: {  	s5 =	simm.s32 @p1 $0x1;
	p0 =	seq.s32 s7, s2  }
0x1e: {  	s7 =	smul.u32 @!p0 $0xF7A, s2;
	p2 =	seq.s32 @!p0 s5, $0x0  }
0x1f: {  	s9 =	smul.u32 $0xF7A, s1;
	s8 =	simm.s32 @!p0 $0x1BF5;
	p2 =	por !p2, p0  }
0x20: {  	[sflag:s8] =	ssyncset.s32 @!p0 $0xFFFFF086;
	s6 =	sadd.s32 @!p0 s3, s7;
	s7 =	simm.s32 @!p0 $0x108  }
0x21: {  	s3 =	sadd.s32 s3, s9;
	s6 =	sadd.s32 @!p0 $0x88, s6;
	s7 =	simm.s32 @p2 $0x1082  }
0x22: {  	[simem:s7], [sflag:s8] =	dma.local @!p0 [hbm:s6], $0xF7A  }
0x23: {  	s9 =	sor.u32 $0xD0000000, s2;
	s6 =	simm.s32 $0x108;
	_ =	swait.ge @!p0 [sflag:s8], $0x0  }
0x24: {  	s3 =	sadd.s32 $0x88, s3;
	s6 =	simm.s32 @!p1 $0x1082;
	[sflag:s4] =	ssyncset.s32 $0xFFFFF086  }
0x25: {  	[simem:s6], [sflag:s4] =	dma.local [hbm:s3], $0xF7A  }
0x26: {  	[smem:$0x3F93] =	sst s1;
	(tag) =	ssettag s2;
	_ =	strace s9  }
0x27: {  	s1 =	sld [smem:$0x3FA3]  }
0x28: {  	s2 =	sld [smem:$0x3FA4]  }
0x29: {  	s4 =	sld [smem:$0x3FA6]  }
0x2a: {  	p0 =	seq.s32 s5, $0x0;
	s5 =	sld [smem:$0x3FA7]  }
0x2b: {  	s6 =	sld [smem:$0x3FA8]  }
0x2c: {  	s7 =	sld [smem:$0x3FA9]  }
0x2d: {  	s3 =	simm.s32 $0x108;
	s8 =	sld [smem:$0x3FAA]  }
0x2e: {  	s3 =	simm.s32 @!p0 $0x1082;
	s9 =	sld [smem:$0x3FAB]  }
0x2f: {  	lr =	sadd.s32 s0, s3;
	s0 =	sld [smem:$0x3FA2]  }
0x30: {  	s3 =	sld [smem:$0x3FA5]  }
0x31: {  	[smem:$0x3FAE] =	sst s10  }
0x32: {  	s10 =	sld [smem:$0x3FAC];
	_ =	sdelay $0x3  }
0x33: {  	p0 =	seq.s32 s10, $0x1;
	s10 =	sld [smem:$0x3FAE];
	_ =	sdelay $0x3  }
0x34: {  	[smem:$0x3FAE] =	sst s10  }
0x35: {  	s10 =	sld [smem:$0x3FAD];
	_ =	sdelay $0x3  }
0x36: {  	p1 =	seq.s32 s10, $0x1;
	s10 =	sld [smem:$0x3FAE];
	_ =	sdelay $0x3  }
0x37: {  	[smem:$0x3FAE] =	sst s10  }
0x38: {  	s10 =	sld [smem:$0x3FAF]  }
0x39: {  	_ = 	snop;
	(pc) =	sbr.ind lr, $3  }
0x3a: {  	_ = 	snop  }
0x3b: {  	_ = 	snop  }
0x3c: {  	p2 =	seq.s32 s10, $0x1;
	s10 =	sld [smem:$0x3FAE]  }
0x3d: {  	_ =	shalt  }
0x3e: {  	_ =	shalt  }
0x3f: {  	_ =	shalt  }
0x40: {  	_ =	shalt  }
0x41: {  	_ =	shalt  }
0x42: {  	_ =	shalt  }
0x43: {  	_ =	shalt  }
0x44: {  	_ =	shalt  }
0x45: {  	_ =	shalt  }
0x46: {  	_ =	shalt  }
0x47: {  	_ =	shalt  }
0x48: {  	_ =	shalt  }
0x49: {  	_ =	shalt  }
0x4a: {  	_ =	shalt  }
0x4b: {  	_ =	shalt  }
0x4c: {  	_ =	shalt  }
0x4d: {  	_ =	shalt  }
0x4e: {  	_ =	shalt  }
0x4f: {  	_ =	shalt  }
0x50: {  	_ =	shalt  }
0x51: {  	_ =	shalt  }
0x52: {  	_ =	shalt  }
0x53: {  	_ =	shalt  }
0x54: {  	_ =	shalt  }
0x55: {  	_ =	shalt  }
0x56: {  	_ =	shalt  }
0x57: {  	_ =	shalt  }
0x58: {  	_ =	shalt  }
0x59: {  	_ =	shalt  }
0x5a: {  	_ =	shalt  }
0x5b: {  	_ =	shalt  }
0x5c: {  	_ =	shalt  }
0x5d: {  	_ =	shalt  }
0x5e: {  	_ =	shalt  }
0x5f: {  	_ =	shalt  }
0x60: {  	_ =	shalt  }
0x61: {  	_ =	shalt  }
0x62: {  	_ =	shalt  }
0x63: {  	_ =	shalt  }
0x64: {  	_ =	shalt  }
0x65: {  	_ =	shalt  }
0x66: {  	_ =	shalt  }
0x67: {  	_ =	shalt  }
0x68: {  	_ =	shalt  }
0x69: {  	_ =	shalt  }
0x6a: {  	_ =	shalt  }
0x6b: {  	_ =	shalt  }
0x6c: {  	_ =	shalt  }
0x6d: {  	_ =	shalt  }
0x6e: {  	_ =	shalt  }
0x6f: {  	_ =	shalt  }
0x70: {  	_ =	shalt  }
0x71: {  	_ =	shalt  }
0x72: {  	_ =	shalt  }
0x73: {  	_ =	shalt  }
0x74: {  	_ =	shalt  }
0x75: {  	_ =	shalt  }
0x76: {  	_ =	shalt  }
0x77: {  	_ =	shalt  }
0x78: {  	_ =	shalt  }
0x79: {  	_ =	shalt  }
0x7a: {  	_ =	shalt  }
0x7b: {  	_ =	shalt  }
0x7c: {  	_ =	shalt  }
0x7d: {  	_ =	shalt  }
0x7e: {  	_ =	shalt  }
0x7f: {  	_ =	shalt  }
0x80: {  	_ =	shalt  }
0x81: {  	_ =	shalt  }
0x82: {  	_ =	shalt  }
0x83: {  	_ =	shalt  }
0x84: {  	_ =	shalt  }
0x85: {  	_ =	shalt  }
0x86: {  	_ =	shalt  }
0x87: {  	_ =	shalt  }
.Lfunc_end0:
.L_simem_size_0:
called_computation.3_lowered:
.L_overlay_start_0:
0x88: {  	s2 =	sld [smem:$0x3FD9]  }
0x89: {  	s3 =	sld [smem:$0x3FFE];
	_ =	sdelay $0x1  }
0x8a: {  	s1 =	srdreg.scid  }
0x8b: {  	s0 =	sand.u32 $0x1, s1  }
0x8c: {  	s17 =	sshll.u32 s0, $0xA;
	s2 =	sadd.s32 s3, s2  }
0x8d: {  	s2 =	sadd.s32 s2, s17  }
0x8e: {  	[smem:$0x3FBA] =	sst s2  }
0x8f: {  	_ = 	snop  }
0x90: {  	s2 =	sld [smem:$0x3FD0];
	(tm) =	ssettm $0x1  }
0x91: {  	s18 =	sld [smem:$0x3FFB];
	_ =	sdelay $0x3  }
0x92: {  	_ =	strace s18  }
0x93: {  	s3 =	sld [smem:$0x3FFC];
	_ =	sdelay $0x3  }
0x94: {  	_ =	strace s3  }
0x95: {  	s3 =	sld [smem:$0x3FFD];
	_ =	sdelay $0x3  }
0x96: {  	_ =	strace s3  }
0x97: {  	_ =	strace $0x8FFFFFFF  }
0x98: {  	s19 =	sld [smem:$0x3FDB];
	_ =	sdelay $0x1  }
0x99: {  	s4 =	simm.s32 $_scs_section_size  }
0x9a: {  	s5 =	simm.s32 $_size__tile_overlayer_lowered;
	s6 =	simm.s32 $_tile_overlayer_lowered  }
0x9b: {  	s22 =	simm.s32 $0x1BFF;
	s21 =	sshll.u32 s6, $0x1;
	s3 =	sadd.s32 s4, s19  }
0x9c: {  	s7 =	simm.s32 $0x0;
	s20 =	sshll.u32 s5, $0x1;
	s5 =	sadd.s32 s21, s3  }
0x9d: {  	[timem:s7], [sflag:s22] =	dma.local [hbm:s5], s20  }
0x9e: {  	_ =	swait.ge [sflag:s22], s20  }
0x9f: {  	s4 =	ssub.s32 $0x0, s20;
	[sflag:s22] =	ssyncset.done $0x0  }
0xa0: {  	[sflag:s22] =	ssyncadd.s32 s4;
	_ =	sdelay $0x1  }
0xa1: {  	s23 =	simm.s32 $0x1B8B  }
0xa2: {  	_ =	swait.ge [sflag:s23], $0x1  }
0xa3: {  	[sflag:s23] =	ssyncset.done $0x0  }
0xa4: {  	s25 =	simm.s32 $0x1B8E;
	s24 =	sld [smem:$0x3FFE];
	[sflag:s23] =	ssyncadd.s32 $0xFFFFFFFF  }
0xa5: {  	s26 =	simm.s32 $execute0_lowered;
	[smem:$0x3FD2] =	sst s25  }
0xa6: {  	s5 =	sshll.u32 s26, $0x1;
	_ =	strace $0x8000004F;
	[dreg:$0x1] =	wrdreg $0xFFFFFFFF  }
0xa7: {  	s28 =	simm.s32 $_size_execute0_lowered;
	s3 =	sadd.s32 s3, s5;
	[dreg:$0x0] =	wrdreg $0x0  }
0xa8: {  	s5 =	sshll.u32 s28, $0x1;
	[dreg:$0x2] =	wrdreg s3  }
0xa9: {  	[dreg:$0x3] =	wrdreg s5  }
0xaa: {  	[dreg:$0x4] =	wrdreg $0xC0  }
0xab: {  	_ =	task [dreg:s7], $0x5FFFF  }
0xac: {  	[dreg:$0x1] =	wrdreg $0xFFFFFFFF  }
0xad: {  	[dreg:$0x0] =	wrdreg $0x60  }
0xae: {  	[dreg:$0x2] =	wrdreg s2  }
0xaf: {  	[dreg:$0x3] =	wrdreg s24  }
0xb0: {  	[dreg:$0x4] =	wrdreg $0x9  }
0xb1: {  	_ =	task.clear_ibuf [dreg:s7], $0x5FFFF;
	_ =	strace $0x9000004F  }
0xb2: {  	s29 =	simm.s32 $0x9;
	_ =	strace $0x80000051  }
0xb3: {  	_ =	swait.ge [sflag:s29], $0x1  }
0xb4: {  	[sflag:s29] =	ssyncadd.s32 $0xFFFFFFFF  }
0xb5: {  	_ =	strace $0x90000051  }
0xb6: {  	_ =	sfence  }
0xb7: {  	s30 =	sld [smem:$0x0];
	_ =	sdelay $0x2  }
0xb8: {  	s31 =	sshll.u32 s1, $0xD;
	s1 =	sshrl.u32 s1, $0x2  }
0xb9: {  	s3 =	sand.u32 $0x4000, s31;
	s1 =	sadd.s32 s1, s30  }
0xba: {  	s0 =	sor.u32 s3, s0;
	s1 =	sshll.u32 s1, $0x11  }
0xbb: {  	s0 =	sor.u32 s1, s0  }
0xbc: {  	s0 =	sadd.s32 $0x8F2B, s0  }
0xbd: {  	[sflag:s0] =	ssyncadd.remote.s32 $0x1  }
0xbe: {  	_ =	sfence.sel $0xFFFF  }
0xbf: {  	[dreg:$0x0] =	wrdreg $0xFFFFFFFF;
	(pc) =	sbr.abs _section_cstart, $3  }
0xc0: {  	[dreg:$0x1] =	wrdreg $0xFFFFFFFF  }
0xc1: {  	_ =	task.clear_ibuf [dreg:s7], $0x2FFFF;
	_ =	strace $0x9FFFFFFF  }
0xc2: {  	(tm) =	ssettm $0x7FFFFFFF  }
0xc3: {  	_ =	shalt  }
tec
execute0_lowered:
.L_overlay_start_1:
0x0: {  	(tag) =	ssettag $0x1  }
0x1: {  	s5 =	rddreg [dreg:$0x0]  }
0x2: {  	s0 =	srdreg.scid;
	s6 =	rddreg [dreg:$0x1]  }
0x3: {  	s2 =	simm.s32 $0x0;
	s12 =	simm.s32 $0x9E80;
	s13 =	simm.s32 $0xED00  }
0x4: {  	s14 =	simm.s32 $0x0;
	s4 =	sand.u32 $0x1, s0;
	s0 =	stileid.u32  }
0x5: {  	v0 =	vlaneseq.u32;
	[smem:$0x7FF] =	sst s2;
	s3 =	sadd.s32 $0x5C00, s6;
	s8 =	smul.u32 $0x27800, s4  }
0x6: {  	v0 =	vmul.u32 $0x2, v0;
	s1 =	sshll.u32 s4, $0x4;
	s9 =	smul.u32 $0x2780, s0;
	s31 =	ssub.s32 $0x2, s4  }
0x7: {  	s4 =	sadd.s32 $0x6600, s6;
	s1 =	sor.u32 s0, s1;
	s11 =	sshrl.u32 s31, $0x1  }
0x8: {  	v2 =	vor.u32 $0x20, v0;
	v3 =	vor.u32 $0x21, v0;
	v4 =	vor.u32 $0x40, v0;
	s7 =	smul.u32 $0x500, s1;
	s1 =	rddreg [dreg:$0x2];
	s8 =	sadd.s32 s9, s8  }
0x9: {  	v5 =	vor.u32 $0x41, v0;
	v6 =	vor.u32 $0x60, v0;
	v7 =	vor.u32 $0x61, v0;
	_ =	strace $0x80000050;
	s9 =	ssub.s32 s31, s11;
	s8 =	sshrl.u32 s8, $0x2  }
0xa: {  	v8 =	vor.u32 $0x80, v0;
	v9 =	vor.u32 $0x81, v0;
	v10 =	vor.u32 $0xA0, v0;
	s11 =	simm.s32 $0x5000;
	s10 =	sadd.s32 s7, s6;
	s8 =	sadd.s32 s8, s6  }
0xb: {  	v11 =	vor.u32 $0xA1, v0;
	v12 =	vor.u32 $0xC0, v0;
	v13 =	vor.u32 $0xC1, v0;
	s5 =	sadd.s32 s5, s7;
	s7 =	smax.u32 s9, $0x1;
	s9 =	simm.s32 $0x1  }
0xc: {  	v1 =	vor.u32 $0x1, v0;
	v14 =	vor.u32 $0xE0, v0;
	v15 =	vor.u32 $0xE1, v0;
	s6 =	sadd.s32 $0x122C00, s10;
	s8 =	sadd.s32 $0x7000, s8;
	s10 =	simm.s32 $0x2800  }
.LBB2_1:
0xd: {  	[tilespmem:s2], [sflag:$0x1] =	stream.linear.gather [hbm4b:s5+s2], $0x2780, $0x38;
	[tilespmem:$0xEE00] =	vst v63  }
0xe: {  	_ =	swait.ge [sflag:s9], $0x2780  }
0xf: {  	[sflag:s9] =	ssyncset.done $0x0  }
0x10: {  	[sflag:s9] =	ssyncadd.s32 $0xFFFFD880  }
0x11: {  	[tilespmem:s10], [sflag:$0x1] =	stream.linear.gather [hbm4b:s6+s2], $0x2780, $0x38;
	[tilespmem:$0xEE00] =	vst v63  }
0x12: {  	_ =	swait.ge [sflag:s9], $0x2780  }
0x13: {  	[sflag:s9] =	ssyncset.done $0x0  }
0x14: {  	[sflag:s9] =	ssyncadd.s32 $0xFFFFD880  }
0x15: {  	[tilespmem:s11], [sflag:$0x1] =	stream.linear.gather [hbm4b:s3+s2], $0x4E80, $0x38;
	[tilespmem:$0xEE00] =	vst v63  }
0x16: {  	_ =	swait.ge [sflag:s9], $0x4E80  }
0x17: {  	[sflag:s9] =	ssyncset.done $0x0  }
0x18: {  	[sflag:s9] =	ssyncadd.s32 $0xFFFFB180  }
0x19: {  	[tilespmem:s12], [sflag:$0x1] =	stream.linear.gather [hbm4b:s4+s2], $0x4E80, $0x38;
	[tilespmem:$0xEE00] =	vst v63  }
0x1a: {  	_ =	swait.ge [sflag:s9], $0x4E80  }
0x1b: {  	[sflag:s9] =	ssyncset.done $0x0  }
0x1c: {  	s15 =	smov.u32 s8;
	s16 =	simm.s32 $0x0;
	[sflag:s9] =	ssyncadd.s32 $0xFFFFB180  }
.LBB2_2:
0x1d: {  	s17 =	sshra.s32 s16, $0x2  }
0x1e: {  	v16 =	vld [tilespmem:s17+$0x0]  }
0x1f: {  	v17 =	vld [tilespmem:s17+$0x2800];
	_ =	sdelay $0x3  }
0x20: {  	v16 =	vshll.u32 v16, $0x1  }
0x21: {  	v17 =	vshll.u32 v17, $0x1  }
0x22: {  	v18 =	vor.u32 $0x1, v16  }
0x23: {  	v19 =	vor.u32 $0x1, v17;
	_ =	sdelay $0x1  }
0x24: {  	v16 =	vld.idx.msk [tilespmem:v16+s11+$0x0], $0xffff  }
0x25: {  	v17 =	vld.idx.msk [tilespmem:v17+s12+$0x0], $0xffff  }
0x26: {  	v18 =	vld.idx.msk [tilespmem:v18+s11+$0x0], $0xffff  }
0x27: {  	v19 =	vld.idx.msk [tilespmem:v19+s12+$0x0], $0xffff;
	_ =	sdelay $0x3  }
0x28: {  	v16 =	vadd.f32 v17, v16  }
0x29: {  	v17 =	vadd.f32 v19, v18  }
0x2a: {  	[tilespmem:v0+s13+$0x0] =	vst.idx.msk $0xffff, v16  }
0x2b: {  	[tilespmem:v1+s13+$0x0] =	vst.idx.msk $0xffff, v17  }
0x2c: {  	v16 =	vld [tilespmem:s17+$0x10]  }
0x2d: {  	v17 =	vld [tilespmem:s17+$0x2810];
	_ =	sdelay $0x3  }
0x2e: {  	v16 =	vshll.u32 v16, $0x1  }
0x2f: {  	v17 =	vshll.u32 v17, $0x1  }
0x30: {  	v50 =	vor.u32 $0x1, v16  }
0x31: {  	v51 =	vor.u32 $0x1, v17;
	_ =	sdelay $0x1  }
0x32: {  	v16 =	vld.idx.msk [tilespmem:v16+s11+$0x0], $0xffff  }
0x33: {  	v17 =	vld.idx.msk [tilespmem:v17+s12+$0x0], $0xffff  }
0x34: {  	v18 =	vld.idx.msk [tilespmem:v50+s11+$0x0], $0xffff  }
0x35: {  	v19 =	vld.idx.msk [tilespmem:v51+s12+$0x0], $0xffff;
	_ =	sdelay $0x3  }
0x36: {  	v16 =	vadd.f32 v17, v16  }
0x37: {  	v17 =	vadd.f32 v19, v18  }
0x38: {  	[tilespmem:v2+s13+$0x0] =	vst.idx.msk $0xffff, v16  }
0x39: {  	[tilespmem:v3+s13+$0x0] =	vst.idx.msk $0xffff, v17  }
0x3a: {  	v16 =	vld [tilespmem:s17+$0x20]  }
0x3b: {  	v17 =	vld [tilespmem:s17+$0x2820];
	_ =	sdelay $0x3  }
0x3c: {  	v16 =	vshll.u32 v16, $0x1  }
0x3d: {  	v17 =	vshll.u32 v17, $0x1  }
0x3e: {  	v52 =	vor.u32 $0x1, v16  }
0x3f: {  	v53 =	vor.u32 $0x1, v17;
	_ =	sdelay $0x1  }
0x40: {  	v16 =	vld.idx.msk [tilespmem:v16+s11+$0x0], $0xffff  }
0x41: {  	v17 =	vld.idx.msk [tilespmem:v17+s12+$0x0], $0xffff  }
0x42: {  	v18 =	vld.idx.msk [tilespmem:v52+s11+$0x0], $0xffff  }
0x43: {  	v19 =	vld.idx.msk [tilespmem:v53+s12+$0x0], $0xffff;
	_ =	sdelay $0x3  }
0x44: {  	v16 =	vadd.f32 v17, v16  }
0x45: {  	v17 =	vadd.f32 v19, v18  }
0x46: {  	[tilespmem:v4+s13+$0x0] =	vst.idx.msk $0xffff, v16  }
0x47: {  	[tilespmem:v5+s13+$0x0] =	vst.idx.msk $0xffff, v17  }
0x48: {  	v16 =	vld [tilespmem:s17+$0x30]  }
0x49: {  	v17 =	vld [tilespmem:s17+$0x2830];
	_ =	sdelay $0x3  }
0x4a: {  	v16 =	vshll.u32 v16, $0x1  }
0x4b: {  	v17 =	vshll.u32 v17, $0x1  }
0x4c: {  	v54 =	vor.u32 $0x1, v16  }
0x4d: {  	v55 =	vor.u32 $0x1, v17;
	_ =	sdelay $0x1  }
0x4e: {  	v16 =	vld.idx.msk [tilespmem:v16+s11+$0x0], $0xffff  }
0x4f: {  	v17 =	vld.idx.msk [tilespmem:v17+s12+$0x0], $0xffff  }
0x50: {  	v18 =	vld.idx.msk [tilespmem:v54+s11+$0x0], $0xffff  }
0x51: {  	v19 =	vld.idx.msk [tilespmem:v55+s12+$0x0], $0xffff;
	_ =	sdelay $0x3  }
0x52: {  	v16 =	vadd.f32 v17, v16  }
0x53: {  	v17 =	vadd.f32 v19, v18  }
0x54: {  	[tilespmem:v6+s13+$0x0] =	vst.idx.msk $0xffff, v16  }
0x55: {  	[tilespmem:v7+s13+$0x0] =	vst.idx.msk $0xffff, v17  }
0x56: {  	v16 =	vld [tilespmem:s17+$0x40]  }
0x57: {  	v17 =	vld [tilespmem:s17+$0x2840];
	_ =	sdelay $0x3  }
0x58: {  	v16 =	vshll.u32 v16, $0x1  }
0x59: {  	v17 =	vshll.u32 v17, $0x1  }
0x5a: {  	v56 =	vor.u32 $0x1, v16  }
0x5b: {  	v57 =	vor.u32 $0x1, v17;
	_ =	sdelay $0x1  }
0x5c: {  	v16 =	vld.idx.msk [tilespmem:v16+s11+$0x0], $0xffff  }
0x5d: {  	v17 =	vld.idx.msk [tilespmem:v17+s12+$0x0], $0xffff  }
0x5e: {  	v18 =	vld.idx.msk [tilespmem:v56+s11+$0x0], $0xffff  }
0x5f: {  	v19 =	vld.idx.msk [tilespmem:v57+s12+$0x0], $0xffff;
	_ =	sdelay $0x3  }
0x60: {  	v16 =	vadd.f32 v17, v16  }
0x61: {  	v17 =	vadd.f32 v19, v18  }
0x62: {  	[tilespmem:v8+s13+$0x0] =	vst.idx.msk $0xffff, v16  }
0x63: {  	[tilespmem:v9+s13+$0x0] =	vst.idx.msk $0xffff, v17  }
0x64: {  	v16 =	vld [tilespmem:s17+$0x50]  }
0x65: {  	v17 =	vld [tilespmem:s17+$0x2850];
	_ =	sdelay $0x3  }
0x66: {  	v16 =	vshll.u32 v16, $0x1  }
0x67: {  	v17 =	vshll.u32 v17, $0x1  }
0x68: {  	v58 =	vor.u32 $0x1, v16  }
0x69: {  	v59 =	vor.u32 $0x1, v17;
	_ =	sdelay $0x1  }
0x6a: {  	v16 =	vld.idx.msk [tilespmem:v16+s11+$0x0], $0xffff  }
0x6b: {  	v17 =	vld.idx.msk [tilespmem:v17+s12+$0x0], $0xffff  }
0x6c: {  	v18 =	vld.idx.msk [tilespmem:v58+s11+$0x0], $0xffff  }
0x6d: {  	v19 =	vld.idx.msk [tilespmem:v59+s12+$0x0], $0xffff;
	_ =	sdelay $0x3  }
0x6e: {  	v16 =	vadd.f32 v17, v16  }
0x6f: {  	v17 =	vadd.f32 v19, v18  }
0x70: {  	[tilespmem:v10+s13+$0x0] =	vst.idx.msk $0xffff, v16  }
0x71: {  	[tilespmem:v11+s13+$0x0] =	vst.idx.msk $0xffff, v17  }
0x72: {  	v16 =	vld [tilespmem:s17+$0x60]  }
0x73: {  	v17 =	vld [tilespmem:s17+$0x2860];
	_ =	sdelay $0x3  }
0x74: {  	v16 =	vshll.u32 v16, $0x1  }
0x75: {  	v17 =	vshll.u32 v17, $0x1  }
0x76: {  	v60 =	vor.u32 $0x1, v16  }
0x77: {  	v61 =	vor.u32 $0x1, v17;
	_ =	sdelay $0x1  }
0x78: {  	v16 =	vld.idx.msk [tilespmem:v16+s11+$0x0], $0xffff  }
0x79: {  	v17 =	vld.idx.msk [tilespmem:v17+s12+$0x0], $0xffff  }
0x7a: {  	v18 =	vld.idx.msk [tilespmem:v60+s11+$0x0], $0xffff  }
0x7b: {  	v19 =	vld.idx.msk [tilespmem:v61+s12+$0x0], $0xffff;
	_ =	sdelay $0x3  }
0x7c: {  	v16 =	vadd.f32 v17, v16  }
0x7d: {  	v17 =	vadd.f32 v19, v18  }
0x7e: {  	[tilespmem:v12+s13+$0x0] =	vst.idx.msk $0xffff, v16  }
0x7f: {  	[tilespmem:v13+s13+$0x0] =	vst.idx.msk $0xffff, v17  }
0x80: {  	v16 =	vld [tilespmem:s17+$0x70]  }
0x81: {  	v17 =	vld [tilespmem:s17+$0x2870];
	_ =	sdelay $0x3  }
0x82: {  	v16 =	vshll.u32 v16, $0x1  }
0x83: {  	v17 =	vshll.u32 v17, $0x1  }
0x84: {  	v62 =	vor.u32 $0x1, v16  }
0x85: {  	v63 =	vor.u32 $0x1, v17;
	_ =	sdelay $0x1  }
0x86: {  	v16 =	vld.idx.msk [tilespmem:v16+s11+$0x0], $0xffff  }
0x87: {  	v17 =	vld.idx.msk [tilespmem:v17+s12+$0x0], $0xffff  }
0x88: {  	v18 =	vld.idx.msk [tilespmem:v62+s11+$0x0], $0xffff  }
0x89: {  	v19 =	vld.idx.msk [tilespmem:v63+s12+$0x0], $0xffff;
	_ =	sdelay $0x3  }
0x8a: {  	v16 =	vadd.f32 v17, v16  }
0x8b: {  	v17 =	vadd.f32 v19, v18  }
0x8c: {  	p0 =	sne.s32 s16, $0x9C00;
	[tilespmem:v14+s13+$0x0] =	vst.idx.msk $0xffff, v16  }
.Ltmp0:
0x8d: {  	[tilespmem:v15+s13+$0x0] =	vst.idx.msk $0xffff, v17;
	(pc) =	sbr.rel @p0 .LBB2_2-.Ltmp0, $4  }
0x8e: {  	[hbm4b:s15+s2] =	stream.linear.scatter [tilespmem:s13], [sflag:$0x1], $0x100, $0x38;
	[tilespmem:$0xEE00] =	vst v63  }
0x8f: {  	_ =	swait.ge [sflag:s9], $0x100  }
0x90: {  	[sflag:s9] =	ssyncset.done $0x0  }
0x91: {  	s16 =	sadd.s32 $0x200, s16;
	s15 =	sadd.s32 $0x20, s15;
	[sflag:s9] =	ssyncadd.s32 $0xFFFFFF00  }
0x92: {  	s14 =	sadd.s32 $0x1, s14  }
0x93: {  	p0 =	sne.s32 s14, s7  }
.Ltmp1:
0x94: {  	_ = 	snop;
	(pc) =	sbr.rel @p0 .LBB2_1-.Ltmp1, $1  }
0x95: {  	_ =	sdelay $0x3  }
0x96: {  	_ =	sfence.sel $0x180000  }
0x97: {  	[bflag:$0x0] =	sbarrier.arrive $0xFFFF  }
0x98: {  	p0 =	sne.s32 s0, $0x0;
	_ =	strace $0x90000050  }
0x99: {  	s0 =	sadd.s32 @!p0 $0x100000, s1;
	[bflag:$0x2] =	sbarrier.arrive $0xFFFF  }
0x9a: {  	[sflag:s0] =	ssyncadd.tile.s32 @!p0 $0x1;
	_ =	shalt  }
.Lfunc_end2:
_tile_overlayer_lowered:
.L_overlay_start_2:
0x9b: {  	(tag) =	ssettag $0x2  }
0x9c: {  	s0 =	rddreg [dreg:$0x0];
	s2 =	stileid.u32  }
0x9d: {  	s1 =	rddreg [dreg:$0x1];
	p0 =	sne.s32 s2, $0x0  }
0x9e: {  	s3 =	rddreg [dreg:$0x2];
	[bflag:$0x3] =	sbarrier.arrive $0xFFFF;
	s2 =	simm.s32 @!p0 $0x1C01  }
0x9f: {  	[timem:s3], [sflag:s2] =	dma.local @!p0 [hbm:s0], s1  }
0xa0: {  	s0 =	simm.s32 @!p0 $0x1  }
0xa1: {  	_ =	swait.ge @!p0 [sflag:s0], s1  }
0xa2: {  	s1 =	ssub.s32 @!p0 $0x0, s1;
	[sflag:s0] =	ssyncset.done @!p0 $0x0  }
0xa3: {  	[sflag:s0] =	ssyncadd.s32 @!p0 s1  }
0xa4: {  	[bflag:$0x3] =	sbarrier.arrive $0xFFFF  }
0xa5: {  	_ =	shalt  }

// kernel: kernel.9.cloned.1.call-start
scs
__scs_entry_jumppad:
0x0: {  	(pc) =	sbr.rel $0x88, $3  }
0x1: {  	(tag) =	ssettag $0x0;
	lr =	simm.s32 $0x1  }
0x2: {  	[smem:$0x3F93] =	sst lr;
	_ =	strace $0xD0000000  }
0x3: {  	_ = 	snop  }
0x4: {  	_ = 	snop  }
0x5: {  	_ = 	snop  }
0x6: {  	_ = 	snop  }
0x7: {  	_ = 	snop  }
__scs_overlays_trampoline_lowered:
0x8: {  	[smem:$0x3FA2] =	sst s0  }
0x9: {  	[smem:$0x3FA3] =	sst s1  }
0xa: {  	[smem:$0x3FA4] =	sst s2  }
0xb: {  	[smem:$0x3FA5] =	sst s3  }
0xc: {  	[smem:$0x3FA6] =	sst s4  }
0xd: {  	[smem:$0x3FA7] =	sst s5  }
0xe: {  	[smem:$0x3FA8] =	sst s6  }
0xf: {  	[smem:$0x3FA9] =	sst s7  }
0x10: {  	[smem:$0x3FAA] =	sst s8  }
0x11: {  	[smem:$0x3FAB] =	sst s9;
	s0 =	simm.s32 @!p0 $0x0  }
0x12: {  	s1 =	sld [smem:$0x3F91];
	s0 =	simm.s32 @p0 $0x1  }
0x13: {  	[smem:$0x3FAC] =	sst s0;
	s0 =	simm.s32 @!p1 $0x0  }
0x14: {  	s2 =	sld [smem:$0x3F90];
	s0 =	simm.s32 @p1 $0x1  }
0x15: {  	[smem:$0x3FAD] =	sst s0;
	s0 =	simm.s32 @!p2 $0x0  }
0x16: {  	s3 =	sld [smem:$0x3FDB];
	s0 =	simm.s32 @p2 $0x1  }
0x17: {  	s4 =	simm.s32 $0x1BF5;
	[smem:$0x3FAF] =	sst s0  }
0x18: {  	s0 =	sld [smem:$0x3F92];
	_ =	swait.ge [sflag:s4], $0x0  }
0x19: {  	s7 =	sld [smem:$0x3F93]  }
0x1a: {  	s8 =	sadd.s32 $0xFFFFE003, lr  }
0x1b: {  	s9 =	sadd.s32 $0xFFFFFEF7, lr;
	s5 =	simm.s32 $0xFFFFFFFF;
	p2 =	slt.u32 s8, $0xFFFFF086  }
0x1c: {  	p1 =	slt.u32 s9, $0xF7A;
	s5 =	simm.s32 @!p2 $0x0  }
0x1d: {  	s5 =	simm.s32 @p1 $0x1;
	p0 =	seq.s32 s7, s2  }
0x1e: {  	s7 =	smul.u32 @!p0 $0xF7A, s2;
	p2 =	seq.s32 @!p0 s5, $0x0  }
0x1f: {  	s9 =	smul.u32 $0xF7A, s1;
	s8 =	simm.s32 @!p0 $0x1BF5;
	p2 =	por !p2, p0  }
0x20: {  	[sflag:s8] =	ssyncset.s32 @!p0 $0xFFFFF086;
	s6 =	sadd.s32 @!p0 s3, s7;
	s7 =	simm.s32 @!p0 $0x108  }
0x21: {  	s3 =	sadd.s32 s3, s9;
	s6 =	sadd.s32 @!p0 $0x88, s6;
	s7 =	simm.s32 @p2 $0x1082  }
0x22: {  	[simem:s7], [sflag:s8] =	dma.local @!p0 [hbm:s6], $0xF7A  }
0x23: {  	s9 =	sor.u32 $0xD0000000, s2;
	s6 =	simm.s32 $0x108;
	_ =	swait.ge @!p0 [sflag:s8], $0x0  }
0x24: {  	s3 =	sadd.s32 $0x88, s3;
	s6 =	simm.s32 @!p1 $0x1082;
	[sflag:s4] =	ssyncset.s32 $0xFFFFF086  }
0x25: {  	[simem:s6], [sflag:s4] =	dma.local [hbm:s3], $0xF7A  }
0x26: {  	[smem:$0x3F93] =	sst s1;
	(tag) =	ssettag s2;
	_ =	strace s9  }
0x27: {  	s1 =	sld [smem:$0x3FA3]  }
0x28: {  	s2 =	sld [smem:$0x3FA4]  }
0x29: {  	s4 =	sld [smem:$0x3FA6]  }
0x2a: {  	p0 =	seq.s32 s5, $0x0;
	s5 =	sld [smem:$0x3FA7]  }
0x2b: {  	s6 =	sld [smem:$0x3FA8]  }
0x2c: {  	s7 =	sld [smem:$0x3FA9]  }
0x2d: {  	s3 =	simm.s32 $0x108;
	s8 =	sld [smem:$0x3FAA]  }
0x2e: {  	s3 =	simm.s32 @!p0 $0x1082;
	s9 =	sld [smem:$0x3FAB]  }
0x2f: {  	lr =	sadd.s32 s0, s3;
	s0 =	sld [smem:$0x3FA2]  }
0x30: {  	s3 =	sld [smem:$0x3FA5]  }
0x31: {  	[smem:$0x3FAE] =	sst s10  }
0x32: {  	s10 =	sld [smem:$0x3FAC];
	_ =	sdelay $0x3  }
0x33: {  	p0 =	seq.s32 s10, $0x1;
	s10 =	sld [smem:$0x3FAE];
	_ =	sdelay $0x3  }
0x34: {  	[smem:$0x3FAE] =	sst s10  }
0x35: {  	s10 =	sld [smem:$0x3FAD];
	_ =	sdelay $0x3  }
0x36: {  	p1 =	seq.s32 s10, $0x1;
	s10 =	sld [smem:$0x3FAE];
	_ =	sdelay $0x3  }
0x37: {  	[smem:$0x3FAE] =	sst s10  }
0x38: {  	s10 =	sld [smem:$0x3FAF]  }
0x39: {  	_ = 	snop;
	(pc) =	sbr.ind lr, $3  }
0x3a: {  	_ = 	snop  }
0x3b: {  	_ = 	snop  }
0x3c: {  	p2 =	seq.s32 s10, $0x1;
	s10 =	sld [smem:$0x3FAE]  }
0x3d: {  	_ =	shalt  }
0x3e: {  	_ =	shalt  }
0x3f: {  	_ =	shalt  }
0x40: {  	_ =	shalt  }
0x41: {  	_ =	shalt  }
0x42: {  	_ =	shalt  }
0x43: {  	_ =	shalt  }
0x44: {  	_ =	shalt  }
0x45: {  	_ =	shalt  }
0x46: {  	_ =	shalt  }
0x47: {  	_ =	shalt  }
0x48: {  	_ =	shalt  }
0x49: {  	_ =	shalt  }
0x4a: {  	_ =	shalt  }
0x4b: {  	_ =	shalt  }
0x4c: {  	_ =	shalt  }
0x4d: {  	_ =	shalt  }
0x4e: {  	_ =	shalt  }
0x4f: {  	_ =	shalt  }
0x50: {  	_ =	shalt  }
0x51: {  	_ =	shalt  }
0x52: {  	_ =	shalt  }
0x53: {  	_ =	shalt  }
0x54: {  	_ =	shalt  }
0x55: {  	_ =	shalt  }
0x56: {  	_ =	shalt  }
0x57: {  	_ =	shalt  }
0x58: {  	_ =	shalt  }
0x59: {  	_ =	shalt  }
0x5a: {  	_ =	shalt  }
0x5b: {  	_ =	shalt  }
0x5c: {  	_ =	shalt  }
0x5d: {  	_ =	shalt  }
0x5e: {  	_ =	shalt  }
0x5f: {  	_ =	shalt  }
0x60: {  	_ =	shalt  }
0x61: {  	_ =	shalt  }
0x62: {  	_ =	shalt  }
0x63: {  	_ =	shalt  }
0x64: {  	_ =	shalt  }
0x65: {  	_ =	shalt  }
0x66: {  	_ =	shalt  }
0x67: {  	_ =	shalt  }
0x68: {  	_ =	shalt  }
0x69: {  	_ =	shalt  }
0x6a: {  	_ =	shalt  }
0x6b: {  	_ =	shalt  }
0x6c: {  	_ =	shalt  }
0x6d: {  	_ =	shalt  }
0x6e: {  	_ =	shalt  }
0x6f: {  	_ =	shalt  }
0x70: {  	_ =	shalt  }
0x71: {  	_ =	shalt  }
0x72: {  	_ =	shalt  }
0x73: {  	_ =	shalt  }
0x74: {  	_ =	shalt  }
0x75: {  	_ =	shalt  }
0x76: {  	_ =	shalt  }
0x77: {  	_ =	shalt  }
0x78: {  	_ =	shalt  }
0x79: {  	_ =	shalt  }
0x7a: {  	_ =	shalt  }
0x7b: {  	_ =	shalt  }
0x7c: {  	_ =	shalt  }
0x7d: {  	_ =	shalt  }
0x7e: {  	_ =	shalt  }
0x7f: {  	_ =	shalt  }
0x80: {  	_ =	shalt  }
0x81: {  	_ =	shalt  }
0x82: {  	_ =	shalt  }
0x83: {  	_ =	shalt  }
0x84: {  	_ =	shalt  }
0x85: {  	_ =	shalt  }
0x86: {  	_ =	shalt  }
0x87: {  	_ =	shalt  }
.Lfunc_end0:
.L_simem_size_0:
called_computation_lowered:
.L_overlay_start_0:
0x88: {  	s2 =	sld [smem:$0x3FD9]  }
0x89: {  	s3 =	sld [smem:$0x3FFE];
	_ =	sdelay $0x1  }
0x8a: {  	s1 =	srdreg.scid  }
0x8b: {  	s0 =	sand.u32 $0x1, s1  }
0x8c: {  	s17 =	sshll.u32 s0, $0xA;
	s2 =	sadd.s32 s3, s2  }
0x8d: {  	s2 =	sadd.s32 s2, s17  }
0x8e: {  	[smem:$0x3FBA] =	sst s2  }
0x8f: {  	_ = 	snop  }
0x90: {  	(tm) =	ssettm $0x1  }
0x91: {  	s18 =	sld [smem:$0x3FFB];
	_ =	sdelay $0x3  }
0x92: {  	_ =	strace s18  }
0x93: {  	s2 =	sld [smem:$0x3FFC];
	_ =	sdelay $0x3  }
0x94: {  	_ =	strace s2  }
0x95: {  	s2 =	sld [smem:$0x3FFD];
	_ =	sdelay $0x3  }
0x96: {  	_ =	strace s2  }
0x97: {  	_ =	strace $0x8FFFFFFF  }
0x98: {  	s19 =	sld [smem:$0x3FDB];
	_ =	sdelay $0x1  }
0x99: {  	s20 =	simm.s32 $_scs_section_size  }
0x9a: {  	s4 =	simm.s32 $_size__tile_overlayer_lowered;
	s5 =	simm.s32 $_tile_overlayer_lowered  }
0x9b: {  	s6 =	simm.s32 $0x1BFF;
	s21 =	sshll.u32 s5, $0x1;
	s3 =	sadd.s32 s20, s19  }
0x9c: {  	s22 =	simm.s32 $0x0;
	s4 =	sshll.u32 s4, $0x1;
	s5 =	sadd.s32 s21, s3  }
0x9d: {  	[timem:s22], [sflag:s6] =	dma.local [hbm:s5], s4  }
0x9e: {  	_ =	swait.ge [sflag:s6], s4  }
0x9f: {  	s4 =	ssub.s32 $0x0, s4;
	[sflag:s6] =	ssyncset.done $0x0  }
0xa0: {  	[sflag:s6] =	ssyncadd.s32 s4;
	_ =	sdelay $0x1  }
0xa1: {  	s23 =	simm.s32 $0x1B8B  }
0xa2: {  	_ =	swait.ge [sflag:s23], $0x1  }
0xa3: {  	[sflag:s23] =	ssyncset.done $0x0  }
0xa4: {  	[sflag:s23] =	ssyncadd.s32 $0xFFFFFFFF  }
0xa5: {  	s4 =	sld [smem:$0x0]  }
0xa6: {  	s5 =	sand.u32 $0xFFFFFFFE, s1  }
0xa7: {  	p0 =	sne.s32 s1, s5  }
0xa8: {  	s5 =	sshll.u32 @p0 s5, $0xE  }
0xa9: {  	s5 =	sadd.s32 @p0 $0x11B8D, s5;
	s6 =	sshll.u32 @p0 s4, $0x11  }
0xaa: {  	s5 =	sor.u32 @p0 s6, s5  }
0xab: {  	[sflag:s5] =	ssyncadd.remote.s32 @p0 $0x1;
	_ =	sdelay $0x1  }
0xac: {  	s5 =	simm.s32 @p0 $0x1B8D  }
0xad: {  	_ =	swait.eq @p0 [sflag:s5], $0x1  }
0xae: {  	[sflag:s5] =	ssyncadd.s32 @p0 $0xFFFFFFFF  }
0xaf: {  	s6 =	sshll.u32 @!p0 s1, $0xE  }
0xb0: {  	s6 =	sor.u32 @!p0 $0x4000, s6;
	s5 =	simm.s32 @!p0 $0x1B8D  }
0xb1: {  	s4 =	sshll.u32 @!p0 s4, $0x11;
	s6 =	sadd.s32 @!p0 $0x11B8D, s6;
	_ =	swait.eq @!p0 [sflag:s5], $0x1  }
0xb2: {  	s4 =	sor.u32 @!p0 s4, s6;
	[sflag:s5] =	ssyncadd.s32 @!p0 $0xFFFFFFFF  }
0xb3: {  	s25 =	simm.s32 $0x1B8E;
	s24 =	sld [smem:$0x3FFE];
	[sflag:s4] =	ssyncadd.remote.s32 @!p0 $0x1  }
0xb4: {  	s26 =	simm.s32 $execute0_lowered;
	[smem:$0x3FD2] =	sst s25  }
0xb5: {  	s5 =	sshll.u32 s26, $0x1;
	_ =	strace $0x80000049;
	[dreg:$0x1] =	wrdreg $0xFFFFFFFF  }
0xb6: {  	s28 =	simm.s32 $_size_execute0_lowered;
	s3 =	sadd.s32 s3, s5;
	[dreg:$0x0] =	wrdreg $0x0  }
0xb7: {  	s5 =	sshll.u32 s28, $0x1;
	[dreg:$0x2] =	wrdreg s3  }
0xb8: {  	[dreg:$0x3] =	wrdreg s5  }
0xb9: {  	[dreg:$0x4] =	wrdreg $0xC0  }
0xba: {  	_ =	task [dreg:s22], $0x5FFFF  }
0xbb: {  	[dreg:$0x1] =	wrdreg $0xFFFFFFFF  }
0xbc: {  	[dreg:$0x0] =	wrdreg $0x60  }
0xbd: {  	[dreg:$0x2] =	wrdreg s24  }
0xbe: {  	[dreg:$0x3] =	wrdreg $0x82000  }
0xbf: {  	[dreg:$0x4] =	wrdreg $0x9  }
0xc0: {  	_ =	task.clear_ibuf [dreg:s22], $0x5FFFF;
	_ =	strace $0x90000049  }
0xc1: {  	s29 =	simm.s32 $0x9;
	_ =	strace $0x8000004B  }
0xc2: {  	_ =	swait.ge [sflag:s29], $0x1  }
0xc3: {  	[sflag:s29] =	ssyncadd.s32 $0xFFFFFFFF  }
0xc4: {  	_ =	strace $0x9000004B  }
0xc5: {  	_ =	sfence  }
0xc6: {  	s30 =	sld [smem:$0x0];
	_ =	sdelay $0x2  }
0xc7: {  	s31 =	sshll.u32 s1, $0xD;
	s1 =	sshrl.u32 s1, $0x2  }
0xc8: {  	s4 =	sand.u32 $0x4000, s31;
	s1 =	sadd.s32 s1, s30  }
0xc9: {  	s0 =	sor.u32 s4, s0;
	s1 =	sshll.u32 s1, $0x11  }
0xca: {  	s0 =	sor.u32 s1, s0  }
0xcb: {  	s0 =	sadd.s32 $0x8F2B, s0  }
0xcc: {  	[sflag:s0] =	ssyncadd.remote.s32 $0x1  }
0xcd: {  	_ =	sfence.sel $0xFFFF  }
0xce: {  	[dreg:$0x0] =	wrdreg $0xFFFFFFFF;
	(pc) =	sbr.abs _section_cstart, $3  }
0xcf: {  	[dreg:$0x1] =	wrdreg $0xFFFFFFFF  }
0xd0: {  	_ =	task.clear_ibuf [dreg:s22], $0x2FFFF;
	_ =	strace $0x9FFFFFFF  }
0xd1: {  	(tm) =	ssettm $0x7FFFFFFF  }
tec
execute0_lowered:
.L_overlay_start_1:
0x0: {  	(tag) =	ssettag $0x1  }
0x1: {  	s1 =	stileid.u32  }
0x2: {  	s6 =	rddreg [dreg:$0x0];
	s7 =	smul.u32 $0x13C00, s1  }
0x3: {  	s2 =	rddreg [dreg:$0x1];
	s20 =	smul.u32 $0x4F000, s1  }
0x4: {  	s3 =	simm.s32 $0x0;
	s4 =	srdreg.scid;
	s15 =	smul.u32 $0x4F00, s1  }
0x5: {  	[smem:$0x7FF] =	sst s3;
	s8 =	sand.u32 $0x1, s4;
	s25 =	smul.u32 $0x13C000, s1  }
0x6: {  	s4 =	sadd.s32 $0xD4A00, s6;
	s5 =	sadd.s32 $0xA98A00, s6;
	s9 =	smul.u32 $0x13C000, s8  }
0x7: {  	s24 =	sshll.u32 s1, $0x6;
	_ =	strace $0x8000004A;
	s14 =	smul.u32 $0x4F000, s8  }
0x8: {  	s11 =	sshll.u32 s8, $0x4;
	s21 =	ssub.s32 $0x2, s8;
	s23 =	smul.u32 $0x13C0000, s8  }
0x9: {  	s10 =	sshrl.u32 s7, $0x3;
	s19 =	sor.u32 s1, s11;
	s22 =	sshrl.u32 s21, $0x1  }
0xa: {  	s11 =	sshrl.u32 s20, $0x2;
	s20 =	simm.s32 $0x100;
	s7 =	sadd.s32 s7, s9  }
0xb: {  	s10 =	sadd.s32 s10, s6;
	s12 =	smul.u32 $0x4F00, s19;
	s16 =	ssub.s32 s21, s22  }
0xc: {  	s17 =	sadd.s32 s11, s2;
	s9 =	smul.u32 $0x27800, s19;
	s14 =	sadd.s32 s15, s14  }
0xd: {  	s28 =	sadd.s32 s25, s23;
	s19 =	simm.s32 $0x4200;
	s21 =	simm.s32 $0x1  }
0xe: {  	s22 =	simm.s32 $0x80;
	s23 =	simm.s32 $0x2;
	s25 =	simm.s32 $0x0  }
0xf: {  	s7 =	sshrl.u32 s7, $0x3;
	s29 =	sadd.s32 $0x100, s14;
	s30 =	sadd.s32 $0x4000, s28  }
0x10: {  	s11 =	smax.u32 s16, $0x1;
	s14 =	sadd.s32 $0x200, s14;
	s15 =	sadd.s32 $0x8000, s28  }
0x11: {  	s16 =	sshrl.u32 s17, $0x3;
	s17 =	simm.s32 $0x3;
	s13 =	sadd.s32 s7, s6  }
0x12: {  	s6 =	sadd.s32 $0x5E200, s10;
	s7 =	sor.u32 $0x1C03, s24;
	s26 =	sshrl.u32 s12, $0x3  }
0x13: {  	s9 =	sadd.s32 s5, s9;
	s31 =	sshrl.u32 s29, $0x3;
	s18 =	sshrl.u32 s30, $0x3  }
0x14: {  	s24 =	simm.s32 $0x180;
	s8 =	sadd.s32 s4, s26;
	s10 =	sadd.s32 $0xE8600, s13  }
0x15: {  	s12 =	sadd.s32 s31, s4;
	s13 =	sadd.s32 s18, s5;
	s18 =	simm.s32 $0x200  }
.LBB2_1:
0x16: {  	[spmem:s16], [sflag:s7] =	dma.local [hbm:s6], $0x2780  }
0x17: {  	_ =	swait.ge [sflag:s17], $0x2780  }
0x18: {  	[sflag:s17] =	ssyncset.done $0x0  }
0x19: {  	[sflag:s17] =	ssyncadd.s32 $0xFFFFD880  }
0x1a: {  	[bflag:$0x0] =	sbarrier.arrive $0xFFFF  }
0x1b: {  	[tilespmem:s3], [sflag:$0x3] =	stream.linear.gather [hbm4b:s8+s3], $0x100, $0x38;
	[tilespmem:$0x1BE00] =	vst v63  }
0x1c: {  	_ =	swait.ge [sflag:s17], $0x100  }
0x1d: {  	[sflag:s17] =	ssyncset.done $0x0  }
0x1e: {  	[sflag:s17] =	ssyncadd.s32 $0xFFFFFF00  }
0x1f: {  	[tilespmem:s18], [sflag:$0x1] =	stream.linear.gather [hbm4b:s9+s3], $0x4000, $0x38;
	[tilespmem:$0x1BE00] =	vst v63  }
0x20: {  	_ = 	snop  }
0x21: {  	[tilespmem:s19], [sflag:$0x2] =	stream.linear.gather [hbm4b:s13+s3], $0x4000, $0x38;
	[tilespmem:$0x1BE00] =	vst v63  }
0x22: {  	s26 =	sadd.s32 $0x0, s12  }
0x23: {  	[tilespmem:s20], [sflag:$0x3] =	stream.linear.gather [hbm4b:s26+s3], $0x100, $0x38;
	[tilespmem:$0x1BE00] =	vst v63  }
0x24: {  	_ =	swait.ge [sflag:s17], $0x100  }
0x25: {  	[sflag:s17] =	ssyncset.done $0x0  }
0x26: {  	[sflag:s17] =	ssyncadd.s32 $0xFFFFFF00  }
0x27: {  	_ =	swait.ge [sflag:s21], $0x4000  }
0x28: {  	[sflag:s21] =	ssyncset.done $0x0  }
0x29: {  	[sflag:s21] =	ssyncadd.s32 $0xFFFFC000  }
0x2a: {  	[spmem:s2] =	stream.indirect.scatter.add.f32 [tilespmem:s18], [sflag:$0x3], $0x80, s22, s22, $0xb8;
	[tilespmem:$0x1BE00] =	vst v63  }
0x2b: {  	_ =	swait.ge [sflag:s17], $0x4000  }
0x2c: {  	s0 =	sshrl.u32 s15, $0x3;
	[sflag:s17] =	ssyncset.done $0x0  }
0x2d: {  	s28 =	sshrl.u32 s14, $0x3;
	s26 =	sadd.s32 s5, s0;
	[sflag:s17] =	ssyncadd.s32 $0xFFFFC000  }
0x2e: {  	[tilespmem:s18], [sflag:$0x1] =	stream.linear.gather [hbm4b:s26+s3], $0x4000, $0x38;
	[tilespmem:$0x1BE00] =	vst v63  }
0x2f: {  	s31 =	sadd.s32 s4, s28  }
0x30: {  	[tilespmem:s3], [sflag:$0x3] =	stream.linear.gather [hbm4b:s31+s3], $0x100, $0x38;
	[tilespmem:$0x1BE00] =	vst v63  }
0x31: {  	_ =	swait.ge [sflag:s17], $0x100  }
0x32: {  	[sflag:s17] =	ssyncset.done $0x0  }
0x33: {  	[sflag:s17] =	ssyncadd.s32 $0xFFFFFF00  }
0x34: {  	_ =	swait.ge [sflag:s23], $0x4000  }
0x35: {  	[sflag:s23] =	ssyncset.done $0x0  }
0x36: {  	[sflag:s23] =	ssyncadd.s32 $0xFFFFC000  }
0x37: {  	[spmem:s2] =	stream.indirect.scatter.add.f32 [tilespmem:s19], [sflag:$0x3], $0x80, s24, s22, $0xb8;
	[tilespmem:$0x1BE00] =	vst v63  }
0x38: {  	s29 =	smov.u32 s13;
	s30 =	smov.u32 s14;
	_ =	swait.ge [sflag:s17], $0x4000  }
0x39: {  	s28 =	sadd.s32 $0x8000, s15;
	s26 =	simm.s32 $0x40;
	[sflag:s17] =	ssyncset.done $0x0  }
.LBB2_2:
0x3a: {  	[sflag:s17] =	ssyncadd.s32 $0xFFFFC000;
	s29 =	sadd.s32 $0x1000, s29;
	s30 =	sadd.s32 $0x200, s30  }
0x3b: {  	[tilespmem:s19], [sflag:$0x2] =	stream.linear.gather [hbm4b:s29+s3], $0x4000, $0x38;
	[tilespmem:$0x1BE00] =	vst v63  }
0x3c: {  	s31 =	sadd.s32 s26, s12;
	p0 =	sne.s32 s26, $0x980;
	s26 =	sadd.s32 $0x40, s26  }
0x3d: {  	[tilespmem:s20], [sflag:$0x3] =	stream.linear.gather [hbm4b:s31+s3], $0x100, $0x38;
	[tilespmem:$0x1BE00] =	vst v63  }
0x3e: {  	_ =	swait.ge [sflag:s17], $0x100  }
0x3f: {  	[sflag:s17] =	ssyncset.done $0x0  }
0x40: {  	[sflag:s17] =	ssyncadd.s32 $0xFFFFFF00  }
0x41: {  	_ =	swait.ge [sflag:s21], $0x4000  }
0x42: {  	[sflag:s21] =	ssyncset.done $0x0  }
0x43: {  	[sflag:s21] =	ssyncadd.s32 $0xFFFFC000  }
0x44: {  	[spmem:s2] =	stream.indirect.scatter.add.f32 [tilespmem:s18], [sflag:$0x3], $0x80, s22, s22, $0xb8;
	[tilespmem:$0x1BE00] =	vst v63  }
0x45: {  	_ =	swait.ge [sflag:s17], $0x4000  }
0x46: {  	s31 =	sshrl.u32 s28, $0x3;
	[sflag:s17] =	ssyncset.done $0x0  }
0x47: {  	s0 =	sshrl.u32 s30, $0x3;
	s31 =	sadd.s32 s5, s31;
	[sflag:s17] =	ssyncadd.s32 $0xFFFFC000  }
0x48: {  	[tilespmem:s18], [sflag:$0x1] =	stream.linear.gather [hbm4b:s31+s3], $0x4000, $0x38;
	[tilespmem:$0x1BE00] =	vst v63  }
0x49: {  	s0 =	sadd.s32 s4, s0  }
0x4a: {  	[tilespmem:s3], [sflag:$0x3] =	stream.linear.gather [hbm4b:s0+s3], $0x100, $0x38;
	[tilespmem:$0x1BE00] =	vst v63  }
0x4b: {  	_ =	swait.ge [sflag:s17], $0x100  }
0x4c: {  	[sflag:s17] =	ssyncset.done $0x0  }
0x4d: {  	[sflag:s17] =	ssyncadd.s32 $0xFFFFFF00  }
0x4e: {  	_ =	swait.ge [sflag:s23], $0x4000  }
.Ltmp0:
0x4f: {  	[sflag:s23] =	ssyncset.done $0x0;
	(pc) =	sbr.rel @p0 .LBB2_2-.Ltmp0, $4  }
0x50: {  	[sflag:s23] =	ssyncadd.s32 $0xFFFFC000  }
0x51: {  	[spmem:s2] =	stream.indirect.scatter.add.f32 [tilespmem:s19], [sflag:$0x3], $0x80, s24, s22, $0xb8;
	[tilespmem:$0x1BE00] =	vst v63  }
0x52: {  	_ =	swait.ge [sflag:s17], $0x4000  }
0x53: {  	s28 =	sadd.s32 $0x8000, s28;
	[sflag:s17] =	ssyncset.done $0x0  }
0x54: {  	[sflag:s17] =	ssyncadd.s32 $0xFFFFC000  }
0x55: {  	_ =	swait.ge [sflag:s21], $0x4000  }
0x56: {  	[sflag:s21] =	ssyncset.done $0x0  }
0x57: {  	[sflag:s21] =	ssyncadd.s32 $0xFFFFC000  }
0x58: {  	[spmem:s2] =	stream.indirect.scatter.add.f32 [tilespmem:s18], [sflag:$0x3], $0x80, s22, s22, $0xb8;
	[tilespmem:$0x1BE00] =	vst v63  }
0x59: {  	_ =	swait.ge [sflag:s17], $0x4000  }
0x5a: {  	s25 =	sadd.s32 $0x1, s25;
	[sflag:s17] =	ssyncset.done $0x0  }
0x5b: {  	p0 =	sne.s32 s25, s11;
	[sflag:s17] =	ssyncadd.s32 $0xFFFFC000  }
.Ltmp1:
0x5c: {  	[bflag:$0x0] =	sbarrier.arrive $0xFFFF;
	(pc) =	sbr.rel @p0 .LBB2_1-.Ltmp1, $4  }
0x5d: {  	[hbm:s10], [sflag:s7] =	dma.local [spmem:s16], $0x2780  }
0x5e: {  	_ =	swait.ge [sflag:s17], $0x2780  }
0x5f: {  	[sflag:s17] =	ssyncset.done $0x0  }
0x60: {  	[sflag:s17] =	ssyncadd.s32 $0xFFFFD880  }
0x61: {  	_ =	sfence.sel $0x180000  }
0x62: {  	[bflag:$0x0] =	sbarrier.arrive $0xFFFF  }
0x63: {  	_ =	strace $0x9000004A  }
0x64: {  	[bflag:$0x2] =	sbarrier.arrive $0xFFFF  }
0x65: {  	p0 =	sne.s32 s1, $0x0;
	s0 =	rddreg [dreg:$0x2]  }
0x66: {  	s0 =	sadd.s32 @!p0 $0x100000, s0  }
0x67: {  	[sflag:s0] =	ssyncadd.tile.s32 @!p0 $0x1;
	_ =	shalt  }
.Lfunc_end2:
_tile_overlayer_lowered:
.L_overlay_start_2:
0x68: {  	(tag) =	ssettag $0x2  }
0x69: {  	s0 =	rddreg [dreg:$0x0];
	s2 =	stileid.u32  }
0x6a: {  	s1 =	rddreg [dreg:$0x1];
	p0 =	sne.s32 s2, $0x0  }
0x6b: {  	s3 =	rddreg [dreg:$0x2];
	[bflag:$0x3] =	sbarrier.arrive $0xFFFF;
	s2 =	simm.s32 @!p0 $0x1C03  }
0x6c: {  	[timem:s3], [sflag:s2] =	dma.local @!p0 [hbm:s0], s1  }
0x6d: {  	s0 =	simm.s32 @!p0 $0x3  }
0x6e: {  	_ =	swait.ge @!p0 [sflag:s0], s1  }
0x6f: {  	s1 =	ssub.s32 @!p0 $0x0, s1;
	[sflag:s0] =	ssyncset.done @!p0 $0x0  }
0x70: {  	[sflag:s0] =	ssyncadd.s32 @!p0 s1  }
0x71: {  	[bflag:$0x3] =	sbarrier.arrive $0xFFFF  }
0x72: {  	_ =	shalt  }

</sc_bundles>
